<compile_context>
chip_gen: v7x
topology: tpu7x:2x2x1
jax: 0.10.2.dev20260603
libtpu: 0.0.44.dev20260713+nightly
codegen_flags: <defaults>
</compile_context>

<pallas_src>
import functools

import jax
import jax.numpy as jnp
from jax import lax
from jax.experimental import pallas as pl
from jax.experimental.pallas import tpu as pltpu
from jax.experimental.pallas import tpu_sc as plsc

_NC = 2
_NS = 16
_NW = _NC * _NS

_TB = 1024


def _means_body(nblk, B, TB, rs_ref, data_ref, out_ref):
    k = pl.program_id(0)
    row = lax.broadcasted_iota(jnp.int32, (1, TB), 1) + k * TB
    rows = []
    for b in range(B):
        lo = rs_ref[b]
        hi = rs_ref[b + 1]
        inv = 1.0 / (hi - lo).astype(jnp.float32)
        inb = (row >= lo) & (row < hi)
        rows.append(jnp.where(inb, inv, 0.0))
    oh = jnp.concatenate(rows, axis=0)
    part = jnp.dot(oh, data_ref[...], preferred_element_type=jnp.float32)

    @pl.when(k == 0)
    def _init():
        out_ref[...] = jnp.zeros_like(out_ref)

    out_ref[...] += part


def _segment_means(data, rs):
    T, D = data.shape
    B = rs.shape[0] - 1
    nblk = T // _TB
    return pl.pallas_call(
        functools.partial(_means_body, nblk, B, _TB),
        grid=(nblk,),
        in_specs=[
            pl.BlockSpec(memory_space=pltpu.SMEM),
            pl.BlockSpec((_TB, D), lambda k: (k, 0)),
        ],
        out_specs=pl.BlockSpec((B, D), lambda k: (0, 0)),
        out_shape=jax.ShapeDtypeStruct((B, D), jnp.float32),
    )(rs, data)


def _gather_means(means, idx3, T, D):
    B = means.shape[0]
    PW = T // _NW
    G = 16
    NG = PW // G
    mesh = plsc.VectorSubcoreMesh(core_axis_name="c", subcore_axis_name="s")

    @functools.partial(
        pl.kernel,
        mesh=mesh,
        out_type=jax.ShapeDtypeStruct((T, D), jnp.float32),
        scratch_types=[
            pltpu.VMEM((NG, G), jnp.int32),
            pltpu.VMEM((B, D), jnp.float32),
            pltpu.SemaphoreType.DMA,
        ],
    )
    def body(means_hbm, idx_hbm, out_hbm, idx_v, means_v, sem0):
        wid = lax.axis_index("s") * _NC + lax.axis_index("c")
        base = wid * PW
        pltpu.sync_copy(idx_hbm.at[wid], idx_v)
        pltpu.sync_copy(means_hbm, means_v)

        def issue_group(g):
            vg = idx_v[g]
            for j in range(G):
                s = vg[j]
                pltpu.async_copy(
                    means_v.at[s], out_hbm.at[base + g * G + j], sem0)

        def drain_group():
            for _ in range(G):
                pltpu.make_async_copy(
                    means_v.at[0], out_hbm.at[base], sem0).wait()

        def loop_body(g, carry):
            issue_group(g)

            @pl.when(g >= 3)
            def _():
                drain_group()

            return carry

        lax.fori_loop(0, NG, loop_body, 0)
        drain_group()
        drain_group()
        drain_group()

    return body(means, idx3)


def kernel(data, rs, indices):
    T, D = data.shape
    idx = indices.reshape(-1).astype(jnp.int32)
    means = _segment_means(data, rs.astype(jnp.int32))
    PW = T // _NW
    idx3 = idx.reshape(_NW, PW // 16, 16)
    return _gather_means(means, idx3, T, D)

# --- scband reference (transcript-rebuilt; emitter-appended) ---
"""Pipeline reference for scband-ragged-sum-and-scatter-13408887898335 (READ-ONLY COPY).

The authoritative reference and input builder live on the scoring server;
editing this copy changes nothing except your own understanding.
"""

import jax, jax.numpy as jnp
import numpy as np

B = 16
T = 16384
D = 2048

def setup_inputs(seed: int = 0) -> dict:
    key = jax.random.key(seed)
    k1, k2, k3 = jax.random.split(key, 3)
    data = jax.random.normal(k1, (T, D), dtype=jnp.float32)
    # Build valid row_splits: strictly increasing, starts at 0, ends at T (no empty segments)
    inner = jnp.sort(jax.random.randint(k2, (B - 1,), 0, T - B)) + jnp.arange(1, B)
    rs = jnp.concatenate([
        jnp.zeros((1,), dtype=jnp.int32),
        inner.astype(jnp.int32),
        jnp.full((1,), T, dtype=jnp.int32),
    ])
    indices = jax.random.randint(k3, (T, 1), 0, B).astype(jnp.int64)
    return {"data": data, "rs": rs, "indices": indices}

def reference(data, rs, indices):
    # RaggedTensor.from_row_splits(data, rs) -> reduce_mean(axis=1)
    Ttok, Dd = data.shape
    nseg = rs.shape[0] - 1
    seg_ids = jnp.searchsorted(rs, jnp.arange(Ttok), side='right') - 1
    seg_ids = jnp.clip(seg_ids, 0, nseg - 1)
    sums = jax.ops.segment_sum(data, seg_ids, num_segments=nseg)
    counts = (rs[1:] - rs[:-1]).astype(data.dtype)
    means = sums / counts[:, None]
    # tf.gather_nd(means, indices) with indices shape [T, 1] selects rows -> [T, D]
    gath = jnp.take(means, indices[:, 0], axis=0)
    # tf.reshape(gath, tf.shape(data))
    return jnp.reshape(gath, data.shape)

if __name__ == "__main__":
    import jax
    _d = setup_inputs()
    print(jax.jit(kernel)(*tuple(_d.values())))

</pallas_src>

<mosaic_0001>
#map = affine_map<(d0, d1) -> (0, 0)>
#map1 = affine_map<(d0, d1) -> (0, 0, 0)>
module attributes {stable_mosaic.version = 14 : i64} {
  func.func @body(%arg0: i32, %arg1: i32, %arg2: memref<16x2048xf32, #tpu.memory_space<hbm>>, %arg3: memref<32x32x16xi32, #tpu.memory_space<hbm>>, %arg4: memref<16384x2048xf32, #tpu.memory_space<hbm>>, %arg5: memref<32x16xi32, #tpu.memory_space<vmem>>, %arg6: memref<16x2048xf32, #tpu.memory_space<vmem>>, %arg7: memref<!tpu.dma_semaphore, #tpu.memory_space<semaphore_mem>>) attributes {dimension_semantics = [#tpu.dimension_semantics<core_parallel>, #tpu.dimension_semantics<subcore_parallel>], iteration_bounds = array<i64: 2, 16>, scalar_prefetch = 0 : i64, scratch_operands = 3 : i64, tpu.core_type = #tpu.core_type<sc_vector_subcore>, window_params = [{transform_indices = #map}, {transform_indices = #map1}, {transform_indices = #map}]} {
    %mul3A = arith.constant 2 : i32
    %mul3A_0 = arith.muli %arg1, %mul3A : i32
    %add3A = arith.addi %mul3A_0, %arg0 : i32
    %mul3A_1 = arith.constant 512 : i32
    %mul3A_2 = arith.muli %add3A, %mul3A_1 : i32
    "tpu.region"() ({
      %run_scoped3A = tpu.sem_alloc : memref<!tpu.dma_semaphore, #tpu.memory_space<semaphore_mem>>
      %dma_start3A = arith.constant 0 : i32
      %dma_start3A_631 = arith.constant 0 : i32
      %dma_start3A_632 = tpu.memref_slice %arg3[%add3A, %dma_start3A, %dma_start3A_631] : memref<32x32x16xi32, #tpu.memory_space<hbm>> -> memref<1x32x16xi32, #tpu.memory_space<hbm>>
      %dma_start3A_633 = tpu.memref_squeeze %dma_start3A_632 : memref<1x32x16xi32, #tpu.memory_space<hbm>> -> memref<32x16xi32, #tpu.memory_space<hbm>>
      %dma_start3A_634 = arith.constant 0 : i32
      %dma_start3A_635 = arith.constant 0 : i32
      %dma_start3A_636 = tpu.memref_slice %arg3[%add3A, %dma_start3A_634, %dma_start3A_635] : memref<32x32x16xi32, #tpu.memory_space<hbm>> -> memref<1x32x16xi32, #tpu.memory_space<hbm>>
      %dma_start3A_637 = tpu.memref_squeeze %dma_start3A_636 : memref<1x32x16xi32, #tpu.memory_space<hbm>> -> memref<32x16xi32, #tpu.memory_space<hbm>>
      tpu.enqueue_dma source(%dma_start3A_637 : memref<32x16xi32, #tpu.memory_space<hbm>>) target(%arg5 : memref<32x16xi32, #tpu.memory_space<vmem>>) target_semaphore(%run_scoped3A : memref<!tpu.dma_semaphore, #tpu.memory_space<semaphore_mem>>)
      %dma_wait3A_638 = arith.constant 0 : i32
      %dma_wait3A_639 = arith.constant 0 : i32
      %dma_wait3A_640 = tpu.memref_slice %arg3[%add3A, %dma_wait3A_638, %dma_wait3A_639] : memref<32x32x16xi32, #tpu.memory_space<hbm>> -> memref<1x32x16xi32, #tpu.memory_space<hbm>>
      %dma_wait3A_641 = tpu.memref_squeeze %dma_wait3A_640 : memref<1x32x16xi32, #tpu.memory_space<hbm>> -> memref<32x16xi32, #tpu.memory_space<hbm>>
      %dma_wait3A_642 = arith.constant 0 : i32
      %dma_wait3A_643 = arith.constant 0 : i32
      %dma_wait3A_644 = tpu.memref_slice %arg3[%add3A, %dma_wait3A_642, %dma_wait3A_643] : memref<32x32x16xi32, #tpu.memory_space<hbm>> -> memref<1x32x16xi32, #tpu.memory_space<hbm>>
      %dma_wait3A_645 = tpu.memref_squeeze %dma_wait3A_644 : memref<1x32x16xi32, #tpu.memory_space<hbm>> -> memref<32x16xi32, #tpu.memory_space<hbm>>
      tpu.wait_dma2 semaphore(%run_scoped3A : memref<!tpu.dma_semaphore, #tpu.memory_space<semaphore_mem>>) src(%dma_wait3A_645 : memref<32x16xi32, #tpu.memory_space<hbm>>) dst(%arg5 : memref<32x16xi32, #tpu.memory_space<vmem>>)
      tpu.yield
    }) : () -> ()
    "tpu.region"() ({
      %run_scoped3A = tpu.sem_alloc : memref<!tpu.dma_semaphore, #tpu.memory_space<semaphore_mem>>
      tpu.enqueue_dma source(%arg2 : memref<16x2048xf32, #tpu.memory_space<hbm>>) target(%arg6 : memref<16x2048xf32, #tpu.memory_space<vmem>>) target_semaphore(%run_scoped3A : memref<!tpu.dma_semaphore, #tpu.memory_space<semaphore_mem>>)
      tpu.wait_dma2 semaphore(%run_scoped3A : memref<!tpu.dma_semaphore, #tpu.memory_space<semaphore_mem>>) src(%arg2 : memref<16x2048xf32, #tpu.memory_space<hbm>>) dst(%arg6 : memref<16x2048xf32, #tpu.memory_space<vmem>>)
      tpu.yield
    }) : () -> ()
    %scan3A = arith.constant 0 : i32
    %scan3A_3 = arith.constant 0 : i32
    %scan3A_4 = arith.constant 32 : i32
    %scan3A_5 = arith.addi %scan3A_3, %scan3A_4 : i32
    %scan3A_6 = arith.constant 1 : i32
    scf.for %scan3A_631 = %scan3A_3 to %scan3A_5 step %scan3A_6  : i32 {
      %get3A = arith.index_cast %scan3A_631 : i32 to index
      %get3A_632 = arith.constant 0 : index
      %get3A_633 = tpu.vector_load %arg5[%get3A, %get3A_632] {strides = array<i32>} : memref<32x16xi32, #tpu.memory_space<vmem>>, vector<1x16xi32>,
      %get3A_634 = vector.shape_cast %get3A_633 : vector<1x16xi32> to vector<16xi32>
      %slice3A = vector.extract_strided_slice %get3A_634 {offsets = [0], sizes = [1], strides = [1]} : vector<16xi32> to vector<1xi32>
      %squeeze3A = vector.extract %slice3A[0] : i32 from vector<1xi32>
      %mul3A_635 = arith.constant 16 : i32
      %mul3A_636 = arith.muli %scan3A_631, %mul3A_635 : i32
      %add3A_637 = arith.addi %mul3A_2, %mul3A_636 : i32
      %add3A_638 = arith.constant 0 : i32
      %add3A_639 = arith.addi %add3A_637, %add3A_638 : i32
      %dma_start3A = arith.constant 0 : i32
      %dma_start3A_640 = tpu.memref_slice %arg6[%squeeze3A, %dma_start3A] : memref<16x2048xf32, #tpu.memory_space<vmem>> -> memref<1x2048xf32, #tpu.memory_space<vmem>>
      %dma_start3A_641 = tpu.memref_squeeze %dma_start3A_640 : memref<1x2048xf32, #tpu.memory_space<vmem>> -> memref<2048xf32, #tpu.memory_space<vmem>>
      %dma_start3A_642 = arith.constant 0 : i32
      %dma_start3A_643 = tpu.memref_slice %arg4[%add3A_639, %dma_start3A_642] : memref<16384x2048xf32, #tpu.memory_space<hbm>> -> memref<1x2048xf32, #tpu.memory_space<hbm>>
      %dma_start3A_644 = tpu.memref_squeeze %dma_start3A_643 : memref<1x2048xf32, #tpu.memory_space<hbm>> -> memref<2048xf32, #tpu.memory_space<hbm>>
      %dma_start3A_645 = arith.constant 0 : i32
      %dma_start3A_646 = tpu.memref_slice %arg4[%add3A_639, %dma_start3A_645] : memref<16384x2048xf32, #tpu.memory_space<hbm>> -> memref<1x2048xf32, #tpu.memory_space<hbm>>
      %dma_start3A_647 = tpu.memref_squeeze %dma_start3A_646 : memref<1x2048xf32, #tpu.memory_space<hbm>> -> memref<2048xf32, #tpu.memory_space<hbm>>
      %dma_start3A_648 = arith.constant 0 : i32
      %dma_start3A_649 = tpu.memref_slice %arg6[%squeeze3A, %dma_start3A_648] : memref<16x2048xf32, #tpu.memory_space<vmem>> -> memref<1x2048xf32, #tpu.memory_space<vmem>>
      %dma_start3A_650 = tpu.memref_squeeze %dma_start3A_649 : memref<1x2048xf32, #tpu.memory_space<vmem>> -> memref<2048xf32, #tpu.memory_space<vmem>>
      tpu.enqueue_dma source(%dma_start3A_650 : memref<2048xf32, #tpu.memory_space<vmem>>) target(%dma_start3A_647 : memref<2048xf32, #tpu.memory_space<hbm>>) target_semaphore(%arg7 : memref<!tpu.dma_semaphore, #tpu.memory_space<semaphore_mem>>)
      %slice3A_651 = vector.extract_strided_slice %get3A_634 {offsets = [1], sizes = [1], strides = [1]} : vector<16xi32> to vector<1xi32>
      %squeeze3A_652 = vector.extract %slice3A_651[0] : i32 from vector<1xi32>
      %mul3A_653 = arith.constant 16 : i32
      %mul3A_654 = arith.muli %scan3A_631, %mul3A_653 : i32
      %add3A_655 = arith.addi %mul3A_2, %mul3A_654 : i32
      %add3A_656 = arith.constant 1 : i32
      %add3A_657 = arith.addi %add3A_655, %add3A_656 : i32
      %dma_start3A_658 = arith.constant 0 : i32
      %dma_start3A_659 = tpu.memref_slice %arg6[%squeeze3A_652, %dma_start3A_658] : memref<16x2048xf32, #tpu.memory_space<vmem>> -> memref<1x2048xf32, #tpu.memory_space<vmem>>
      %dma_start3A_660 = tpu.memref_squeeze %dma_start3A_659 : memref<1x2048xf32, #tpu.memory_space<vmem>> -> memref<2048xf32, #tpu.memory_space<vmem>>
      %dma_start3A_661 = arith.constant 0 : i32
      %dma_start3A_662 = tpu.memref_slice %arg4[%add3A_657, %dma_start3A_661] : memref<16384x2048xf32, #tpu.memory_space<hbm>> -> memref<1x2048xf32, #tpu.memory_space<hbm>>
      %dma_start3A_663 = tpu.memref_squeeze %dma_start3A_662 : memref<1x2048xf32, #tpu.memory_space<hbm>> -> memref<2048xf32, #tpu.memory_space<hbm>>
      %dma_start3A_664 = arith.constant 0 : i32
      %dma_start3A_665 = tpu.memref_slice %arg4[%add3A_657, %dma_start3A_664] : memref<16384x2048xf32, #tpu.memory_space<hbm>> -> memref<1x2048xf32, #tpu.memory_space<hbm>>
      %dma_start3A_666 = tpu.memref_squeeze %dma_start3A_665 : memref<1x2048xf32, #tpu.memory_space<hbm>> -> memref<2048xf32, #tpu.memory_space<hbm>>
      %dma_start3A_667 = arith.constant 0 : i32
      %dma_start3A_668 = tpu.memref_slice %arg6[%squeeze3A_652, %dma_start3A_667] : memref<16x2048xf32, #tpu.memory_space<vmem>> -> memref<1x2048xf32, #tpu.memory_space<vmem>>
      %dma_start3A_669 = tpu.memref_squeeze %dma_start3A_668 : memref<1x2048xf32, #tpu.memory_space<vmem>> -> memref<2048xf32, #tpu.memory_space<vmem>>
      tpu.enqueue_dma source(%dma_start3A_669 : memref<2048xf32, #tpu.memory_space<vmem>>) target(%dma_start3A_666 : memref<2048xf32, #tpu.memory_space<hbm>>) target_semaphore(%arg7 : memref<!tpu.dma_semaphore, #tpu.memory_space<semaphore_mem>>)
      %slice3A_670 = vector.extract_strided_slice %get3A_634 {offsets = [2], sizes = [1], strides = [1]} : vector<16xi32> to vector<1xi32>
      %squeeze3A_671 = vector.extract %slice3A_670[0] : i32 from vector<1xi32>
      %mul3A_672 = arith.constant 16 : i32
      %mul3A_673 = arith.muli %scan3A_631, %mul3A_672 : i32
      %add3A_674 = arith.addi %mul3A_2, %mul3A_673 : i32
      %add3A_675 = arith.constant 2 : i32
      %add3A_676 = arith.addi %add3A_674, %add3A_675 : i32
      %dma_start3A_677 = arith.constant 0 : i32
      %dma_start3A_678 = tpu.memref_slice %arg6[%squeeze3A_671, %dma_start3A_677] : memref<16x2048xf32, #tpu.memory_space<vmem>> -> memref<1x2048xf32, #tpu.memory_space<vmem>>
      %dma_start3A_679 = tpu.memref_squeeze %dma_start3A_678 : memref<1x2048xf32, #tpu.memory_space<vmem>> -> memref<2048xf32, #tpu.memory_space<vmem>>
      %dma_start3A_680 = arith.constant 0 : i32
      %dma_start3A_681 = tpu.memref_slice %arg4[%add3A_676, %dma_start3A_680] : memref<16384x2048xf32, #tpu.memory_space<hbm>> -> memref<1x2048xf32, #tpu.memory_space<hbm>>
      %dma_start3A_682 = tpu.memref_squeeze %dma_start3A_681 : memref<1x2048xf32, #tpu.memory_space<hbm>> -> memref<2048xf32, #tpu.memory_space<hbm>>
      %dma_start3A_683 = arith.constant 0 : i32
      %dma_start3A_684 = tpu.memref_slice %arg4[%add3A_676, %dma_start3A_683] : memref<16384x2048xf32, #tpu.memory_space<hbm>> -> memref<1x2048xf32, #tpu.memory_space<hbm>>
      %dma_start3A_685 = tpu.memref_squeeze %dma_start3A_684 : memref<1x2048xf32, #tpu.memory_space<hbm>> -> memref<2048xf32, #tpu.memory_space<hbm>>
      %dma_start3A_686 = arith.constant 0 : i32
      %dma_start3A_687 = tpu.memref_slice %arg6[%squeeze3A_671, %dma_start3A_686] : memref<16x2048xf32, #tpu.memory_space<vmem>> -> memref<1x2048xf32, #tpu.memory_space<vmem>>
      %dma_start3A_688 = tpu.memref_squeeze %dma_start3A_687 : memref<1x2048xf32, #tpu.memory_space<vmem>> -> memref<2048xf32, #tpu.memory_space<vmem>>
      tpu.enqueue_dma source(%dma_start3A_688 : memref<2048xf32, #tpu.memory_space<vmem>>) target(%dma_start3A_685 : memref<2048xf32, #tpu.memory_space<hbm>>) target_semaphore(%arg7 : memref<!tpu.dma_semaphore, #tpu.memory_space<semaphore_mem>>)
      %slice3A_689 = vector.extract_strided_slice %get3A_634 {offsets = [3], sizes = [1], strides = [1]} : vector<16xi32> to vector<1xi32>
      %squeeze3A_690 = vector.extract %slice3A_689[0] : i32 from vector<1xi32>
      %mul3A_691 = arith.constant 16 : i32
      %mul3A_692 = arith.muli %scan3A_631, %mul3A_691 : i32
      %add3A_693 = arith.addi %mul3A_2, %mul3A_692 : i32
      %add3A_694 = arith.constant 3 : i32
      %add3A_695 = arith.addi %add3A_693, %add3A_694 : i32
      %dma_start3A_696 = arith.constant 0 : i32
      %dma_start3A_697 = tpu.memref_slice %arg6[%squeeze3A_690, %dma_start3A_696] : memref<16x2048xf32, #tpu.memory_space<vmem>> -> memref<1x2048xf32, #tpu.memory_space<vmem>>
      %dma_start3A_698 = tpu.memref_squeeze %dma_start3A_697 : memref<1x2048xf32, #tpu.memory_space<vmem>> -> memref<2048xf32, #tpu.memory_space<vmem>>
      %dma_start3A_699 = arith.constant 0 : i32
      %dma_start3A_700 = tpu.memref_slice %arg4[%add3A_695, %dma_start3A_699] : memref<16384x2048xf32, #tpu.memory_space<hbm>> -> memref<1x2048xf32, #tpu.memory_space<hbm>>
      %dma_start3A_701 = tpu.memref_squeeze %dma_start3A_700 : memref<1x2048xf32, #tpu.memory_space<hbm>> -> memref<2048xf32, #tpu.memory_space<hbm>>
      %dma_start3A_702 = arith.constant 0 : i32
      %dma_start3A_703 = tpu.memref_slice %arg4[%add3A_695, %dma_start3A_702] : memref<16384x2048xf32, #tpu.memory_space<hbm>> -> memref<1x2048xf32, #tpu.memory_space<hbm>>
      %dma_start3A_704 = tpu.memref_squeeze %dma_start3A_703 : memref<1x2048xf32, #tpu.memory_space<hbm>> -> memref<2048xf32, #tpu.memory_space<hbm>>
      %dma_start3A_705 = arith.constant 0 : i32
      %dma_start3A_706 = tpu.memref_slice %arg6[%squeeze3A_690, %dma_start3A_705] : memref<16x2048xf32, #tpu.memory_space<vmem>> -> memref<1x2048xf32, #tpu.memory_space<vmem>>
      %dma_start3A_707 = tpu.memref_squeeze %dma_start3A_706 : memref<1x2048xf32, #tpu.memory_space<vmem>> -> memref<2048xf32, #tpu.memory_space<vmem>>
      tpu.enqueue_dma source(%dma_start3A_707 : memref<2048xf32, #tpu.memory_space<vmem>>) target(%dma_start3A_704 : memref<2048xf32, #tpu.memory_space<hbm>>) target_semaphore(%arg7 : memref<!tpu.dma_semaphore, #tpu.memory_space<semaphore_mem>>)
      %slice3A_708 = vector.extract_strided_slice %get3A_634 {offsets = [4], sizes = [1], strides = [1]} : vector<16xi32> to vector<1xi32>
      %squeeze3A_709 = vector.extract %slice3A_708[0] : i32 from vector<1xi32>
      %mul3A_710 = arith.constant 16 : i32
      %mul3A_711 = arith.muli %scan3A_631, %mul3A_710 : i32
      %add3A_712 = arith.addi %mul3A_2, %mul3A_711 : i32
      %add3A_713 = arith.constant 4 : i32
      %add3A_714 = arith.addi %add3A_712, %add3A_713 : i32
      %dma_start3A_715 = arith.constant 0 : i32
      %dma_start3A_716 = tpu.memref_slice %arg6[%squeeze3A_709, %dma_start3A_715] : memref<16x2048xf32, #tpu.memory_space<vmem>> -> memref<1x2048xf32, #tpu.memory_space<vmem>>
      %dma_start3A_717 = tpu.memref_squeeze %dma_start3A_716 : memref<1x2048xf32, #tpu.memory_space<vmem>> -> memref<2048xf32, #tpu.memory_space<vmem>>
      %dma_start3A_718 = arith.constant 0 : i32
      %dma_start3A_719 = tpu.memref_slice %arg4[%add3A_714, %dma_start3A_718] : memref<16384x2048xf32, #tpu.memory_space<hbm>> -> memref<1x2048xf32, #tpu.memory_space<hbm>>
      %dma_start3A_720 = tpu.memref_squeeze %dma_start3A_719 : memref<1x2048xf32, #tpu.memory_space<hbm>> -> memref<2048xf32, #tpu.memory_space<hbm>>
      %dma_start3A_721 = arith.constant 0 : i32
      %dma_start3A_722 = tpu.memref_slice %arg4[%add3A_714, %dma_start3A_721] : memref<16384x2048xf32, #tpu.memory_space<hbm>> -> memref<1x2048xf32, #tpu.memory_space<hbm>>
      %dma_start3A_723 = tpu.memref_squeeze %dma_start3A_722 : memref<1x2048xf32, #tpu.memory_space<hbm>> -> memref<2048xf32, #tpu.memory_space<hbm>>
      %dma_start3A_724 = arith.constant 0 : i32
      %dma_start3A_725 = tpu.memref_slice %arg6[%squeeze3A_709, %dma_start3A_724] : memref<16x2048xf32, #tpu.memory_space<vmem>> -> memref<1x2048xf32, #tpu.memory_space<vmem>>
      %dma_start3A_726 = tpu.memref_squeeze %dma_start3A_725 : memref<1x2048xf32, #tpu.memory_space<vmem>> -> memref<2048xf32, #tpu.memory_space<vmem>>
      tpu.enqueue_dma source(%dma_start3A_726 : memref<2048xf32, #tpu.memory_space<vmem>>) target(%dma_start3A_723 : memref<2048xf32, #tpu.memory_space<hbm>>) target_semaphore(%arg7 : memref<!tpu.dma_semaphore, #tpu.memory_space<semaphore_mem>>)
      %slice3A_727 = vector.extract_strided_slice %get3A_634 {offsets = [5], sizes = [1], strides = [1]} : vector<16xi32> to vector<1xi32>
      %squeeze3A_728 = vector.extract %slice3A_727[0] : i32 from vector<1xi32>
      %mul3A_729 = arith.constant 16 : i32
      %mul3A_730 = arith.muli %scan3A_631, %mul3A_729 : i32
      %add3A_731 = arith.addi %mul3A_2, %mul3A_730 : i32
      %add3A_732 = arith.constant 5 : i32
      %add3A_733 = arith.addi %add3A_731, %add3A_732 : i32
      %dma_start3A_734 = arith.constant 0 : i32
      %dma_start3A_735 = tpu.memref_slice %arg6[%squeeze3A_728, %dma_start3A_734] : memref<16x2048xf32, #tpu.memory_space<vmem>> -> memref<1x2048xf32, #tpu.memory_space<vmem>>
      %dma_start3A_736 = tpu.memref_squeeze %dma_start3A_735 : memref<1x2048xf32, #tpu.memory_space<vmem>> -> memref<2048xf32, #tpu.memory_space<vmem>>
      %dma_start3A_737 = arith.constant 0 : i32
      %dma_start3A_738 = tpu.memref_slice %arg4[%add3A_733, %dma_start3A_737] : memref<16384x2048xf32, #tpu.memory_space<hbm>> -> memref<1x2048xf32, #tpu.memory_space<hbm>>
      %dma_start3A_739 = tpu.memref_squeeze %dma_start3A_738 : memref<1x2048xf32, #tpu.memory_space<hbm>> -> memref<2048xf32, #tpu.memory_space<hbm>>
      %dma_start3A_740 = arith.constant 0 : i32
      %dma_start3A_741 = tpu.memref_slice %arg4[%add3A_733, %dma_start3A_740] : memref<16384x2048xf32, #tpu.memory_space<hbm>> -> memref<1x2048xf32, #tpu.memory_space<hbm>>
      %dma_start3A_742 = tpu.memref_squeeze %dma_start3A_741 : memref<1x2048xf32, #tpu.memory_space<hbm>> -> memref<2048xf32, #tpu.memory_space<hbm>>
      %dma_start3A_743 = arith.constant 0 : i32
      %dma_start3A_744 = tpu.memref_slice %arg6[%squeeze3A_728, %dma_start3A_743] : memref<16x2048xf32, #tpu.memory_space<vmem>> -> memref<1x2048xf32, #tpu.memory_space<vmem>>
      %dma_start3A_745 = tpu.memref_squeeze %dma_start3A_744 : memref<1x2048xf32, #tpu.memory_space<vmem>> -> memref<2048xf32, #tpu.memory_space<vmem>>
      tpu.enqueue_dma source(%dma_start3A_745 : memref<2048xf32, #tpu.memory_space<vmem>>) target(%dma_start3A_742 : memref<2048xf32, #tpu.memory_space<hbm>>) target_semaphore(%arg7 : memref<!tpu.dma_semaphore, #tpu.memory_space<semaphore_mem>>)
      %slice3A_746 = vector.extract_strided_slice %get3A_634 {offsets = [6], sizes = [1], strides = [1]} : vector<16xi32> to vector<1xi32>
      %squeeze3A_747 = vector.extract %slice3A_746[0] : i32 from vector<1xi32>
      %mul3A_748 = arith.constant 16 : i32
      %mul3A_749 = arith.muli %scan3A_631, %mul3A_748 : i32
      %add3A_750 = arith.addi %mul3A_2, %mul3A_749 : i32
      %add3A_751 = arith.constant 6 : i32
      %add3A_752 = arith.addi %add3A_750, %add3A_751 : i32
      %dma_start3A_753 = arith.constant 0 : i32
      %dma_start3A_754 = tpu.memref_slice %arg6[%squeeze3A_747, %dma_start3A_753] : memref<16x2048xf32, #tpu.memory_space<vmem>> -> memref<1x2048xf32, #tpu.memory_space<vmem>>
      %dma_start3A_755 = tpu.memref_squeeze %dma_start3A_754 : memref<1x2048xf32, #tpu.memory_space<vmem>> -> memref<2048xf32, #tpu.memory_space<vmem>>
      %dma_start3A_756 = arith.constant 0 : i32
      %dma_start3A_757 = tpu.memref_slice %arg4[%add3A_752, %dma_start3A_756] : memref<16384x2048xf32, #tpu.memory_space<hbm>> -> memref<1x2048xf32, #tpu.memory_space<hbm>>
      %dma_start3A_758 = tpu.memref_squeeze %dma_start3A_757 : memref<1x2048xf32, #tpu.memory_space<hbm>> -> memref<2048xf32, #tpu.memory_space<hbm>>
      %dma_start3A_759 = arith.constant 0 : i32
      %dma_start3A_760 = tpu.memref_slice %arg4[%add3A_752, %dma_start3A_759] : memref<16384x2048xf32, #tpu.memory_space<hbm>> -> memref<1x2048xf32, #tpu.memory_space<hbm>>
      %dma_start3A_761 = tpu.memref_squeeze %dma_start3A_760 : memref<1x2048xf32, #tpu.memory_space<hbm>> -> memref<2048xf32, #tpu.memory_space<hbm>>
      %dma_start3A_762 = arith.constant 0 : i32
      %dma_start3A_763 = tpu.memref_slice %arg6[%squeeze3A_747, %dma_start3A_762] : memref<16x2048xf32, #tpu.memory_space<vmem>> -> memref<1x2048xf32, #tpu.memory_space<vmem>>
      %dma_start3A_764 = tpu.memref_squeeze %dma_start3A_763 : memref<1x2048xf32, #tpu.memory_space<vmem>> -> memref<2048xf32, #tpu.memory_space<vmem>>
      tpu.enqueue_dma source(%dma_start3A_764 : memref<2048xf32, #tpu.memory_space<vmem>>) target(%dma_start3A_761 : memref<2048xf32, #tpu.memory_space<hbm>>) target_semaphore(%arg7 : memref<!tpu.dma_semaphore, #tpu.memory_space<semaphore_mem>>)
      %slice3A_765 = vector.extract_strided_slice %get3A_634 {offsets = [7], sizes = [1], strides = [1]} : vector<16xi32> to vector<1xi32>
      %squeeze3A_766 = vector.extract %slice3A_765[0] : i32 from vector<1xi32>
      %mul3A_767 = arith.constant 16 : i32
      %mul3A_768 = arith.muli %scan3A_631, %mul3A_767 : i32
      %add3A_769 = arith.addi %mul3A_2, %mul3A_768 : i32
      %add3A_770 = arith.constant 7 : i32
      %add3A_771 = arith.addi %add3A_769, %add3A_770 : i32
      %dma_start3A_772 = arith.constant 0 : i32
      %dma_start3A_773 = tpu.memref_slice %arg6[%squeeze3A_766, %dma_start3A_772] : memref<16x2048xf32, #tpu.memory_space<vmem>> -> memref<1x2048xf32, #tpu.memory_space<vmem>>
      %dma_start3A_774 = tpu.memref_squeeze %dma_start3A_773 : memref<1x2048xf32, #tpu.memory_space<vmem>> -> memref<2048xf32, #tpu.memory_space<vmem>>
      %dma_start3A_775 = arith.constant 0 : i32
      %dma_start3A_776 = tpu.memref_slice %arg4[%add3A_771, %dma_start3A_775] : memref<16384x2048xf32, #tpu.memory_space<hbm>> -> memref<1x2048xf32, #tpu.memory_space<hbm>>
      %dma_start3A_777 = tpu.memref_squeeze %dma_start3A_776 : memref<1x2048xf32, #tpu.memory_space<hbm>> -> memref<2048xf32, #tpu.memory_space<hbm>>
      %dma_start3A_778 = arith.constant 0 : i32
      %dma_start3A_779 = tpu.memref_slice %arg4[%add3A_771, %dma_start3A_778] : memref<16384x2048xf32, #tpu.memory_space<hbm>> -> memref<1x2048xf32, #tpu.memory_space<hbm>>
      %dma_start3A_780 = tpu.memref_squeeze %dma_start3A_779 : memref<1x2048xf32, #tpu.memory_space<hbm>> -> memref<2048xf32, #tpu.memory_space<hbm>>
      %dma_start3A_781 = arith.constant 0 : i32
      %dma_start3A_782 = tpu.memref_slice %arg6[%squeeze3A_766, %dma_start3A_781] : memref<16x2048xf32, #tpu.memory_space<vmem>> -> memref<1x2048xf32, #tpu.memory_space<vmem>>
      %dma_start3A_783 = tpu.memref_squeeze %dma_start3A_782 : memref<1x2048xf32, #tpu.memory_space<vmem>> -> memref<2048xf32, #tpu.memory_space<vmem>>
      tpu.enqueue_dma source(%dma_start3A_783 : memref<2048xf32, #tpu.memory_space<vmem>>) target(%dma_start3A_780 : memref<2048xf32, #tpu.memory_space<hbm>>) target_semaphore(%arg7 : memref<!tpu.dma_semaphore, #tpu.memory_space<semaphore_mem>>)
      %slice3A_784 = vector.extract_strided_slice %get3A_634 {offsets = [8], sizes = [1], strides = [1]} : vector<16xi32> to vector<1xi32>
      %squeeze3A_785 = vector.extract %slice3A_784[0] : i32 from vector<1xi32>
      %mul3A_786 = arith.constant 16 : i32
      %mul3A_787 = arith.muli %scan3A_631, %mul3A_786 : i32
      %add3A_788 = arith.addi %mul3A_2, %mul3A_787 : i32
      %add3A_789 = arith.constant 8 : i32
      %add3A_790 = arith.addi %add3A_788, %add3A_789 : i32
      %dma_start3A_791 = arith.constant 0 : i32
      %dma_start3A_792 = tpu.memref_slice %arg6[%squeeze3A_785, %dma_start3A_791] : memref<16x2048xf32, #tpu.memory_space<vmem>> -> memref<1x2048xf32, #tpu.memory_space<vmem>>
      %dma_start3A_793 = tpu.memref_squeeze %dma_start3A_792 : memref<1x2048xf32, #tpu.memory_space<vmem>> -> memref<2048xf32, #tpu.memory_space<vmem>>
      %dma_start3A_794 = arith.constant 0 : i32
      %dma_start3A_795 = tpu.memref_slice %arg4[%add3A_790, %dma_start3A_794] : memref<16384x2048xf32, #tpu.memory_space<hbm>> -> memref<1x2048xf32, #tpu.memory_space<hbm>>
      %dma_start3A_796 = tpu.memref_squeeze %dma_start3A_795 : memref<1x2048xf32, #tpu.memory_space<hbm>> -> memref<2048xf32, #tpu.memory_space<hbm>>
      %dma_start3A_797 = arith.constant 0 : i32
      %dma_start3A_798 = tpu.memref_slice %arg4[%add3A_790, %dma_start3A_797] : memref<16384x2048xf32, #tpu.memory_space<hbm>> -> memref<1x2048xf32, #tpu.memory_space<hbm>>
      %dma_start3A_799 = tpu.memref_squeeze %dma_start3A_798 : memref<1x2048xf32, #tpu.memory_space<hbm>> -> memref<2048xf32, #tpu.memory_space<hbm>>
      %dma_start3A_800 = arith.constant 0 : i32
      %dma_start3A_801 = tpu.memref_slice %arg6[%squeeze3A_785, %dma_start3A_800] : memref<16x2048xf32, #tpu.memory_space<vmem>> -> memref<1x2048xf32, #tpu.memory_space<vmem>>
      %dma_start3A_802 = tpu.memref_squeeze %dma_start3A_801 : memref<1x2048xf32, #tpu.memory_space<vmem>> -> memref<2048xf32, #tpu.memory_space<vmem>>
      tpu.enqueue_dma source(%dma_start3A_802 : memref<2048xf32, #tpu.memory_space<vmem>>) target(%dma_start3A_799 : memref<2048xf32, #tpu.memory_space<hbm>>) target_semaphore(%arg7 : memref<!tpu.dma_semaphore, #tpu.memory_space<semaphore_mem>>)
      %slice3A_803 = vector.extract_strided_slice %get3A_634 {offsets = [9], sizes = [1], strides = [1]} : vector<16xi32> to vector<1xi32>
      %squeeze3A_804 = vector.extract %slice3A_803[0] : i32 from vector<1xi32>
      %mul3A_805 = arith.constant 16 : i32
      %mul3A_806 = arith.muli %scan3A_631, %mul3A_805 : i32
      %add3A_807 = arith.addi %mul3A_2, %mul3A_806 : i32
      %add3A_808 = arith.constant 9 : i32
      %add3A_809 = arith.addi %add3A_807, %add3A_808 : i32
      %dma_start3A_810 = arith.constant 0 : i32
      %dma_start3A_811 = tpu.memref_slice %arg6[%squeeze3A_804, %dma_start3A_810] : memref<16x2048xf32, #tpu.memory_space<vmem>> -> memref<1x2048xf32, #tpu.memory_space<vmem>>
      %dma_start3A_812 = tpu.memref_squeeze %dma_start3A_811 : memref<1x2048xf32, #tpu.memory_space<vmem>> -> memref<2048xf32, #tpu.memory_space<vmem>>
      %dma_start3A_813 = arith.constant 0 : i32
      %dma_start3A_814 = tpu.memref_slice %arg4[%add3A_809, %dma_start3A_813] : memref<16384x2048xf32, #tpu.memory_space<hbm>> -> memref<1x2048xf32, #tpu.memory_space<hbm>>
      %dma_start3A_815 = tpu.memref_squeeze %dma_start3A_814 : memref<1x2048xf32, #tpu.memory_space<hbm>> -> memref<2048xf32, #tpu.memory_space<hbm>>
      %dma_start3A_816 = arith.constant 0 : i32
      %dma_start3A_817 = tpu.memref_slice %arg4[%add3A_809, %dma_start3A_816] : memref<16384x2048xf32, #tpu.memory_space<hbm>> -> memref<1x2048xf32, #tpu.memory_space<hbm>>
      %dma_start3A_818 = tpu.memref_squeeze %dma_start3A_817 : memref<1x2048xf32, #tpu.memory_space<hbm>> -> memref<2048xf32, #tpu.memory_space<hbm>>
      %dma_start3A_819 = arith.constant 0 : i32
      %dma_start3A_820 = tpu.memref_slice %arg6[%squeeze3A_804, %dma_start3A_819] : memref<16x2048xf32, #tpu.memory_space<vmem>> -> memref<1x2048xf32, #tpu.memory_space<vmem>>
      %dma_start3A_821 = tpu.memref_squeeze %dma_start3A_820 : memref<1x2048xf32, #tpu.memory_space<vmem>> -> memref<2048xf32, #tpu.memory_space<vmem>>
      tpu.enqueue_dma source(%dma_start3A_821 : memref<2048xf32, #tpu.memory_space<vmem>>) target(%dma_start3A_818 : memref<2048xf32, #tpu.memory_space<hbm>>) target_semaphore(%arg7 : memref<!tpu.dma_semaphore, #tpu.memory_space<semaphore_mem>>)
      %slice3A_822 = vector.extract_strided_slice %get3A_634 {offsets = [10], sizes = [1], strides = [1]} : vector<16xi32> to vector<1xi32>
      %squeeze3A_823 = vector.extract %slice3A_822[0] : i32 from vector<1xi32>
      %mul3A_824 = arith.constant 16 : i32
      %mul3A_825 = arith.muli %scan3A_631, %mul3A_824 : i32
      %add3A_826 = arith.addi %mul3A_2, %mul3A_825 : i32
      %add3A_827 = arith.constant 10 : i32
      %add3A_828 = arith.addi %add3A_826, %add3A_827 : i32
      %dma_start3A_829 = arith.constant 0 : i32
      %dma_start3A_830 = tpu.memref_slice %arg6[%squeeze3A_823, %dma_start3A_829] : memref<16x2048xf32, #tpu.memory_space<vmem>> -> memref<1x2048xf32, #tpu.memory_space<vmem>>
      %dma_start3A_831 = tpu.memref_squeeze %dma_start3A_830 : memref<1x2048xf32, #tpu.memory_space<vmem>> -> memref<2048xf32, #tpu.memory_space<vmem>>
      %dma_start3A_832 = arith.constant 0 : i32
      %dma_start3A_833 = tpu.memref_slice %arg4[%add3A_828, %dma_start3A_832] : memref<16384x2048xf32, #tpu.memory_space<hbm>> -> memref<1x2048xf32, #tpu.memory_space<hbm>>
      %dma_start3A_834 = tpu.memref_squeeze %dma_start3A_833 : memref<1x2048xf32, #tpu.memory_space<hbm>> -> memref<2048xf32, #tpu.memory_space<hbm>>
      %dma_start3A_835 = arith.constant 0 : i32
      %dma_start3A_836 = tpu.memref_slice %arg4[%add3A_828, %dma_start3A_835] : memref<16384x2048xf32, #tpu.memory_space<hbm>> -> memref<1x2048xf32, #tpu.memory_space<hbm>>
      %dma_start3A_837 = tpu.memref_squeeze %dma_start3A_836 : memref<1x2048xf32, #tpu.memory_space<hbm>> -> memref<2048xf32, #tpu.memory_space<hbm>>
      %dma_start3A_838 = arith.constant 0 : i32
      %dma_start3A_839 = tpu.memref_slice %arg6[%squeeze3A_823, %dma_start3A_838] : memref<16x2048xf32, #tpu.memory_space<vmem>> -> memref<1x2048xf32, #tpu.memory_space<vmem>>
      %dma_start3A_840 = tpu.memref_squeeze %dma_start3A_839 : memref<1x2048xf32, #tpu.memory_space<vmem>> -> memref<2048xf32, #tpu.memory_space<vmem>>
      tpu.enqueue_dma source(%dma_start3A_840 : memref<2048xf32, #tpu.memory_space<vmem>>) target(%dma_start3A_837 : memref<2048xf32, #tpu.memory_space<hbm>>) target_semaphore(%arg7 : memref<!tpu.dma_semaphore, #tpu.memory_space<semaphore_mem>>)
      %slice3A_841 = vector.extract_strided_slice %get3A_634 {offsets = [11], sizes = [1], strides = [1]} : vector<16xi32> to vector<1xi32>
      %squeeze3A_842 = vector.extract %slice3A_841[0] : i32 from vector<1xi32>
      %mul3A_843 = arith.constant 16 : i32
      %mul3A_844 = arith.muli %scan3A_631, %mul3A_843 : i32
      %add3A_845 = arith.addi %mul3A_2, %mul3A_844 : i32
      %add3A_846 = arith.constant 11 : i32
      %add3A_847 = arith.addi %add3A_845, %add3A_846 : i32
      %dma_start3A_848 = arith.constant 0 : i32
      %dma_start3A_849 = tpu.memref_slice %arg6[%squeeze3A_842, %dma_start3A_848] : memref<16x2048xf32, #tpu.memory_space<vmem>> -> memref<1x2048xf32, #tpu.memory_space<vmem>>
      %dma_start3A_850 = tpu.memref_squeeze %dma_start3A_849 : memref<1x2048xf32, #tpu.memory_space<vmem>> -> memref<2048xf32, #tpu.memory_space<vmem>>
      %dma_start3A_851 = arith.constant 0 : i32
      %dma_start3A_852 = tpu.memref_slice %arg4[%add3A_847, %dma_start3A_851] : memref<16384x2048xf32, #tpu.memory_space<hbm>> -> memref<1x2048xf32, #tpu.memory_space<hbm>>
      %dma_start3A_853 = tpu.memref_squeeze %dma_start3A_852 : memref<1x2048xf32, #tpu.memory_space<hbm>> -> memref<2048xf32, #tpu.memory_space<hbm>>
      %dma_start3A_854 = arith.constant 0 : i32
      %dma_start3A_855 = tpu.memref_slice %arg4[%add3A_847, %dma_start3A_854] : memref<16384x2048xf32, #tpu.memory_space<hbm>> -> memref<1x2048xf32, #tpu.memory_space<hbm>>
      %dma_start3A_856 = tpu.memref_squeeze %dma_start3A_855 : memref<1x2048xf32, #tpu.memory_space<hbm>> -> memref<2048xf32, #tpu.memory_space<hbm>>
      %dma_start3A_857 = arith.constant 0 : i32
      %dma_start3A_858 = tpu.memref_slice %arg6[%squeeze3A_842, %dma_start3A_857] : memref<16x2048xf32, #tpu.memory_space<vmem>> -> memref<1x2048xf32, #tpu.memory_space<vmem>>
      %dma_start3A_859 = tpu.memref_squeeze %dma_start3A_858 : memref<1x2048xf32, #tpu.memory_space<vmem>> -> memref<2048xf32, #tpu.memory_space<vmem>>
      tpu.enqueue_dma source(%dma_start3A_859 : memref<2048xf32, #tpu.memory_space<vmem>>) target(%dma_start3A_856 : memref<2048xf32, #tpu.memory_space<hbm>>) target_semaphore(%arg7 : memref<!tpu.dma_semaphore, #tpu.memory_space<semaphore_mem>>)
      %slice3A_860 = vector.extract_strided_slice %get3A_634 {offsets = [12], sizes = [1], strides = [1]} : vector<16xi32> to vector<1xi32>
      %squeeze3A_861 = vector.extract %slice3A_860[0] : i32 from vector<1xi32>
      %mul3A_862 = arith.constant 16 : i32
      %mul3A_863 = arith.muli %scan3A_631, %mul3A_862 : i32
      %add3A_864 = arith.addi %mul3A_2, %mul3A_863 : i32
      %add3A_865 = arith.constant 12 : i32
      %add3A_866 = arith.addi %add3A_864, %add3A_865 : i32
      %dma_start3A_867 = arith.constant 0 : i32
      %dma_start3A_868 = tpu.memref_slice %arg6[%squeeze3A_861, %dma_start3A_867] : memref<16x2048xf32, #tpu.memory_space<vmem>> -> memref<1x2048xf32, #tpu.memory_space<vmem>>
      %dma_start3A_869 = tpu.memref_squeeze %dma_start3A_868 : memref<1x2048xf32, #tpu.memory_space<vmem>> -> memref<2048xf32, #tpu.memory_space<vmem>>
      %dma_start3A_870 = arith.constant 0 : i32
      %dma_start3A_871 = tpu.memref_slice %arg4[%add3A_866, %dma_start3A_870] : memref<16384x2048xf32, #tpu.memory_space<hbm>> -> memref<1x2048xf32, #tpu.memory_space<hbm>>
      %dma_start3A_872 = tpu.memref_squeeze %dma_start3A_871 : memref<1x2048xf32, #tpu.memory_space<hbm>> -> memref<2048xf32, #tpu.memory_space<hbm>>
      %dma_start3A_873 = arith.constant 0 : i32
      %dma_start3A_874 = tpu.memref_slice %arg4[%add3A_866, %dma_start3A_873] : memref<16384x2048xf32, #tpu.memory_space<hbm>> -> memref<1x2048xf32, #tpu.memory_space<hbm>>
      %dma_start3A_875 = tpu.memref_squeeze %dma_start3A_874 : memref<1x2048xf32, #tpu.memory_space<hbm>> -> memref<2048xf32, #tpu.memory_space<hbm>>
      %dma_start3A_876 = arith.constant 0 : i32
      %dma_start3A_877 = tpu.memref_slice %arg6[%squeeze3A_861, %dma_start3A_876] : memref<16x2048xf32, #tpu.memory_space<vmem>> -> memref<1x2048xf32, #tpu.memory_space<vmem>>
      %dma_start3A_878 = tpu.memref_squeeze %dma_start3A_877 : memref<1x2048xf32, #tpu.memory_space<vmem>> -> memref<2048xf32, #tpu.memory_space<vmem>>
      tpu.enqueue_dma source(%dma_start3A_878 : memref<2048xf32, #tpu.memory_space<vmem>>) target(%dma_start3A_875 : memref<2048xf32, #tpu.memory_space<hbm>>) target_semaphore(%arg7 : memref<!tpu.dma_semaphore, #tpu.memory_space<semaphore_mem>>)
      %slice3A_879 = vector.extract_strided_slice %get3A_634 {offsets = [13], sizes = [1], strides = [1]} : vector<16xi32> to vector<1xi32>
      %squeeze3A_880 = vector.extract %slice3A_879[0] : i32 from vector<1xi32>
      %mul3A_881 = arith.constant 16 : i32
      %mul3A_882 = arith.muli %scan3A_631, %mul3A_881 : i32
      %add3A_883 = arith.addi %mul3A_2, %mul3A_882 : i32
      %add3A_884 = arith.constant 13 : i32
      %add3A_885 = arith.addi %add3A_883, %add3A_884 : i32
      %dma_start3A_886 = arith.constant 0 : i32
      %dma_start3A_887 = tpu.memref_slice %arg6[%squeeze3A_880, %dma_start3A_886] : memref<16x2048xf32, #tpu.memory_space<vmem>> -> memref<1x2048xf32, #tpu.memory_space<vmem>>
      %dma_start3A_888 = tpu.memref_squeeze %dma_start3A_887 : memref<1x2048xf32, #tpu.memory_space<vmem>> -> memref<2048xf32, #tpu.memory_space<vmem>>
      %dma_start3A_889 = arith.constant 0 : i32
      %dma_start3A_890 = tpu.memref_slice %arg4[%add3A_885, %dma_start3A_889] : memref<16384x2048xf32, #tpu.memory_space<hbm>> -> memref<1x2048xf32, #tpu.memory_space<hbm>>
      %dma_start3A_891 = tpu.memref_squeeze %dma_start3A_890 : memref<1x2048xf32, #tpu.memory_space<hbm>> -> memref<2048xf32, #tpu.memory_space<hbm>>
      %dma_start3A_892 = arith.constant 0 : i32
      %dma_start3A_893 = tpu.memref_slice %arg4[%add3A_885, %dma_start3A_892] : memref<16384x2048xf32, #tpu.memory_space<hbm>> -> memref<1x2048xf32, #tpu.memory_space<hbm>>
      %dma_start3A_894 = tpu.memref_squeeze %dma_start3A_893 : memref<1x2048xf32, #tpu.memory_space<hbm>> -> memref<2048xf32, #tpu.memory_space<hbm>>
      %dma_start3A_895 = arith.constant 0 : i32
      %dma_start3A_896 = tpu.memref_slice %arg6[%squeeze3A_880, %dma_start3A_895] : memref<16x2048xf32, #tpu.memory_space<vmem>> -> memref<1x2048xf32, #tpu.memory_space<vmem>>
      %dma_start3A_897 = tpu.memref_squeeze %dma_start3A_896 : memref<1x2048xf32, #tpu.memory_space<vmem>> -> memref<2048xf32, #tpu.memory_space<vmem>>
      tpu.enqueue_dma source(%dma_start3A_897 : memref<2048xf32, #tpu.memory_space<vmem>>) target(%dma_start3A_894 : memref<2048xf32, #tpu.memory_space<hbm>>) target_semaphore(%arg7 : memref<!tpu.dma_semaphore, #tpu.memory_space<semaphore_mem>>)
      %slice3A_898 = vector.extract_strided_slice %get3A_634 {offsets = [14], sizes = [1], strides = [1]} : vector<16xi32> to vector<1xi32>
      %squeeze3A_899 = vector.extract %slice3A_898[0] : i32 from vector<1xi32>
      %mul3A_900 = arith.constant 16 : i32
      %mul3A_901 = arith.muli %scan3A_631, %mul3A_900 : i32
      %add3A_902 = arith.addi %mul3A_2, %mul3A_901 : i32
      %add3A_903 = arith.constant 14 : i32
      %add3A_904 = arith.addi %add3A_902, %add3A_903 : i32
      %dma_start3A_905 = arith.constant 0 : i32
      %dma_start3A_906 = tpu.memref_slice %arg6[%squeeze3A_899, %dma_start3A_905] : memref<16x2048xf32, #tpu.memory_space<vmem>> -> memref<1x2048xf32, #tpu.memory_space<vmem>>
      %dma_start3A_907 = tpu.memref_squeeze %dma_start3A_906 : memref<1x2048xf32, #tpu.memory_space<vmem>> -> memref<2048xf32, #tpu.memory_space<vmem>>
      %dma_start3A_908 = arith.constant 0 : i32
      %dma_start3A_909 = tpu.memref_slice %arg4[%add3A_904, %dma_start3A_908] : memref<16384x2048xf32, #tpu.memory_space<hbm>> -> memref<1x2048xf32, #tpu.memory_space<hbm>>
      %dma_start3A_910 = tpu.memref_squeeze %dma_start3A_909 : memref<1x2048xf32, #tpu.memory_space<hbm>> -> memref<2048xf32, #tpu.memory_space<hbm>>
      %dma_start3A_911 = arith.constant 0 : i32
      %dma_start3A_912 = tpu.memref_slice %arg4[%add3A_904, %dma_start3A_911] : memref<16384x2048xf32, #tpu.memory_space<hbm>> -> memref<1x2048xf32, #tpu.memory_space<hbm>>
      %dma_start3A_913 = tpu.memref_squeeze %dma_start3A_912 : memref<1x2048xf32, #tpu.memory_space<hbm>> -> memref<2048xf32, #tpu.memory_space<hbm>>
      %dma_start3A_914 = arith.constant 0 : i32
      %dma_start3A_915 = tpu.memref_slice %arg6[%squeeze3A_899, %dma_start3A_914] : memref<16x2048xf32, #tpu.memory_space<vmem>> -> memref<1x2048xf32, #tpu.memory_space<vmem>>
      %dma_start3A_916 = tpu.memref_squeeze %dma_start3A_915 : memref<1x2048xf32, #tpu.memory_space<vmem>> -> memref<2048xf32, #tpu.memory_space<vmem>>
      tpu.enqueue_dma source(%dma_start3A_916 : memref<2048xf32, #tpu.memory_space<vmem>>) target(%dma_start3A_913 : memref<2048xf32, #tpu.memory_space<hbm>>) target_semaphore(%arg7 : memref<!tpu.dma_semaphore, #tpu.memory_space<semaphore_mem>>)
      %slice3A_917 = vector.extract_strided_slice %get3A_634 {offsets = [15], sizes = [1], strides = [1]} : vector<16xi32> to vector<1xi32>
      %squeeze3A_918 = vector.extract %slice3A_917[0] : i32 from vector<1xi32>
      %mul3A_919 = arith.constant 16 : i32
      %mul3A_920 = arith.muli %scan3A_631, %mul3A_919 : i32
      %add3A_921 = arith.addi %mul3A_2, %mul3A_920 : i32
      %add3A_922 = arith.constant 15 : i32
      %add3A_923 = arith.addi %add3A_921, %add3A_922 : i32
      %dma_start3A_924 = arith.constant 0 : i32
      %dma_start3A_925 = tpu.memref_slice %arg6[%squeeze3A_918, %dma_start3A_924] : memref<16x2048xf32, #tpu.memory_space<vmem>> -> memref<1x2048xf32, #tpu.memory_space<vmem>>
      %dma_start3A_926 = tpu.memref_squeeze %dma_start3A_925 : memref<1x2048xf32, #tpu.memory_space<vmem>> -> memref<2048xf32, #tpu.memory_space<vmem>>
      %dma_start3A_927 = arith.constant 0 : i32
      %dma_start3A_928 = tpu.memref_slice %arg4[%add3A_923, %dma_start3A_927] : memref<16384x2048xf32, #tpu.memory_space<hbm>> -> memref<1x2048xf32, #tpu.memory_space<hbm>>
      %dma_start3A_929 = tpu.memref_squeeze %dma_start3A_928 : memref<1x2048xf32, #tpu.memory_space<hbm>> -> memref<2048xf32, #tpu.memory_space<hbm>>
      %dma_start3A_930 = arith.constant 0 : i32
      %dma_start3A_931 = tpu.memref_slice %arg4[%add3A_923, %dma_start3A_930] : memref<16384x2048xf32, #tpu.memory_space<hbm>> -> memref<1x2048xf32, #tpu.memory_space<hbm>>
      %dma_start3A_932 = tpu.memref_squeeze %dma_start3A_931 : memref<1x2048xf32, #tpu.memory_space<hbm>> -> memref<2048xf32, #tpu.memory_space<hbm>>
      %dma_start3A_933 = arith.constant 0 : i32
      %dma_start3A_934 = tpu.memref_slice %arg6[%squeeze3A_918, %dma_start3A_933] : memref<16x2048xf32, #tpu.memory_space<vmem>> -> memref<1x2048xf32, #tpu.memory_space<vmem>>
      %dma_start3A_935 = tpu.memref_squeeze %dma_start3A_934 : memref<1x2048xf32, #tpu.memory_space<vmem>> -> memref<2048xf32, #tpu.memory_space<vmem>>
      tpu.enqueue_dma source(%dma_start3A_935 : memref<2048xf32, #tpu.memory_space<vmem>>) target(%dma_start3A_932 : memref<2048xf32, #tpu.memory_space<hbm>>) target_semaphore(%arg7 : memref<!tpu.dma_semaphore, #tpu.memory_space<semaphore_mem>>)
      %ge3A = arith.constant 3 : i32
      %ge3A_936 = arith.cmpi sge, %scan3A_631, %ge3A : i32
      %convert_element_type3A = arith.extui %ge3A_936 : i1 to i32
      %cond3A = arith.constant 0 : i32
      %cond3A_937 = arith.cmpi ne, %convert_element_type3A, %cond3A : i32
      scf.if %cond3A_937 {
        %dma_wait3A_938 = arith.constant 0 : i32
        %dma_wait3A_939 = arith.constant 0 : i32
        %dma_wait3A_940 = tpu.memref_slice %arg6[%dma_wait3A_938, %dma_wait3A_939] : memref<16x2048xf32, #tpu.memory_space<vmem>> -> memref<1x2048xf32, #tpu.memory_space<vmem>>
        %dma_wait3A_941 = tpu.memref_squeeze %dma_wait3A_940 : memref<1x2048xf32, #tpu.memory_space<vmem>> -> memref<2048xf32, #tpu.memory_space<vmem>>
        %dma_wait3A_942 = arith.constant 0 : i32
        %dma_wait3A_943 = tpu.memref_slice %arg4[%mul3A_2, %dma_wait3A_942] : memref<16384x2048xf32, #tpu.memory_space<hbm>> -> memref<1x2048xf32, #tpu.memory_space<hbm>>
        %dma_wait3A_944 = tpu.memref_squeeze %dma_wait3A_943 : memref<1x2048xf32, #tpu.memory_space<hbm>> -> memref<2048xf32, #tpu.memory_space<hbm>>
        %dma_wait3A_945 = arith.constant 0 : i32
        %dma_wait3A_946 = tpu.memref_slice %arg4[%mul3A_2, %dma_wait3A_945] : memref<16384x2048xf32, #tpu.memory_space<hbm>> -> memref<1x2048xf32, #tpu.memory_space<hbm>>
        %dma_wait3A_947 = tpu.memref_squeeze %dma_wait3A_946 : memref<1x2048xf32, #tpu.memory_space<hbm>> -> memref<2048xf32, #tpu.memory_space<hbm>>
        %dma_wait3A_948 = arith.constant 0 : i32
        %dma_wait3A_949 = tpu.memref_slice %arg6[%dma_wait3A_938, %dma_wait3A_948] : memref<16x2048xf32, #tpu.memory_space<vmem>> -> memref<1x2048xf32, #tpu.memory_space<vmem>>
        %dma_wait3A_950 = tpu.memref_squeeze %dma_wait3A_949 : memref<1x2048xf32, #tpu.memory_space<vmem>> -> memref<2048xf32, #tpu.memory_space<vmem>>
        tpu.wait_dma2 semaphore(%arg7 : memref<!tpu.dma_semaphore, #tpu.memory_space<semaphore_mem>>) src(%dma_wait3A_950 : memref<2048xf32, #tpu.memory_space<vmem>>) dst(%dma_wait3A_947 : memref<2048xf32, #tpu.memory_space<hbm>>)
        %dma_wait3A_951 = arith.constant 0 : i32
        %dma_wait3A_952 = arith.constant 0 : i32
        %dma_wait3A_953 = tpu.memref_slice %arg6[%dma_wait3A_951, %dma_wait3A_952] : memref<16x2048xf32, #tpu.memory_space<vmem>> -> memref<1x2048xf32, #tpu.memory_space<vmem>>
        %dma_wait3A_954 = tpu.memref_squeeze %dma_wait3A_953 : memref<1x2048xf32, #tpu.memory_space<vmem>> -> memref<2048xf32, #tpu.memory_space<vmem>>
        %dma_wait3A_955 = arith.constant 0 : i32
        %dma_wait3A_956 = tpu.memref_slice %arg4[%mul3A_2, %dma_wait3A_955] : memref<16384x2048xf32, #tpu.memory_space<hbm>> -> memref<1x2048xf32, #tpu.memory_space<hbm>>
        %dma_wait3A_957 = tpu.memref_squeeze %dma_wait3A_956 : memref<1x2048xf32, #tpu.memory_space<hbm>> -> memref<2048xf32, #tpu.memory_space<hbm>>
        %dma_wait3A_958 = arith.constant 0 : i32
        %dma_wait3A_959 = tpu.memref_slice %arg4[%mul3A_2, %dma_wait3A_958] : memref<16384x2048xf32, #tpu.memory_space<hbm>> -> memref<1x2048xf32, #tpu.memory_space<hbm>>
        %dma_wait3A_960 = tpu.memref_squeeze %dma_wait3A_959 : memref<1x2048xf32, #tpu.memory_space<hbm>> -> memref<2048xf32, #tpu.memory_space<hbm>>
        %dma_wait3A_961 = arith.constant 0 : i32
        %dma_wait3A_962 = tpu.memref_slice %arg6[%dma_wait3A_951, %dma_wait3A_961] : memref<16x2048xf32, #tpu.memory_space<vmem>> -> memref<1x2048xf32, #tpu.memory_space<vmem>>
        %dma_wait3A_963 = tpu.memref_squeeze %dma_wait3A_962 : memref<1x2048xf32, #tpu.memory_space<vmem>> -> memref<2048xf32, #tpu.memory_space<vmem>>
        tpu.wait_dma2 semaphore(%arg7 : memref<!tpu.dma_semaphore, #tpu.memory_space<semaphore_mem>>) src(%dma_wait3A_963 : memref<2048xf32, #tpu.memory_space<vmem>>) dst(%dma_wait3A_960 : memref<2048xf32, #tpu.memory_space<hbm>>)
        %dma_wait3A_964 = arith.constant 0 : i32
        %dma_wait3A_965 = arith.constant 0 : i32
        %dma_wait3A_966 = tpu.memref_slice %arg6[%dma_wait3A_964, %dma_wait3A_965] : memref<16x2048xf32, #tpu.memory_space<vmem>> -> memref<1x2048xf32, #tpu.memory_space<vmem>>
        %dma_wait3A_967 = tpu.memref_squeeze %dma_wait3A_966 : memref<1x2048xf32, #tpu.memory_space<vmem>> -> memref<2048xf32, #tpu.memory_space<vmem>>
        %dma_wait3A_968 = arith.constant 0 : i32
        %dma_wait3A_969 = tpu.memref_slice %arg4[%mul3A_2, %dma_wait3A_968] : memref<16384x2048xf32, #tpu.memory_space<hbm>> -> memref<1x2048xf32, #tpu.memory_space<hbm>>
        %dma_wait3A_970 = tpu.memref_squeeze %dma_wait3A_969 : memref<1x2048xf32, #tpu.memory_space<hbm>> -> memref<2048xf32, #tpu.memory_space<hbm>>
        %dma_wait3A_971 = arith.constant 0 : i32
        %dma_wait3A_972 = tpu.memref_slice %arg4[%mul3A_2, %dma_wait3A_971] : memref<16384x2048xf32, #tpu.memory_space<hbm>> -> memref<1x2048xf32, #tpu.memory_space<hbm>>
        %dma_wait3A_973 = tpu.memref_squeeze %dma_wait3A_972 : memref<1x2048xf32, #tpu.memory_space<hbm>> -> memref<2048xf32, #tpu.memory_space<hbm>>
        %dma_wait3A_974 = arith.constant 0 : i32
        %dma_wait3A_975 = tpu.memref_slice %arg6[%dma_wait3A_964, %dma_wait3A_974] : memref<16x2048xf32, #tpu.memory_space<vmem>> -> memref<1x2048xf32, #tpu.memory_space<vmem>>
        %dma_wait3A_976 = tpu.memref_squeeze %dma_wait3A_975 : memref<1x2048xf32, #tpu.memory_space<vmem>> -> memref<2048xf32, #tpu.memory_space<vmem>>
        tpu.wait_dma2 semaphore(%arg7 : memref<!tpu.dma_semaphore, #tpu.memory_space<semaphore_mem>>) src(%dma_wait3A_976 : memref<2048xf32, #tpu.memory_space<vmem>>) dst(%dma_wait3A_973 : memref<2048xf32, #tpu.memory_space<hbm>>)
        %dma_wait3A_977 = arith.constant 0 : i32
        %dma_wait3A_978 = arith.constant 0 : i32
        %dma_wait3A_979 = tpu.memref_slice %arg6[%dma_wait3A_977, %dma_wait3A_978] : memref<16x2048xf32, #tpu.memory_space<vmem>> -> memref<1x2048xf32, #tpu.memory_space<vmem>>
        %dma_wait3A_980 = tpu.memref_squeeze %dma_wait3A_979 : memref<1x2048xf32, #tpu.memory_space<vmem>> -> memref<2048xf32, #tpu.memory_space<vmem>>
        %dma_wait3A_981 = arith.constant 0 : i32
        %dma_wait3A_982 = tpu.memref_slice %arg4[%mul3A_2, %dma_wait3A_981] : memref<16384x2048xf32, #tpu.memory_space<hbm>> -> memref<1x2048xf32, #tpu.memory_space<hbm>>
        %dma_wait3A_983 = tpu.memref_squeeze %dma_wait3A_982 : memref<1x2048xf32, #tpu.memory_space<hbm>> -> memref<2048xf32, #tpu.memory_space<hbm>>
        %dma_wait3A_984 = arith.constant 0 : i32
        %dma_wait3A_985 = tpu.memref_slice %arg4[%mul3A_2, %dma_wait3A_984] : memref<16384x2048xf32, #tpu.memory_space<hbm>> -> memref<1x2048xf32, #tpu.memory_space<hbm>>
        %dma_wait3A_986 = tpu.memref_squeeze %dma_wait3A_985 : memref<1x2048xf32, #tpu.memory_space<hbm>> -> memref<2048xf32, #tpu.memory_space<hbm>>
        %dma_wait3A_987 = arith.constant 0 : i32
        %dma_wait3A_988 = tpu.memref_slice %arg6[%dma_wait3A_977, %dma_wait3A_987] : memref<16x2048xf32, #tpu.memory_space<vmem>> -> memref<1x2048xf32, #tpu.memory_space<vmem>>
        %dma_wait3A_989 = tpu.memref_squeeze %dma_wait3A_988 : memref<1x2048xf32, #tpu.memory_space<vmem>> -> memref<2048xf32, #tpu.memory_space<vmem>>
        tpu.wait_dma2 semaphore(%arg7 : memref<!tpu.dma_semaphore, #tpu.memory_space<semaphore_mem>>) src(%dma_wait3A_989 : memref<2048xf32, #tpu.memory_space<vmem>>) dst(%dma_wait3A_986 : memref<2048xf32, #tpu.memory_space<hbm>>)
        %dma_wait3A_990 = arith.constant 0 : i32
        %dma_wait3A_991 = arith.constant 0 : i32
        %dma_wait3A_992 = tpu.memref_slice %arg6[%dma_wait3A_990, %dma_wait3A_991] : memref<16x2048xf32, #tpu.memory_space<vmem>> -> memref<1x2048xf32, #tpu.memory_space<vmem>>
        %dma_wait3A_993 = tpu.memref_squeeze %dma_wait3A_992 : memref<1x2048xf32, #tpu.memory_space<vmem>> -> memref<2048xf32, #tpu.memory_space<vmem>>
        %dma_wait3A_994 = arith.constant 0 : i32
        %dma_wait3A_995 = tpu.memref_slice %arg4[%mul3A_2, %dma_wait3A_994] : memref<16384x2048xf32, #tpu.memory_space<hbm>> -> memref<1x2048xf32, #tpu.memory_space<hbm>>
        %dma_wait3A_996 = tpu.memref_squeeze %dma_wait3A_995 : memref<1x2048xf32, #tpu.memory_space<hbm>> -> memref<2048xf32, #tpu.memory_space<hbm>>
        %dma_wait3A_997 = arith.constant 0 : i32
        %dma_wait3A_998 = tpu.memref_slice %arg4[%mul3A_2, %dma_wait3A_997] : memref<16384x2048xf32, #tpu.memory_space<hbm>> -> memref<1x2048xf32, #tpu.memory_space<hbm>>
        %dma_wait3A_999 = tpu.memref_squeeze %dma_wait3A_998 : memref<1x2048xf32, #tpu.memory_space<hbm>> -> memref<2048xf32, #tpu.memory_space<hbm>>
        %dma_wait3A_1000 = arith.constant 0 : i32
        %dma_wait3A_1001 = tpu.memref_slice %arg6[%dma_wait3A_990, %dma_wait3A_1000] : memref<16x2048xf32, #tpu.memory_space<vmem>> -> memref<1x2048xf32, #tpu.memory_space<vmem>>
        %dma_wait3A_1002 = tpu.memref_squeeze %dma_wait3A_1001 : memref<1x2048xf32, #tpu.memory_space<vmem>> -> memref<2048xf32, #tpu.memory_space<vmem>>
        tpu.wait_dma2 semaphore(%arg7 : memref<!tpu.dma_semaphore, #tpu.memory_space<semaphore_mem>>) src(%dma_wait3A_1002 : memref<2048xf32, #tpu.memory_space<vmem>>) dst(%dma_wait3A_999 : memref<2048xf32, #tpu.memory_space<hbm>>)
        %dma_wait3A_1003 = arith.constant 0 : i32
        %dma_wait3A_1004 = arith.constant 0 : i32
        %dma_wait3A_1005 = tpu.memref_slice %arg6[%dma_wait3A_1003, %dma_wait3A_1004] : memref<16x2048xf32, #tpu.memory_space<vmem>> -> memref<1x2048xf32, #tpu.memory_space<vmem>>
        %dma_wait3A_1006 = tpu.memref_squeeze %dma_wait3A_1005 : memref<1x2048xf32, #tpu.memory_space<vmem>> -> memref<2048xf32, #tpu.memory_space<vmem>>
        %dma_wait3A_1007 = arith.constant 0 : i32
        %dma_wait3A_1008 = tpu.memref_slice %arg4[%mul3A_2, %dma_wait3A_1007] : memref<16384x2048xf32, #tpu.memory_space<hbm>> -> memref<1x2048xf32, #tpu.memory_space<hbm>>
        %dma_wait3A_1009 = tpu.memref_squeeze %dma_wait3A_1008 : memref<1x2048xf32, #tpu.memory_space<hbm>> -> memref<2048xf32, #tpu.memory_space<hbm>>
        %dma_wait3A_1010 = arith.constant 0 : i32
        %dma_wait3A_1011 = tpu.memref_slice %arg4[%mul3A_2, %dma_wait3A_1010] : memref<16384x2048xf32, #tpu.memory_space<hbm>> -> memref<1x2048xf32, #tpu.memory_space<hbm>>
        %dma_wait3A_1012 = tpu.memref_squeeze %dma_wait3A_1011 : memref<1x2048xf32, #tpu.memory_space<hbm>> -> memref<2048xf32, #tpu.memory_space<hbm>>
        %dma_wait3A_1013 = arith.constant 0 : i32
        %dma_wait3A_1014 = tpu.memref_slice %arg6[%dma_wait3A_1003, %dma_wait3A_1013] : memref<16x2048xf32, #tpu.memory_space<vmem>> -> memref<1x2048xf32, #tpu.memory_space<vmem>>
        %dma_wait3A_1015 = tpu.memref_squeeze %dma_wait3A_1014 : memref<1x2048xf32, #tpu.memory_space<vmem>> -> memref<2048xf32, #tpu.memory_space<vmem>>
        tpu.wait_dma2 semaphore(%arg7 : memref<!tpu.dma_semaphore, #tpu.memory_space<semaphore_mem>>) src(%dma_wait3A_1015 : memref<2048xf32, #tpu.memory_space<vmem>>) dst(%dma_wait3A_1012 : memref<2048xf32, #tpu.memory_space<hbm>>)
        %dma_wait3A_1016 = arith.constant 0 : i32
        %dma_wait3A_1017 = arith.constant 0 : i32
        %dma_wait3A_1018 = tpu.memref_slice %arg6[%dma_wait3A_1016, %dma_wait3A_1017] : memref<16x2048xf32, #tpu.memory_space<vmem>> -> memref<1x2048xf32, #tpu.memory_space<vmem>>
        %dma_wait3A_1019 = tpu.memref_squeeze %dma_wait3A_1018 : memref<1x2048xf32, #tpu.memory_space<vmem>> -> memref<2048xf32, #tpu.memory_space<vmem>>
        %dma_wait3A_1020 = arith.constant 0 : i32
        %dma_wait3A_1021 = tpu.memref_slice %arg4[%mul3A_2, %dma_wait3A_1020] : memref<16384x2048xf32, #tpu.memory_space<hbm>> -> memref<1x2048xf32, #tpu.memory_space<hbm>>
        %dma_wait3A_1022 = tpu.memref_squeeze %dma_wait3A_1021 : memref<1x2048xf32, #tpu.memory_space<hbm>> -> memref<2048xf32, #tpu.memory_space<hbm>>
        %dma_wait3A_1023 = arith.constant 0 : i32
        %dma_wait3A_1024 = tpu.memref_slice %arg4[%mul3A_2, %dma_wait3A_1023] : memref<16384x2048xf32, #tpu.memory_space<hbm>> -> memref<1x2048xf32, #tpu.memory_space<hbm>>
        %dma_wait3A_1025 = tpu.memref_squeeze %dma_wait3A_1024 : memref<1x2048xf32, #tpu.memory_space<hbm>> -> memref<2048xf32, #tpu.memory_space<hbm>>
        %dma_wait3A_1026 = arith.constant 0 : i32
        %dma_wait3A_1027 = tpu.memref_slice %arg6[%dma_wait3A_1016, %dma_wait3A_1026] : memref<16x2048xf32, #tpu.memory_space<vmem>> -> memref<1x2048xf32, #tpu.memory_space<vmem>>
        %dma_wait3A_1028 = tpu.memref_squeeze %dma_wait3A_1027 : memref<1x2048xf32, #tpu.memory_space<vmem>> -> memref<2048xf32, #tpu.memory_space<vmem>>
        tpu.wait_dma2 semaphore(%arg7 : memref<!tpu.dma_semaphore, #tpu.memory_space<semaphore_mem>>) src(%dma_wait3A_1028 : memref<2048xf32, #tpu.memory_space<vmem>>) dst(%dma_wait3A_1025 : memref<2048xf32, #tpu.memory_space<hbm>>)
        %dma_wait3A_1029 = arith.constant 0 : i32
        %dma_wait3A_1030 = arith.constant 0 : i32
        %dma_wait3A_1031 = tpu.memref_slice %arg6[%dma_wait3A_1029, %dma_wait3A_1030] : memref<16x2048xf32, #tpu.memory_space<vmem>> -> memref<1x2048xf32, #tpu.memory_space<vmem>>
        %dma_wait3A_1032 = tpu.memref_squeeze %dma_wait3A_1031 : memref<1x2048xf32, #tpu.memory_space<vmem>> -> memref<2048xf32, #tpu.memory_space<vmem>>
        %dma_wait3A_1033 = arith.constant 0 : i32
        %dma_wait3A_1034 = tpu.memref_slice %arg4[%mul3A_2, %dma_wait3A_1033] : memref<16384x2048xf32, #tpu.memory_space<hbm>> -> memref<1x2048xf32, #tpu.memory_space<hbm>>
        %dma_wait3A_1035 = tpu.memref_squeeze %dma_wait3A_1034 : memref<1x2048xf32, #tpu.memory_space<hbm>> -> memref<2048xf32, #tpu.memory_space<hbm>>
        %dma_wait3A_1036 = arith.constant 0 : i32
        %dma_wait3A_1037 = tpu.memref_slice %arg4[%mul3A_2, %dma_wait3A_1036] : memref<16384x2048xf32, #tpu.memory_space<hbm>> -> memref<1x2048xf32, #tpu.memory_space<hbm>>
        %dma_wait3A_1038 = tpu.memref_squeeze %dma_wait3A_1037 : memref<1x2048xf32, #tpu.memory_space<hbm>> -> memref<2048xf32, #tpu.memory_space<hbm>>
        %dma_wait3A_1039 = arith.constant 0 : i32
        %dma_wait3A_1040 = tpu.memref_slice %arg6[%dma_wait3A_1029, %dma_wait3A_1039] : memref<16x2048xf32, #tpu.memory_space<vmem>> -> memref<1x2048xf32, #tpu.memory_space<vmem>>
        %dma_wait3A_1041 = tpu.memref_squeeze %dma_wait3A_1040 : memref<1x2048xf32, #tpu.memory_space<vmem>> -> memref<2048xf32, #tpu.memory_space<vmem>>
        tpu.wait_dma2 semaphore(%arg7 : memref<!tpu.dma_semaphore, #tpu.memory_space<semaphore_mem>>) src(%dma_wait3A_1041 : memref<2048xf32, #tpu.memory_space<vmem>>) dst(%dma_wait3A_1038 : memref<2048xf32, #tpu.memory_space<hbm>>)
        %dma_wait3A_1042 = arith.constant 0 : i32
        %dma_wait3A_1043 = arith.constant 0 : i32
        %dma_wait3A_1044 = tpu.memref_slice %arg6[%dma_wait3A_1042, %dma_wait3A_1043] : memref<16x2048xf32, #tpu.memory_space<vmem>> -> memref<1x2048xf32, #tpu.memory_space<vmem>>
        %dma_wait3A_1045 = tpu.memref_squeeze %dma_wait3A_1044 : memref<1x2048xf32, #tpu.memory_space<vmem>> -> memref<2048xf32, #tpu.memory_space<vmem>>
        %dma_wait3A_1046 = arith.constant 0 : i32
        %dma_wait3A_1047 = tpu.memref_slice %arg4[%mul3A_2, %dma_wait3A_1046] : memref<16384x2048xf32, #tpu.memory_space<hbm>> -> memref<1x2048xf32, #tpu.memory_space<hbm>>
        %dma_wait3A_1048 = tpu.memref_squeeze %dma_wait3A_1047 : memref<1x2048xf32, #tpu.memory_space<hbm>> -> memref<2048xf32, #tpu.memory_space<hbm>>
        %dma_wait3A_1049 = arith.constant 0 : i32
        %dma_wait3A_1050 = tpu.memref_slice %arg4[%mul3A_2, %dma_wait3A_1049] : memref<16384x2048xf32, #tpu.memory_space<hbm>> -> memref<1x2048xf32, #tpu.memory_space<hbm>>
        %dma_wait3A_1051 = tpu.memref_squeeze %dma_wait3A_1050 : memref<1x2048xf32, #tpu.memory_space<hbm>> -> memref<2048xf32, #tpu.memory_space<hbm>>
        %dma_wait3A_1052 = arith.constant 0 : i32
        %dma_wait3A_1053 = tpu.memref_slice %arg6[%dma_wait3A_1042, %dma_wait3A_1052] : memref<16x2048xf32, #tpu.memory_space<vmem>> -> memref<1x2048xf32, #tpu.memory_space<vmem>>
        %dma_wait3A_1054 = tpu.memref_squeeze %dma_wait3A_1053 : memref<1x2048xf32, #tpu.memory_space<vmem>> -> memref<2048xf32, #tpu.memory_space<vmem>>
        tpu.wait_dma2 semaphore(%arg7 : memref<!tpu.dma_semaphore, #tpu.memory_space<semaphore_mem>>) src(%dma_wait3A_1054 : memref<2048xf32, #tpu.memory_space<vmem>>) dst(%dma_wait3A_1051 : memref<2048xf32, #tpu.memory_space<hbm>>)
        %dma_wait3A_1055 = arith.constant 0 : i32
        %dma_wait3A_1056 = arith.constant 0 : i32
        %dma_wait3A_1057 = tpu.memref_slice %arg6[%dma_wait3A_1055, %dma_wait3A_1056] : memref<16x2048xf32, #tpu.memory_space<vmem>> -> memref<1x2048xf32, #tpu.memory_space<vmem>>
        %dma_wait3A_1058 = tpu.memref_squeeze %dma_wait3A_1057 : memref<1x2048xf32, #tpu.memory_space<vmem>> -> memref<2048xf32, #tpu.memory_space<vmem>>
        %dma_wait3A_1059 = arith.constant 0 : i32
        %dma_wait3A_1060 = tpu.memref_slice %arg4[%mul3A_2, %dma_wait3A_1059] : memref<16384x2048xf32, #tpu.memory_space<hbm>> -> memref<1x2048xf32, #tpu.memory_space<hbm>>
        %dma_wait3A_1061 = tpu.memref_squeeze %dma_wait3A_1060 : memref<1x2048xf32, #tpu.memory_space<hbm>> -> memref<2048xf32, #tpu.memory_space<hbm>>
        %dma_wait3A_1062 = arith.constant 0 : i32
        %dma_wait3A_1063 = tpu.memref_slice %arg4[%mul3A_2, %dma_wait3A_1062] : memref<16384x2048xf32, #tpu.memory_space<hbm>> -> memref<1x2048xf32, #tpu.memory_space<hbm>>
        %dma_wait3A_1064 = tpu.memref_squeeze %dma_wait3A_1063 : memref<1x2048xf32, #tpu.memory_space<hbm>> -> memref<2048xf32, #tpu.memory_space<hbm>>
        %dma_wait3A_1065 = arith.constant 0 : i32
        %dma_wait3A_1066 = tpu.memref_slice %arg6[%dma_wait3A_1055, %dma_wait3A_1065] : memref<16x2048xf32, #tpu.memory_space<vmem>> -> memref<1x2048xf32, #tpu.memory_space<vmem>>
        %dma_wait3A_1067 = tpu.memref_squeeze %dma_wait3A_1066 : memref<1x2048xf32, #tpu.memory_space<vmem>> -> memref<2048xf32, #tpu.memory_space<vmem>>
        tpu.wait_dma2 semaphore(%arg7 : memref<!tpu.dma_semaphore, #tpu.memory_space<semaphore_mem>>) src(%dma_wait3A_1067 : memref<2048xf32, #tpu.memory_space<vmem>>) dst(%dma_wait3A_1064 : memref<2048xf32, #tpu.memory_space<hbm>>)
        %dma_wait3A_1068 = arith.constant 0 : i32
        %dma_wait3A_1069 = arith.constant 0 : i32
        %dma_wait3A_1070 = tpu.memref_slice %arg6[%dma_wait3A_1068, %dma_wait3A_1069] : memref<16x2048xf32, #tpu.memory_space<vmem>> -> memref<1x2048xf32, #tpu.memory_space<vmem>>
        %dma_wait3A_1071 = tpu.memref_squeeze %dma_wait3A_1070 : memref<1x2048xf32, #tpu.memory_space<vmem>> -> memref<2048xf32, #tpu.memory_space<vmem>>
        %dma_wait3A_1072 = arith.constant 0 : i32
        %dma_wait3A_1073 = tpu.memref_slice %arg4[%mul3A_2, %dma_wait3A_1072] : memref<16384x2048xf32, #tpu.memory_space<hbm>> -> memref<1x2048xf32, #tpu.memory_space<hbm>>
        %dma_wait3A_1074 = tpu.memref_squeeze %dma_wait3A_1073 : memref<1x2048xf32, #tpu.memory_space<hbm>> -> memref<2048xf32, #tpu.memory_space<hbm>>
        %dma_wait3A_1075 = arith.constant 0 : i32
        %dma_wait3A_1076 = tpu.memref_slice %arg4[%mul3A_2, %dma_wait3A_1075] : memref<16384x2048xf32, #tpu.memory_space<hbm>> -> memref<1x2048xf32, #tpu.memory_space<hbm>>
        %dma_wait3A_1077 = tpu.memref_squeeze %dma_wait3A_1076 : memref<1x2048xf32, #tpu.memory_space<hbm>> -> memref<2048xf32, #tpu.memory_space<hbm>>
        %dma_wait3A_1078 = arith.constant 0 : i32
        %dma_wait3A_1079 = tpu.memref_slice %arg6[%dma_wait3A_1068, %dma_wait3A_1078] : memref<16x2048xf32, #tpu.memory_space<vmem>> -> memref<1x2048xf32, #tpu.memory_space<vmem>>
        %dma_wait3A_1080 = tpu.memref_squeeze %dma_wait3A_1079 : memref<1x2048xf32, #tpu.memory_space<vmem>> -> memref<2048xf32, #tpu.memory_space<vmem>>
        tpu.wait_dma2 semaphore(%arg7 : memref<!tpu.dma_semaphore, #tpu.memory_space<semaphore_mem>>) src(%dma_wait3A_1080 : memref<2048xf32, #tpu.memory_space<vmem>>) dst(%dma_wait3A_1077 : memref<2048xf32, #tpu.memory_space<hbm>>)
        %dma_wait3A_1081 = arith.constant 0 : i32
        %dma_wait3A_1082 = arith.constant 0 : i32
        %dma_wait3A_1083 = tpu.memref_slice %arg6[%dma_wait3A_1081, %dma_wait3A_1082] : memref<16x2048xf32, #tpu.memory_space<vmem>> -> memref<1x2048xf32, #tpu.memory_space<vmem>>
        %dma_wait3A_1084 = tpu.memref_squeeze %dma_wait3A_1083 : memref<1x2048xf32, #tpu.memory_space<vmem>> -> memref<2048xf32, #tpu.memory_space<vmem>>
        %dma_wait3A_1085 = arith.constant 0 : i32
        %dma_wait3A_1086 = tpu.memref_slice %arg4[%mul3A_2, %dma_wait3A_1085] : memref<16384x2048xf32, #tpu.memory_space<hbm>> -> memref<1x2048xf32, #tpu.memory_space<hbm>>
        %dma_wait3A_1087 = tpu.memref_squeeze %dma_wait3A_1086 : memref<1x2048xf32, #tpu.memory_space<hbm>> -> memref<2048xf32, #tpu.memory_space<hbm>>
        %dma_wait3A_1088 = arith.constant 0 : i32
        %dma_wait3A_1089 = tpu.memref_slice %arg4[%mul3A_2, %dma_wait3A_1088] : memref<16384x2048xf32, #tpu.memory_space<hbm>> -> memref<1x2048xf32, #tpu.memory_space<hbm>>
        %dma_wait3A_1090 = tpu.memref_squeeze %dma_wait3A_1089 : memref<1x2048xf32, #tpu.memory_space<hbm>> -> memref<2048xf32, #tpu.memory_space<hbm>>
        %dma_wait3A_1091 = arith.constant 0 : i32
        %dma_wait3A_1092 = tpu.memref_slice %arg6[%dma_wait3A_1081, %dma_wait3A_1091] : memref<16x2048xf32, #tpu.memory_space<vmem>> -> memref<1x2048xf32, #tpu.memory_space<vmem>>
        %dma_wait3A_1093 = tpu.memref_squeeze %dma_wait3A_1092 : memref<1x2048xf32, #tpu.memory_space<vmem>> -> memref<2048xf32, #tpu.memory_space<vmem>>
        tpu.wait_dma2 semaphore(%arg7 : memref<!tpu.dma_semaphore, #tpu.memory_space<semaphore_mem>>) src(%dma_wait3A_1093 : memref<2048xf32, #tpu.memory_space<vmem>>) dst(%dma_wait3A_1090 : memref<2048xf32, #tpu.memory_space<hbm>>)
        %dma_wait3A_1094 = arith.constant 0 : i32
        %dma_wait3A_1095 = arith.constant 0 : i32
        %dma_wait3A_1096 = tpu.memref_slice %arg6[%dma_wait3A_1094, %dma_wait3A_1095] : memref<16x2048xf32, #tpu.memory_space<vmem>> -> memref<1x2048xf32, #tpu.memory_space<vmem>>
        %dma_wait3A_1097 = tpu.memref_squeeze %dma_wait3A_1096 : memref<1x2048xf32, #tpu.memory_space<vmem>> -> memref<2048xf32, #tpu.memory_space<vmem>>
        %dma_wait3A_1098 = arith.constant 0 : i32
        %dma_wait3A_1099 = tpu.memref_slice %arg4[%mul3A_2, %dma_wait3A_1098] : memref<16384x2048xf32, #tpu.memory_space<hbm>> -> memref<1x2048xf32, #tpu.memory_space<hbm>>
        %dma_wait3A_1100 = tpu.memref_squeeze %dma_wait3A_1099 : memref<1x2048xf32, #tpu.memory_space<hbm>> -> memref<2048xf32, #tpu.memory_space<hbm>>
        %dma_wait3A_1101 = arith.constant 0 : i32
        %dma_wait3A_1102 = tpu.memref_slice %arg4[%mul3A_2, %dma_wait3A_1101] : memref<16384x2048xf32, #tpu.memory_space<hbm>> -> memref<1x2048xf32, #tpu.memory_space<hbm>>
        %dma_wait3A_1103 = tpu.memref_squeeze %dma_wait3A_1102 : memref<1x2048xf32, #tpu.memory_space<hbm>> -> memref<2048xf32, #tpu.memory_space<hbm>>
        %dma_wait3A_1104 = arith.constant 0 : i32
        %dma_wait3A_1105 = tpu.memref_slice %arg6[%dma_wait3A_1094, %dma_wait3A_1104] : memref<16x2048xf32, #tpu.memory_space<vmem>> -> memref<1x2048xf32, #tpu.memory_space<vmem>>
        %dma_wait3A_1106 = tpu.memref_squeeze %dma_wait3A_1105 : memref<1x2048xf32, #tpu.memory_space<vmem>> -> memref<2048xf32, #tpu.memory_space<vmem>>
        tpu.wait_dma2 semaphore(%arg7 : memref<!tpu.dma_semaphore, #tpu.memory_space<semaphore_mem>>) src(%dma_wait3A_1106 : memref<2048xf32, #tpu.memory_space<vmem>>) dst(%dma_wait3A_1103 : memref<2048xf32, #tpu.memory_space<hbm>>)
        %dma_wait3A_1107 = arith.constant 0 : i32
        %dma_wait3A_1108 = arith.constant 0 : i32
        %dma_wait3A_1109 = tpu.memref_slice %arg6[%dma_wait3A_1107, %dma_wait3A_1108] : memref<16x2048xf32, #tpu.memory_space<vmem>> -> memref<1x2048xf32, #tpu.memory_space<vmem>>
        %dma_wait3A_1110 = tpu.memref_squeeze %dma_wait3A_1109 : memref<1x2048xf32, #tpu.memory_space<vmem>> -> memref<2048xf32, #tpu.memory_space<vmem>>
        %dma_wait3A_1111 = arith.constant 0 : i32
        %dma_wait3A_1112 = tpu.memref_slice %arg4[%mul3A_2, %dma_wait3A_1111] : memref<16384x2048xf32, #tpu.memory_space<hbm>> -> memref<1x2048xf32, #tpu.memory_space<hbm>>
        %dma_wait3A_1113 = tpu.memref_squeeze %dma_wait3A_1112 : memref<1x2048xf32, #tpu.memory_space<hbm>> -> memref<2048xf32, #tpu.memory_space<hbm>>
        %dma_wait3A_1114 = arith.constant 0 : i32
        %dma_wait3A_1115 = tpu.memref_slice %arg4[%mul3A_2, %dma_wait3A_1114] : memref<16384x2048xf32, #tpu.memory_space<hbm>> -> memref<1x2048xf32, #tpu.memory_space<hbm>>
        %dma_wait3A_1116 = tpu.memref_squeeze %dma_wait3A_1115 : memref<1x2048xf32, #tpu.memory_space<hbm>> -> memref<2048xf32, #tpu.memory_space<hbm>>
        %dma_wait3A_1117 = arith.constant 0 : i32
        %dma_wait3A_1118 = tpu.memref_slice %arg6[%dma_wait3A_1107, %dma_wait3A_1117] : memref<16x2048xf32, #tpu.memory_space<vmem>> -> memref<1x2048xf32, #tpu.memory_space<vmem>>
        %dma_wait3A_1119 = tpu.memref_squeeze %dma_wait3A_1118 : memref<1x2048xf32, #tpu.memory_space<vmem>> -> memref<2048xf32, #tpu.memory_space<vmem>>
        tpu.wait_dma2 semaphore(%arg7 : memref<!tpu.dma_semaphore, #tpu.memory_space<semaphore_mem>>) src(%dma_wait3A_1119 : memref<2048xf32, #tpu.memory_space<vmem>>) dst(%dma_wait3A_1116 : memref<2048xf32, #tpu.memory_space<hbm>>)
        %dma_wait3A_1120 = arith.constant 0 : i32
        %dma_wait3A_1121 = arith.constant 0 : i32
        %dma_wait3A_1122 = tpu.memref_slice %arg6[%dma_wait3A_1120, %dma_wait3A_1121] : memref<16x2048xf32, #tpu.memory_space<vmem>> -> memref<1x2048xf32, #tpu.memory_space<vmem>>
        %dma_wait3A_1123 = tpu.memref_squeeze %dma_wait3A_1122 : memref<1x2048xf32, #tpu.memory_space<vmem>> -> memref<2048xf32, #tpu.memory_space<vmem>>
        %dma_wait3A_1124 = arith.constant 0 : i32
        %dma_wait3A_1125 = tpu.memref_slice %arg4[%mul3A_2, %dma_wait3A_1124] : memref<16384x2048xf32, #tpu.memory_space<hbm>> -> memref<1x2048xf32, #tpu.memory_space<hbm>>
        %dma_wait3A_1126 = tpu.memref_squeeze %dma_wait3A_1125 : memref<1x2048xf32, #tpu.memory_space<hbm>> -> memref<2048xf32, #tpu.memory_space<hbm>>
        %dma_wait3A_1127 = arith.constant 0 : i32
        %dma_wait3A_1128 = tpu.memref_slice %arg4[%mul3A_2, %dma_wait3A_1127] : memref<16384x2048xf32, #tpu.memory_space<hbm>> -> memref<1x2048xf32, #tpu.memory_space<hbm>>
        %dma_wait3A_1129 = tpu.memref_squeeze %dma_wait3A_1128 : memref<1x2048xf32, #tpu.memory_space<hbm>> -> memref<2048xf32, #tpu.memory_space<hbm>>
        %dma_wait3A_1130 = arith.constant 0 : i32
        %dma_wait3A_1131 = tpu.memref_slice %arg6[%dma_wait3A_1120, %dma_wait3A_1130] : memref<16x2048xf32, #tpu.memory_space<vmem>> -> memref<1x2048xf32, #tpu.memory_space<vmem>>
        %dma_wait3A_1132 = tpu.memref_squeeze %dma_wait3A_1131 : memref<1x2048xf32, #tpu.memory_space<vmem>> -> memref<2048xf32, #tpu.memory_space<vmem>>
        tpu.wait_dma2 semaphore(%arg7 : memref<!tpu.dma_semaphore, #tpu.memory_space<semaphore_mem>>) src(%dma_wait3A_1132 : memref<2048xf32, #tpu.memory_space<vmem>>) dst(%dma_wait3A_1129 : memref<2048xf32, #tpu.memory_space<hbm>>)
        %dma_wait3A_1133 = arith.constant 0 : i32
        %dma_wait3A_1134 = arith.constant 0 : i32
        %dma_wait3A_1135 = tpu.memref_slice %arg6[%dma_wait3A_1133, %dma_wait3A_1134] : memref<16x2048xf32, #tpu.memory_space<vmem>> -> memref<1x2048xf32, #tpu.memory_space<vmem>>
        %dma_wait3A_1136 = tpu.memref_squeeze %dma_wait3A_1135 : memref<1x2048xf32, #tpu.memory_space<vmem>> -> memref<2048xf32, #tpu.memory_space<vmem>>
        %dma_wait3A_1137 = arith.constant 0 : i32
        %dma_wait3A_1138 = tpu.memref_slice %arg4[%mul3A_2, %dma_wait3A_1137] : memref<16384x2048xf32, #tpu.memory_space<hbm>> -> memref<1x2048xf32, #tpu.memory_space<hbm>>
        %dma_wait3A_1139 = tpu.memref_squeeze %dma_wait3A_1138 : memref<1x2048xf32, #tpu.memory_space<hbm>> -> memref<2048xf32, #tpu.memory_space<hbm>>
        %dma_wait3A_1140 = arith.constant 0 : i32
        %dma_wait3A_1141 = tpu.memref_slice %arg4[%mul3A_2, %dma_wait3A_1140] : memref<16384x2048xf32, #tpu.memory_space<hbm>> -> memref<1x2048xf32, #tpu.memory_space<hbm>>
        %dma_wait3A_1142 = tpu.memref_squeeze %dma_wait3A_1141 : memref<1x2048xf32, #tpu.memory_space<hbm>> -> memref<2048xf32, #tpu.memory_space<hbm>>
        %dma_wait3A_1143 = arith.constant 0 : i32
        %dma_wait3A_1144 = tpu.memref_slice %arg6[%dma_wait3A_1133, %dma_wait3A_1143] : memref<16x2048xf32, #tpu.memory_space<vmem>> -> memref<1x2048xf32, #tpu.memory_space<vmem>>
        %dma_wait3A_1145 = tpu.memref_squeeze %dma_wait3A_1144 : memref<1x2048xf32, #tpu.memory_space<vmem>> -> memref<2048xf32, #tpu.memory_space<vmem>>
        tpu.wait_dma2 semaphore(%arg7 : memref<!tpu.dma_semaphore, #tpu.memory_space<semaphore_mem>>) src(%dma_wait3A_1145 : memref<2048xf32, #tpu.memory_space<vmem>>) dst(%dma_wait3A_1142 : memref<2048xf32, #tpu.memory_space<hbm>>)
      } else {
      }
    }
    %scan3A_7 = arith.constant 32 : i32
    %dma_wait3A = arith.constant 0 : i32
    %dma_wait3A_8 = arith.constant 0 : i32
    %dma_wait3A_9 = tpu.memref_slice %arg6[%dma_wait3A, %dma_wait3A_8] : memref<16x2048xf32, #tpu.memory_space<vmem>> -> memref<1x2048xf32, #tpu.memory_space<vmem>>
    %dma_wait3A_10 = tpu.memref_squeeze %dma_wait3A_9 : memref<1x2048xf32, #tpu.memory_space<vmem>> -> memref<2048xf32, #tpu.memory_space<vmem>>
    %dma_wait3A_11 = arith.constant 0 : i32
    %dma_wait3A_12 = tpu.memref_slice %arg4[%mul3A_2, %dma_wait3A_11] : memref<16384x2048xf32, #tpu.memory_space<hbm>> -> memref<1x2048xf32, #tpu.memory_space<hbm>>
    %dma_wait3A_13 = tpu.memref_squeeze %dma_wait3A_12 : memref<1x2048xf32, #tpu.memory_space<hbm>> -> memref<2048xf32, #tpu.memory_space<hbm>>
    %dma_wait3A_14 = arith.constant 0 : i32
    %dma_wait3A_15 = tpu.memref_slice %arg4[%mul3A_2, %dma_wait3A_14] : memref<16384x2048xf32, #tpu.memory_space<hbm>> -> memref<1x2048xf32, #tpu.memory_space<hbm>>
    %dma_wait3A_16 = tpu.memref_squeeze %dma_wait3A_15 : memref<1x2048xf32, #tpu.memory_space<hbm>> -> memref<2048xf32, #tpu.memory_space<hbm>>
    %dma_wait3A_17 = arith.constant 0 : i32
    %dma_wait3A_18 = tpu.memref_slice %arg6[%dma_wait3A, %dma_wait3A_17] : memref<16x2048xf32, #tpu.memory_space<vmem>> -> memref<1x2048xf32, #tpu.memory_space<vmem>>
    %dma_wait3A_19 = tpu.memref_squeeze %dma_wait3A_18 : memref<1x2048xf32, #tpu.memory_space<vmem>> -> memref<2048xf32, #tpu.memory_space<vmem>>
    tpu.wait_dma2 semaphore(%arg7 : memref<!tpu.dma_semaphore, #tpu.memory_space<semaphore_mem>>) src(%dma_wait3A_19 : memref<2048xf32, #tpu.memory_space<vmem>>) dst(%dma_wait3A_16 : memref<2048xf32, #tpu.memory_space<hbm>>)
    %dma_wait3A_20 = arith.constant 0 : i32
    %dma_wait3A_21 = arith.constant 0 : i32
    %dma_wait3A_22 = tpu.memref_slice %arg6[%dma_wait3A_20, %dma_wait3A_21] : memref<16x2048xf32, #tpu.memory_space<vmem>> -> memref<1x2048xf32, #tpu.memory_space<vmem>>
    %dma_wait3A_23 = tpu.memref_squeeze %dma_wait3A_22 : memref<1x2048xf32, #tpu.memory_space<vmem>> -> memref<2048xf32, #tpu.memory_space<vmem>>
    %dma_wait3A_24 = arith.constant 0 : i32
    %dma_wait3A_25 = tpu.memref_slice %arg4[%mul3A_2, %dma_wait3A_24] : memref<16384x2048xf32, #tpu.memory_space<hbm>> -> memref<1x2048xf32, #tpu.memory_space<hbm>>
    %dma_wait3A_26 = tpu.memref_squeeze %dma_wait3A_25 : memref<1x2048xf32, #tpu.memory_space<hbm>> -> memref<2048xf32, #tpu.memory_space<hbm>>
    %dma_wait3A_27 = arith.constant 0 : i32
    %dma_wait3A_28 = tpu.memref_slice %arg4[%mul3A_2, %dma_wait3A_27] : memref<16384x2048xf32, #tpu.memory_space<hbm>> -> memref<1x2048xf32, #tpu.memory_space<hbm>>
    %dma_wait3A_29 = tpu.memref_squeeze %dma_wait3A_28 : memref<1x2048xf32, #tpu.memory_space<hbm>> -> memref<2048xf32, #tpu.memory_space<hbm>>
    %dma_wait3A_30 = arith.constant 0 : i32
    %dma_wait3A_31 = tpu.memref_slice %arg6[%dma_wait3A_20, %dma_wait3A_30] : memref<16x2048xf32, #tpu.memory_space<vmem>> -> memref<1x2048xf32, #tpu.memory_space<vmem>>
    %dma_wait3A_32 = tpu.memref_squeeze %dma_wait3A_31 : memref<1x2048xf32, #tpu.memory_space<vmem>> -> memref<2048xf32, #tpu.memory_space<vmem>>
    tpu.wait_dma2 semaphore(%arg7 : memref<!tpu.dma_semaphore, #tpu.memory_space<semaphore_mem>>) src(%dma_wait3A_32 : memref<2048xf32, #tpu.memory_space<vmem>>) dst(%dma_wait3A_29 : memref<2048xf32, #tpu.memory_space<hbm>>)
    %dma_wait3A_33 = arith.constant 0 : i32
    %dma_wait3A_34 = arith.constant 0 : i32
    %dma_wait3A_35 = tpu.memref_slice %arg6[%dma_wait3A_33, %dma_wait3A_34] : memref<16x2048xf32, #tpu.memory_space<vmem>> -> memref<1x2048xf32, #tpu.memory_space<vmem>>
    %dma_wait3A_36 = tpu.memref_squeeze %dma_wait3A_35 : memref<1x2048xf32, #tpu.memory_space<vmem>> -> memref<2048xf32, #tpu.memory_space<vmem>>
    %dma_wait3A_37 = arith.constant 0 : i32
    %dma_wait3A_38 = tpu.memref_slice %arg4[%mul3A_2, %dma_wait3A_37] : memref<16384x2048xf32, #tpu.memory_space<hbm>> -> memref<1x2048xf32, #tpu.memory_space<hbm>>
    %dma_wait3A_39 = tpu.memref_squeeze %dma_wait3A_38 : memref<1x2048xf32, #tpu.memory_space<hbm>> -> memref<2048xf32, #tpu.memory_space<hbm>>
    %dma_wait3A_40 = arith.constant 0 : i32
    %dma_wait3A_41 = tpu.memref_slice %arg4[%mul3A_2, %dma_wait3A_40] : memref<16384x2048xf32, #tpu.memory_space<hbm>> -> memref<1x2048xf32, #tpu.memory_space<hbm>>
    %dma_wait3A_42 = tpu.memref_squeeze %dma_wait3A_41 : memref<1x2048xf32, #tpu.memory_space<hbm>> -> memref<2048xf32, #tpu.memory_space<hbm>>
    %dma_wait3A_43 = arith.constant 0 : i32
    %dma_wait3A_44 = tpu.memref_slice %arg6[%dma_wait3A_33, %dma_wait3A_43] : memref<16x2048xf32, #tpu.memory_space<vmem>> -> memref<1x2048xf32, #tpu.memory_space<vmem>>
    %dma_wait3A_45 = tpu.memref_squeeze %dma_wait3A_44 : memref<1x2048xf32, #tpu.memory_space<vmem>> -> memref<2048xf32, #tpu.memory_space<vmem>>
    tpu.wait_dma2 semaphore(%arg7 : memref<!tpu.dma_semaphore, #tpu.memory_space<semaphore_mem>>) src(%dma_wait3A_45 : memref<2048xf32, #tpu.memory_space<vmem>>) dst(%dma_wait3A_42 : memref<2048xf32, #tpu.memory_space<hbm>>)
    %dma_wait3A_46 = arith.constant 0 : i32
    %dma_wait3A_47 = arith.constant 0 : i32
    %dma_wait3A_48 = tpu.memref_slice %arg6[%dma_wait3A_46, %dma_wait3A_47] : memref<16x2048xf32, #tpu.memory_space<vmem>> -> memref<1x2048xf32, #tpu.memory_space<vmem>>
    %dma_wait3A_49 = tpu.memref_squeeze %dma_wait3A_48 : memref<1x2048xf32, #tpu.memory_space<vmem>> -> memref<2048xf32, #tpu.memory_space<vmem>>
    %dma_wait3A_50 = arith.constant 0 : i32
    %dma_wait3A_51 = tpu.memref_slice %arg4[%mul3A_2, %dma_wait3A_50] : memref<16384x2048xf32, #tpu.memory_space<hbm>> -> memref<1x2048xf32, #tpu.memory_space<hbm>>
    %dma_wait3A_52 = tpu.memref_squeeze %dma_wait3A_51 : memref<1x2048xf32, #tpu.memory_space<hbm>> -> memref<2048xf32, #tpu.memory_space<hbm>>
    %dma_wait3A_53 = arith.constant 0 : i32
    %dma_wait3A_54 = tpu.memref_slice %arg4[%mul3A_2, %dma_wait3A_53] : memref<16384x2048xf32, #tpu.memory_space<hbm>> -> memref<1x2048xf32, #tpu.memory_space<hbm>>
    %dma_wait3A_55 = tpu.memref_squeeze %dma_wait3A_54 : memref<1x2048xf32, #tpu.memory_space<hbm>> -> memref<2048xf32, #tpu.memory_space<hbm>>
    %dma_wait3A_56 = arith.constant 0 : i32
    %dma_wait3A_57 = tpu.memref_slice %arg6[%dma_wait3A_46, %dma_wait3A_56] : memref<16x2048xf32, #tpu.memory_space<vmem>> -> memref<1x2048xf32, #tpu.memory_space<vmem>>
    %dma_wait3A_58 = tpu.memref_squeeze %dma_wait3A_57 : memref<1x2048xf32, #tpu.memory_space<vmem>> -> memref<2048xf32, #tpu.memory_space<vmem>>
    tpu.wait_dma2 semaphore(%arg7 : memref<!tpu.dma_semaphore, #tpu.memory_space<semaphore_mem>>) src(%dma_wait3A_58 : memref<2048xf32, #tpu.memory_space<vmem>>) dst(%dma_wait3A_55 : memref<2048xf32, #tpu.memory_space<hbm>>)
    %dma_wait3A_59 = arith.constant 0 : i32
    %dma_wait3A_60 = arith.constant 0 : i32
    %dma_wait3A_61 = tpu.memref_slice %arg6[%dma_wait3A_59, %dma_wait3A_60] : memref<16x2048xf32, #tpu.memory_space<vmem>> -> memref<1x2048xf32, #tpu.memory_space<vmem>>
    %dma_wait3A_62 = tpu.memref_squeeze %dma_wait3A_61 : memref<1x2048xf32, #tpu.memory_space<vmem>> -> memref<2048xf32, #tpu.memory_space<vmem>>
    %dma_wait3A_63 = arith.constant 0 : i32
    %dma_wait3A_64 = tpu.memref_slice %arg4[%mul3A_2, %dma_wait3A_63] : memref<16384x2048xf32, #tpu.memory_space<hbm>> -> memref<1x2048xf32, #tpu.memory_space<hbm>>
    %dma_wait3A_65 = tpu.memref_squeeze %dma_wait3A_64 : memref<1x2048xf32, #tpu.memory_space<hbm>> -> memref<2048xf32, #tpu.memory_space<hbm>>
    %dma_wait3A_66 = arith.constant 0 : i32
    %dma_wait3A_67 = tpu.memref_slice %arg4[%mul3A_2, %dma_wait3A_66] : memref<16384x2048xf32, #tpu.memory_space<hbm>> -> memref<1x2048xf32, #tpu.memory_space<hbm>>
    %dma_wait3A_68 = tpu.memref_squeeze %dma_wait3A_67 : memref<1x2048xf32, #tpu.memory_space<hbm>> -> memref<2048xf32, #tpu.memory_space<hbm>>
    %dma_wait3A_69 = arith.constant 0 : i32
    %dma_wait3A_70 = tpu.memref_slice %arg6[%dma_wait3A_59, %dma_wait3A_69] : memref<16x2048xf32, #tpu.memory_space<vmem>> -> memref<1x2048xf32, #tpu.memory_space<vmem>>
    %dma_wait3A_71 = tpu.memref_squeeze %dma_wait3A_70 : memref<1x2048xf32, #tpu.memory_space<vmem>> -> memref<2048xf32, #tpu.memory_space<vmem>>
    tpu.wait_dma2 semaphore(%arg7 : memref<!tpu.dma_semaphore, #tpu.memory_space<semaphore_mem>>) src(%dma_wait3A_71 : memref<2048xf32, #tpu.memory_space<vmem>>) dst(%dma_wait3A_68 : memref<2048xf32, #tpu.memory_space<hbm>>)
    %dma_wait3A_72 = arith.constant 0 : i32
    %dma_wait3A_73 = arith.constant 0 : i32
    %dma_wait3A_74 = tpu.memref_slice %arg6[%dma_wait3A_72, %dma_wait3A_73] : memref<16x2048xf32, #tpu.memory_space<vmem>> -> memref<1x2048xf32, #tpu.memory_space<vmem>>
    %dma_wait3A_75 = tpu.memref_squeeze %dma_wait3A_74 : memref<1x2048xf32, #tpu.memory_space<vmem>> -> memref<2048xf32, #tpu.memory_space<vmem>>
    %dma_wait3A_76 = arith.constant 0 : i32
    %dma_wait3A_77 = tpu.memref_slice %arg4[%mul3A_2, %dma_wait3A_76] : memref<16384x2048xf32, #tpu.memory_space<hbm>> -> memref<1x2048xf32, #tpu.memory_space<hbm>>
    %dma_wait3A_78 = tpu.memref_squeeze %dma_wait3A_77 : memref<1x2048xf32, #tpu.memory_space<hbm>> -> memref<2048xf32, #tpu.memory_space<hbm>>
    %dma_wait3A_79 = arith.constant 0 : i32
    %dma_wait3A_80 = tpu.memref_slice %arg4[%mul3A_2, %dma_wait3A_79] : memref<16384x2048xf32, #tpu.memory_space<hbm>> -> memref<1x2048xf32, #tpu.memory_space<hbm>>
    %dma_wait3A_81 = tpu.memref_squeeze %dma_wait3A_80 : memref<1x2048xf32, #tpu.memory_space<hbm>> -> memref<2048xf32, #tpu.memory_space<hbm>>
    %dma_wait3A_82 = arith.constant 0 : i32
    %dma_wait3A_83 = tpu.memref_slice %arg6[%dma_wait3A_72, %dma_wait3A_82] : memref<16x2048xf32, #tpu.memory_space<vmem>> -> memref<1x2048xf32, #tpu.memory_space<vmem>>
    %dma_wait3A_84 = tpu.memref_squeeze %dma_wait3A_83 : memref<1x2048xf32, #tpu.memory_space<vmem>> -> memref<2048xf32, #tpu.memory_space<vmem>>
    tpu.wait_dma2 semaphore(%arg7 : memref<!tpu.dma_semaphore, #tpu.memory_space<semaphore_mem>>) src(%dma_wait3A_84 : memref<2048xf32, #tpu.memory_space<vmem>>) dst(%dma_wait3A_81 : memref<2048xf32, #tpu.memory_space<hbm>>)
    %dma_wait3A_85 = arith.constant 0 : i32
    %dma_wait3A_86 = arith.constant 0 : i32
    %dma_wait3A_87 = tpu.memref_slice %arg6[%dma_wait3A_85, %dma_wait3A_86] : memref<16x2048xf32, #tpu.memory_space<vmem>> -> memref<1x2048xf32, #tpu.memory_space<vmem>>
    %dma_wait3A_88 = tpu.memref_squeeze %dma_wait3A_87 : memref<1x2048xf32, #tpu.memory_space<vmem>> -> memref<2048xf32, #tpu.memory_space<vmem>>
    %dma_wait3A_89 = arith.constant 0 : i32
    %dma_wait3A_90 = tpu.memref_slice %arg4[%mul3A_2, %dma_wait3A_89] : memref<16384x2048xf32, #tpu.memory_space<hbm>> -> memref<1x2048xf32, #tpu.memory_space<hbm>>
    %dma_wait3A_91 = tpu.memref_squeeze %dma_wait3A_90 : memref<1x2048xf32, #tpu.memory_space<hbm>> -> memref<2048xf32, #tpu.memory_space<hbm>>
    %dma_wait3A_92 = arith.constant 0 : i32
    %dma_wait3A_93 = tpu.memref_slice %arg4[%mul3A_2, %dma_wait3A_92] : memref<16384x2048xf32, #tpu.memory_space<hbm>> -> memref<1x2048xf32, #tpu.memory_space<hbm>>
    %dma_wait3A_94 = tpu.memref_squeeze %dma_wait3A_93 : memref<1x2048xf32, #tpu.memory_space<hbm>> -> memref<2048xf32, #tpu.memory_space<hbm>>
    %dma_wait3A_95 = arith.constant 0 : i32
    %dma_wait3A_96 = tpu.memref_slice %arg6[%dma_wait3A_85, %dma_wait3A_95] : memref<16x2048xf32, #tpu.memory_space<vmem>> -> memref<1x2048xf32, #tpu.memory_space<vmem>>
    %dma_wait3A_97 = tpu.memref_squeeze %dma_wait3A_96 : memref<1x2048xf32, #tpu.memory_space<vmem>> -> memref<2048xf32, #tpu.memory_space<vmem>>
    tpu.wait_dma2 semaphore(%arg7 : memref<!tpu.dma_semaphore, #tpu.memory_space<semaphore_mem>>) src(%dma_wait3A_97 : memref<2048xf32, #tpu.memory_space<vmem>>) dst(%dma_wait3A_94 : memref<2048xf32, #tpu.memory_space<hbm>>)
    %dma_wait3A_98 = arith.constant 0 : i32
    %dma_wait3A_99 = arith.constant 0 : i32
    %dma_wait3A_100 = tpu.memref_slice %arg6[%dma_wait3A_98, %dma_wait3A_99] : memref<16x2048xf32, #tpu.memory_space<vmem>> -> memref<1x2048xf32, #tpu.memory_space<vmem>>
    %dma_wait3A_101 = tpu.memref_squeeze %dma_wait3A_100 : memref<1x2048xf32, #tpu.memory_space<vmem>> -> memref<2048xf32, #tpu.memory_space<vmem>>
    %dma_wait3A_102 = arith.constant 0 : i32
    %dma_wait3A_103 = tpu.memref_slice %arg4[%mul3A_2, %dma_wait3A_102] : memref<16384x2048xf32, #tpu.memory_space<hbm>> -> memref<1x2048xf32, #tpu.memory_space<hbm>>
    %dma_wait3A_104 = tpu.memref_squeeze %dma_wait3A_103 : memref<1x2048xf32, #tpu.memory_space<hbm>> -> memref<2048xf32, #tpu.memory_space<hbm>>
    %dma_wait3A_105 = arith.constant 0 : i32
    %dma_wait3A_106 = tpu.memref_slice %arg4[%mul3A_2, %dma_wait3A_105] : memref<16384x2048xf32, #tpu.memory_space<hbm>> -> memref<1x2048xf32, #tpu.memory_space<hbm>>
    %dma_wait3A_107 = tpu.memref_squeeze %dma_wait3A_106 : memref<1x2048xf32, #tpu.memory_space<hbm>> -> memref<2048xf32, #tpu.memory_space<hbm>>
    %dma_wait3A_108 = arith.constant 0 : i32
    %dma_wait3A_109 = tpu.memref_slice %arg6[%dma_wait3A_98, %dma_wait3A_108] : memref<16x2048xf32, #tpu.memory_space<vmem>> -> memref<1x2048xf32, #tpu.memory_space<vmem>>
    %dma_wait3A_110 = tpu.memref_squeeze %dma_wait3A_109 : memref<1x2048xf32, #tpu.memory_space<vmem>> -> memref<2048xf32, #tpu.memory_space<vmem>>
    tpu.wait_dma2 semaphore(%arg7 : memref<!tpu.dma_semaphore, #tpu.memory_space<semaphore_mem>>) src(%dma_wait3A_110 : memref<2048xf32, #tpu.memory_space<vmem>>) dst(%dma_wait3A_107 : memref<2048xf32, #tpu.memory_space<hbm>>)
    %dma_wait3A_111 = arith.constant 0 : i32
    %dma_wait3A_112 = arith.constant 0 : i32
    %dma_wait3A_113 = tpu.memref_slice %arg6[%dma_wait3A_111, %dma_wait3A_112] : memref<16x2048xf32, #tpu.memory_space<vmem>> -> memref<1x2048xf32, #tpu.memory_space<vmem>>
    %dma_wait3A_114 = tpu.memref_squeeze %dma_wait3A_113 : memref<1x2048xf32, #tpu.memory_space<vmem>> -> memref<2048xf32, #tpu.memory_space<vmem>>
    %dma_wait3A_115 = arith.constant 0 : i32
    %dma_wait3A_116 = tpu.memref_slice %arg4[%mul3A_2, %dma_wait3A_115] : memref<16384x2048xf32, #tpu.memory_space<hbm>> -> memref<1x2048xf32, #tpu.memory_space<hbm>>
    %dma_wait3A_117 = tpu.memref_squeeze %dma_wait3A_116 : memref<1x2048xf32, #tpu.memory_space<hbm>> -> memref<2048xf32, #tpu.memory_space<hbm>>
    %dma_wait3A_118 = arith.constant 0 : i32
    %dma_wait3A_119 = tpu.memref_slice %arg4[%mul3A_2, %dma_wait3A_118] : memref<16384x2048xf32, #tpu.memory_space<hbm>> -> memref<1x2048xf32, #tpu.memory_space<hbm>>
    %dma_wait3A_120 = tpu.memref_squeeze %dma_wait3A_119 : memref<1x2048xf32, #tpu.memory_space<hbm>> -> memref<2048xf32, #tpu.memory_space<hbm>>
    %dma_wait3A_121 = arith.constant 0 : i32
    %dma_wait3A_122 = tpu.memref_slice %arg6[%dma_wait3A_111, %dma_wait3A_121] : memref<16x2048xf32, #tpu.memory_space<vmem>> -> memref<1x2048xf32, #tpu.memory_space<vmem>>
    %dma_wait3A_123 = tpu.memref_squeeze %dma_wait3A_122 : memref<1x2048xf32, #tpu.memory_space<vmem>> -> memref<2048xf32, #tpu.memory_space<vmem>>
    tpu.wait_dma2 semaphore(%arg7 : memref<!tpu.dma_semaphore, #tpu.memory_space<semaphore_mem>>) src(%dma_wait3A_123 : memref<2048xf32, #tpu.memory_space<vmem>>) dst(%dma_wait3A_120 : memref<2048xf32, #tpu.memory_space<hbm>>)
    %dma_wait3A_124 = arith.constant 0 : i32
    %dma_wait3A_125 = arith.constant 0 : i32
    %dma_wait3A_126 = tpu.memref_slice %arg6[%dma_wait3A_124, %dma_wait3A_125] : memref<16x2048xf32, #tpu.memory_space<vmem>> -> memref<1x2048xf32, #tpu.memory_space<vmem>>
    %dma_wait3A_127 = tpu.memref_squeeze %dma_wait3A_126 : memref<1x2048xf32, #tpu.memory_space<vmem>> -> memref<2048xf32, #tpu.memory_space<vmem>>
    %dma_wait3A_128 = arith.constant 0 : i32
    %dma_wait3A_129 = tpu.memref_slice %arg4[%mul3A_2, %dma_wait3A_128] : memref<16384x2048xf32, #tpu.memory_space<hbm>> -> memref<1x2048xf32, #tpu.memory_space<hbm>>
    %dma_wait3A_130 = tpu.memref_squeeze %dma_wait3A_129 : memref<1x2048xf32, #tpu.memory_space<hbm>> -> memref<2048xf32, #tpu.memory_space<hbm>>
    %dma_wait3A_131 = arith.constant 0 : i32
    %dma_wait3A_132 = tpu.memref_slice %arg4[%mul3A_2, %dma_wait3A_131] : memref<16384x2048xf32, #tpu.memory_space<hbm>> -> memref<1x2048xf32, #tpu.memory_space<hbm>>
    %dma_wait3A_133 = tpu.memref_squeeze %dma_wait3A_132 : memref<1x2048xf32, #tpu.memory_space<hbm>> -> memref<2048xf32, #tpu.memory_space<hbm>>
    %dma_wait3A_134 = arith.constant 0 : i32
    %dma_wait3A_135 = tpu.memref_slice %arg6[%dma_wait3A_124, %dma_wait3A_134] : memref<16x2048xf32, #tpu.memory_space<vmem>> -> memref<1x2048xf32, #tpu.memory_space<vmem>>
    %dma_wait3A_136 = tpu.memref_squeeze %dma_wait3A_135 : memref<1x2048xf32, #tpu.memory_space<vmem>> -> memref<2048xf32, #tpu.memory_space<vmem>>
    tpu.wait_dma2 semaphore(%arg7 : memref<!tpu.dma_semaphore, #tpu.memory_space<semaphore_mem>>) src(%dma_wait3A_136 : memref<2048xf32, #tpu.memory_space<vmem>>) dst(%dma_wait3A_133 : memref<2048xf32, #tpu.memory_space<hbm>>)
    %dma_wait3A_137 = arith.constant 0 : i32
    %dma_wait3A_138 = arith.constant 0 : i32
    %dma_wait3A_139 = tpu.memref_slice %arg6[%dma_wait3A_137, %dma_wait3A_138] : memref<16x2048xf32, #tpu.memory_space<vmem>> -> memref<1x2048xf32, #tpu.memory_space<vmem>>
    %dma_wait3A_140 = tpu.memref_squeeze %dma_wait3A_139 : memref<1x2048xf32, #tpu.memory_space<vmem>> -> memref<2048xf32, #tpu.memory_space<vmem>>
    %dma_wait3A_141 = arith.constant 0 : i32
    %dma_wait3A_142 = tpu.memref_slice %arg4[%mul3A_2, %dma_wait3A_141] : memref<16384x2048xf32, #tpu.memory_space<hbm>> -> memref<1x2048xf32, #tpu.memory_space<hbm>>
    %dma_wait3A_143 = tpu.memref_squeeze %dma_wait3A_142 : memref<1x2048xf32, #tpu.memory_space<hbm>> -> memref<2048xf32, #tpu.memory_space<hbm>>
    %dma_wait3A_144 = arith.constant 0 : i32
    %dma_wait3A_145 = tpu.memref_slice %arg4[%mul3A_2, %dma_wait3A_144] : memref<16384x2048xf32, #tpu.memory_space<hbm>> -> memref<1x2048xf32, #tpu.memory_space<hbm>>
    %dma_wait3A_146 = tpu.memref_squeeze %dma_wait3A_145 : memref<1x2048xf32, #tpu.memory_space<hbm>> -> memref<2048xf32, #tpu.memory_space<hbm>>
    %dma_wait3A_147 = arith.constant 0 : i32
    %dma_wait3A_148 = tpu.memref_slice %arg6[%dma_wait3A_137, %dma_wait3A_147] : memref<16x2048xf32, #tpu.memory_space<vmem>> -> memref<1x2048xf32, #tpu.memory_space<vmem>>
    %dma_wait3A_149 = tpu.memref_squeeze %dma_wait3A_148 : memref<1x2048xf32, #tpu.memory_space<vmem>> -> memref<2048xf32, #tpu.memory_space<vmem>>
    tpu.wait_dma2 semaphore(%arg7 : memref<!tpu.dma_semaphore, #tpu.memory_space<semaphore_mem>>) src(%dma_wait3A_149 : memref<2048xf32, #tpu.memory_space<vmem>>) dst(%dma_wait3A_146 : memref<2048xf32, #tpu.memory_space<hbm>>)
    %dma_wait3A_150 = arith.constant 0 : i32
    %dma_wait3A_151 = arith.constant 0 : i32
    %dma_wait3A_152 = tpu.memref_slice %arg6[%dma_wait3A_150, %dma_wait3A_151] : memref<16x2048xf32, #tpu.memory_space<vmem>> -> memref<1x2048xf32, #tpu.memory_space<vmem>>
    %dma_wait3A_153 = tpu.memref_squeeze %dma_wait3A_152 : memref<1x2048xf32, #tpu.memory_space<vmem>> -> memref<2048xf32, #tpu.memory_space<vmem>>
    %dma_wait3A_154 = arith.constant 0 : i32
    %dma_wait3A_155 = tpu.memref_slice %arg4[%mul3A_2, %dma_wait3A_154] : memref<16384x2048xf32, #tpu.memory_space<hbm>> -> memref<1x2048xf32, #tpu.memory_space<hbm>>
    %dma_wait3A_156 = tpu.memref_squeeze %dma_wait3A_155 : memref<1x2048xf32, #tpu.memory_space<hbm>> -> memref<2048xf32, #tpu.memory_space<hbm>>
    %dma_wait3A_157 = arith.constant 0 : i32
    %dma_wait3A_158 = tpu.memref_slice %arg4[%mul3A_2, %dma_wait3A_157] : memref<16384x2048xf32, #tpu.memory_space<hbm>> -> memref<1x2048xf32, #tpu.memory_space<hbm>>
    %dma_wait3A_159 = tpu.memref_squeeze %dma_wait3A_158 : memref<1x2048xf32, #tpu.memory_space<hbm>> -> memref<2048xf32, #tpu.memory_space<hbm>>
    %dma_wait3A_160 = arith.constant 0 : i32
    %dma_wait3A_161 = tpu.memref_slice %arg6[%dma_wait3A_150, %dma_wait3A_160] : memref<16x2048xf32, #tpu.memory_space<vmem>> -> memref<1x2048xf32, #tpu.memory_space<vmem>>
    %dma_wait3A_162 = tpu.memref_squeeze %dma_wait3A_161 : memref<1x2048xf32, #tpu.memory_space<vmem>> -> memref<2048xf32, #tpu.memory_space<vmem>>
    tpu.wait_dma2 semaphore(%arg7 : memref<!tpu.dma_semaphore, #tpu.memory_space<semaphore_mem>>) src(%dma_wait3A_162 : memref<2048xf32, #tpu.memory_space<vmem>>) dst(%dma_wait3A_159 : memref<2048xf32, #tpu.memory_space<hbm>>)
    %dma_wait3A_163 = arith.constant 0 : i32
    %dma_wait3A_164 = arith.constant 0 : i32
    %dma_wait3A_165 = tpu.memref_slice %arg6[%dma_wait3A_163, %dma_wait3A_164] : memref<16x2048xf32, #tpu.memory_space<vmem>> -> memref<1x2048xf32, #tpu.memory_space<vmem>>
    %dma_wait3A_166 = tpu.memref_squeeze %dma_wait3A_165 : memref<1x2048xf32, #tpu.memory_space<vmem>> -> memref<2048xf32, #tpu.memory_space<vmem>>
    %dma_wait3A_167 = arith.constant 0 : i32
    %dma_wait3A_168 = tpu.memref_slice %arg4[%mul3A_2, %dma_wait3A_167] : memref<16384x2048xf32, #tpu.memory_space<hbm>> -> memref<1x2048xf32, #tpu.memory_space<hbm>>
    %dma_wait3A_169 = tpu.memref_squeeze %dma_wait3A_168 : memref<1x2048xf32, #tpu.memory_space<hbm>> -> memref<2048xf32, #tpu.memory_space<hbm>>
    %dma_wait3A_170 = arith.constant 0 : i32
    %dma_wait3A_171 = tpu.memref_slice %arg4[%mul3A_2, %dma_wait3A_170] : memref<16384x2048xf32, #tpu.memory_space<hbm>> -> memref<1x2048xf32, #tpu.memory_space<hbm>>
    %dma_wait3A_172 = tpu.memref_squeeze %dma_wait3A_171 : memref<1x2048xf32, #tpu.memory_space<hbm>> -> memref<2048xf32, #tpu.memory_space<hbm>>
    %dma_wait3A_173 = arith.constant 0 : i32
    %dma_wait3A_174 = tpu.memref_slice %arg6[%dma_wait3A_163, %dma_wait3A_173] : memref<16x2048xf32, #tpu.memory_space<vmem>> -> memref<1x2048xf32, #tpu.memory_space<vmem>>
    %dma_wait3A_175 = tpu.memref_squeeze %dma_wait3A_174 : memref<1x2048xf32, #tpu.memory_space<vmem>> -> memref<2048xf32, #tpu.memory_space<vmem>>
    tpu.wait_dma2 semaphore(%arg7 : memref<!tpu.dma_semaphore, #tpu.memory_space<semaphore_mem>>) src(%dma_wait3A_175 : memref<2048xf32, #tpu.memory_space<vmem>>) dst(%dma_wait3A_172 : memref<2048xf32, #tpu.memory_space<hbm>>)
    %dma_wait3A_176 = arith.constant 0 : i32
    %dma_wait3A_177 = arith.constant 0 : i32
    %dma_wait3A_178 = tpu.memref_slice %arg6[%dma_wait3A_176, %dma_wait3A_177] : memref<16x2048xf32, #tpu.memory_space<vmem>> -> memref<1x2048xf32, #tpu.memory_space<vmem>>
    %dma_wait3A_179 = tpu.memref_squeeze %dma_wait3A_178 : memref<1x2048xf32, #tpu.memory_space<vmem>> -> memref<2048xf32, #tpu.memory_space<vmem>>
    %dma_wait3A_180 = arith.constant 0 : i32
    %dma_wait3A_181 = tpu.memref_slice %arg4[%mul3A_2, %dma_wait3A_180] : memref<16384x2048xf32, #tpu.memory_space<hbm>> -> memref<1x2048xf32, #tpu.memory_space<hbm>>
    %dma_wait3A_182 = tpu.memref_squeeze %dma_wait3A_181 : memref<1x2048xf32, #tpu.memory_space<hbm>> -> memref<2048xf32, #tpu.memory_space<hbm>>
    %dma_wait3A_183 = arith.constant 0 : i32
    %dma_wait3A_184 = tpu.memref_slice %arg4[%mul3A_2, %dma_wait3A_183] : memref<16384x2048xf32, #tpu.memory_space<hbm>> -> memref<1x2048xf32, #tpu.memory_space<hbm>>
    %dma_wait3A_185 = tpu.memref_squeeze %dma_wait3A_184 : memref<1x2048xf32, #tpu.memory_space<hbm>> -> memref<2048xf32, #tpu.memory_space<hbm>>
    %dma_wait3A_186 = arith.constant 0 : i32
    %dma_wait3A_187 = tpu.memref_slice %arg6[%dma_wait3A_176, %dma_wait3A_186] : memref<16x2048xf32, #tpu.memory_space<vmem>> -> memref<1x2048xf32, #tpu.memory_space<vmem>>
    %dma_wait3A_188 = tpu.memref_squeeze %dma_wait3A_187 : memref<1x2048xf32, #tpu.memory_space<vmem>> -> memref<2048xf32, #tpu.memory_space<vmem>>
    tpu.wait_dma2 semaphore(%arg7 : memref<!tpu.dma_semaphore, #tpu.memory_space<semaphore_mem>>) src(%dma_wait3A_188 : memref<2048xf32, #tpu.memory_space<vmem>>) dst(%dma_wait3A_185 : memref<2048xf32, #tpu.memory_space<hbm>>)
    %dma_wait3A_189 = arith.constant 0 : i32
    %dma_wait3A_190 = arith.constant 0 : i32
    %dma_wait3A_191 = tpu.memref_slice %arg6[%dma_wait3A_189, %dma_wait3A_190] : memref<16x2048xf32, #tpu.memory_space<vmem>> -> memref<1x2048xf32, #tpu.memory_space<vmem>>
    %dma_wait3A_192 = tpu.memref_squeeze %dma_wait3A_191 : memref<1x2048xf32, #tpu.memory_space<vmem>> -> memref<2048xf32, #tpu.memory_space<vmem>>
    %dma_wait3A_193 = arith.constant 0 : i32
    %dma_wait3A_194 = tpu.memref_slice %arg4[%mul3A_2, %dma_wait3A_193] : memref<16384x2048xf32, #tpu.memory_space<hbm>> -> memref<1x2048xf32, #tpu.memory_space<hbm>>
    %dma_wait3A_195 = tpu.memref_squeeze %dma_wait3A_194 : memref<1x2048xf32, #tpu.memory_space<hbm>> -> memref<2048xf32, #tpu.memory_space<hbm>>
    %dma_wait3A_196 = arith.constant 0 : i32
    %dma_wait3A_197 = tpu.memref_slice %arg4[%mul3A_2, %dma_wait3A_196] : memref<16384x2048xf32, #tpu.memory_space<hbm>> -> memref<1x2048xf32, #tpu.memory_space<hbm>>
    %dma_wait3A_198 = tpu.memref_squeeze %dma_wait3A_197 : memref<1x2048xf32, #tpu.memory_space<hbm>> -> memref<2048xf32, #tpu.memory_space<hbm>>
    %dma_wait3A_199 = arith.constant 0 : i32
    %dma_wait3A_200 = tpu.memref_slice %arg6[%dma_wait3A_189, %dma_wait3A_199] : memref<16x2048xf32, #tpu.memory_space<vmem>> -> memref<1x2048xf32, #tpu.memory_space<vmem>>
    %dma_wait3A_201 = tpu.memref_squeeze %dma_wait3A_200 : memref<1x2048xf32, #tpu.memory_space<vmem>> -> memref<2048xf32, #tpu.memory_space<vmem>>
    tpu.wait_dma2 semaphore(%arg7 : memref<!tpu.dma_semaphore, #tpu.memory_space<semaphore_mem>>) src(%dma_wait3A_201 : memref<2048xf32, #tpu.memory_space<vmem>>) dst(%dma_wait3A_198 : memref<2048xf32, #tpu.memory_space<hbm>>)
    %dma_wait3A_202 = arith.constant 0 : i32
    %dma_wait3A_203 = arith.constant 0 : i32
    %dma_wait3A_204 = tpu.memref_slice %arg6[%dma_wait3A_202, %dma_wait3A_203] : memref<16x2048xf32, #tpu.memory_space<vmem>> -> memref<1x2048xf32, #tpu.memory_space<vmem>>
    %dma_wait3A_205 = tpu.memref_squeeze %dma_wait3A_204 : memref<1x2048xf32, #tpu.memory_space<vmem>> -> memref<2048xf32, #tpu.memory_space<vmem>>
    %dma_wait3A_206 = arith.constant 0 : i32
    %dma_wait3A_207 = tpu.memref_slice %arg4[%mul3A_2, %dma_wait3A_206] : memref<16384x2048xf32, #tpu.memory_space<hbm>> -> memref<1x2048xf32, #tpu.memory_space<hbm>>
    %dma_wait3A_208 = tpu.memref_squeeze %dma_wait3A_207 : memref<1x2048xf32, #tpu.memory_space<hbm>> -> memref<2048xf32, #tpu.memory_space<hbm>>
    %dma_wait3A_209 = arith.constant 0 : i32
    %dma_wait3A_210 = tpu.memref_slice %arg4[%mul3A_2, %dma_wait3A_209] : memref<16384x2048xf32, #tpu.memory_space<hbm>> -> memref<1x2048xf32, #tpu.memory_space<hbm>>
    %dma_wait3A_211 = tpu.memref_squeeze %dma_wait3A_210 : memref<1x2048xf32, #tpu.memory_space<hbm>> -> memref<2048xf32, #tpu.memory_space<hbm>>
    %dma_wait3A_212 = arith.constant 0 : i32
    %dma_wait3A_213 = tpu.memref_slice %arg6[%dma_wait3A_202, %dma_wait3A_212] : memref<16x2048xf32, #tpu.memory_space<vmem>> -> memref<1x2048xf32, #tpu.memory_space<vmem>>
    %dma_wait3A_214 = tpu.memref_squeeze %dma_wait3A_213 : memref<1x2048xf32, #tpu.memory_space<vmem>> -> memref<2048xf32, #tpu.memory_space<vmem>>
    tpu.wait_dma2 semaphore(%arg7 : memref<!tpu.dma_semaphore, #tpu.memory_space<semaphore_mem>>) src(%dma_wait3A_214 : memref<2048xf32, #tpu.memory_space<vmem>>) dst(%dma_wait3A_211 : memref<2048xf32, #tpu.memory_space<hbm>>)
    %dma_wait3A_215 = arith.constant 0 : i32
    %dma_wait3A_216 = arith.constant 0 : i32
    %dma_wait3A_217 = tpu.memref_slice %arg6[%dma_wait3A_215, %dma_wait3A_216] : memref<16x2048xf32, #tpu.memory_space<vmem>> -> memref<1x2048xf32, #tpu.memory_space<vmem>>
    %dma_wait3A_218 = tpu.memref_squeeze %dma_wait3A_217 : memref<1x2048xf32, #tpu.memory_space<vmem>> -> memref<2048xf32, #tpu.memory_space<vmem>>
    %dma_wait3A_219 = arith.constant 0 : i32
    %dma_wait3A_220 = tpu.memref_slice %arg4[%mul3A_2, %dma_wait3A_219] : memref<16384x2048xf32, #tpu.memory_space<hbm>> -> memref<1x2048xf32, #tpu.memory_space<hbm>>
    %dma_wait3A_221 = tpu.memref_squeeze %dma_wait3A_220 : memref<1x2048xf32, #tpu.memory_space<hbm>> -> memref<2048xf32, #tpu.memory_space<hbm>>
    %dma_wait3A_222 = arith.constant 0 : i32
    %dma_wait3A_223 = tpu.memref_slice %arg4[%mul3A_2, %dma_wait3A_222] : memref<16384x2048xf32, #tpu.memory_space<hbm>> -> memref<1x2048xf32, #tpu.memory_space<hbm>>
    %dma_wait3A_224 = tpu.memref_squeeze %dma_wait3A_223 : memref<1x2048xf32, #tpu.memory_space<hbm>> -> memref<2048xf32, #tpu.memory_space<hbm>>
    %dma_wait3A_225 = arith.constant 0 : i32
    %dma_wait3A_226 = tpu.memref_slice %arg6[%dma_wait3A_215, %dma_wait3A_225] : memref<16x2048xf32, #tpu.memory_space<vmem>> -> memref<1x2048xf32, #tpu.memory_space<vmem>>
    %dma_wait3A_227 = tpu.memref_squeeze %dma_wait3A_226 : memref<1x2048xf32, #tpu.memory_space<vmem>> -> memref<2048xf32, #tpu.memory_space<vmem>>
    tpu.wait_dma2 semaphore(%arg7 : memref<!tpu.dma_semaphore, #tpu.memory_space<semaphore_mem>>) src(%dma_wait3A_227 : memref<2048xf32, #tpu.memory_space<vmem>>) dst(%dma_wait3A_224 : memref<2048xf32, #tpu.memory_space<hbm>>)
    %dma_wait3A_228 = arith.constant 0 : i32
    %dma_wait3A_229 = arith.constant 0 : i32
    %dma_wait3A_230 = tpu.memref_slice %arg6[%dma_wait3A_228, %dma_wait3A_229] : memref<16x2048xf32, #tpu.memory_space<vmem>> -> memref<1x2048xf32, #tpu.memory_space<vmem>>
    %dma_wait3A_231 = tpu.memref_squeeze %dma_wait3A_230 : memref<1x2048xf32, #tpu.memory_space<vmem>> -> memref<2048xf32, #tpu.memory_space<vmem>>
    %dma_wait3A_232 = arith.constant 0 : i32
    %dma_wait3A_233 = tpu.memref_slice %arg4[%mul3A_2, %dma_wait3A_232] : memref<16384x2048xf32, #tpu.memory_space<hbm>> -> memref<1x2048xf32, #tpu.memory_space<hbm>>
    %dma_wait3A_234 = tpu.memref_squeeze %dma_wait3A_233 : memref<1x2048xf32, #tpu.memory_space<hbm>> -> memref<2048xf32, #tpu.memory_space<hbm>>
    %dma_wait3A_235 = arith.constant 0 : i32
    %dma_wait3A_236 = tpu.memref_slice %arg4[%mul3A_2, %dma_wait3A_235] : memref<16384x2048xf32, #tpu.memory_space<hbm>> -> memref<1x2048xf32, #tpu.memory_space<hbm>>
    %dma_wait3A_237 = tpu.memref_squeeze %dma_wait3A_236 : memref<1x2048xf32, #tpu.memory_space<hbm>> -> memref<2048xf32, #tpu.memory_space<hbm>>
    %dma_wait3A_238 = arith.constant 0 : i32
    %dma_wait3A_239 = tpu.memref_slice %arg6[%dma_wait3A_228, %dma_wait3A_238] : memref<16x2048xf32, #tpu.memory_space<vmem>> -> memref<1x2048xf32, #tpu.memory_space<vmem>>
    %dma_wait3A_240 = tpu.memref_squeeze %dma_wait3A_239 : memref<1x2048xf32, #tpu.memory_space<vmem>> -> memref<2048xf32, #tpu.memory_space<vmem>>
    tpu.wait_dma2 semaphore(%arg7 : memref<!tpu.dma_semaphore, #tpu.memory_space<semaphore_mem>>) src(%dma_wait3A_240 : memref<2048xf32, #tpu.memory_space<vmem>>) dst(%dma_wait3A_237 : memref<2048xf32, #tpu.memory_space<hbm>>)
    %dma_wait3A_241 = arith.constant 0 : i32
    %dma_wait3A_242 = arith.constant 0 : i32
    %dma_wait3A_243 = tpu.memref_slice %arg6[%dma_wait3A_241, %dma_wait3A_242] : memref<16x2048xf32, #tpu.memory_space<vmem>> -> memref<1x2048xf32, #tpu.memory_space<vmem>>
    %dma_wait3A_244 = tpu.memref_squeeze %dma_wait3A_243 : memref<1x2048xf32, #tpu.memory_space<vmem>> -> memref<2048xf32, #tpu.memory_space<vmem>>
    %dma_wait3A_245 = arith.constant 0 : i32
    %dma_wait3A_246 = tpu.memref_slice %arg4[%mul3A_2, %dma_wait3A_245] : memref<16384x2048xf32, #tpu.memory_space<hbm>> -> memref<1x2048xf32, #tpu.memory_space<hbm>>
    %dma_wait3A_247 = tpu.memref_squeeze %dma_wait3A_246 : memref<1x2048xf32, #tpu.memory_space<hbm>> -> memref<2048xf32, #tpu.memory_space<hbm>>
    %dma_wait3A_248 = arith.constant 0 : i32
    %dma_wait3A_249 = tpu.memref_slice %arg4[%mul3A_2, %dma_wait3A_248] : memref<16384x2048xf32, #tpu.memory_space<hbm>> -> memref<1x2048xf32, #tpu.memory_space<hbm>>
    %dma_wait3A_250 = tpu.memref_squeeze %dma_wait3A_249 : memref<1x2048xf32, #tpu.memory_space<hbm>> -> memref<2048xf32, #tpu.memory_space<hbm>>
    %dma_wait3A_251 = arith.constant 0 : i32
    %dma_wait3A_252 = tpu.memref_slice %arg6[%dma_wait3A_241, %dma_wait3A_251] : memref<16x2048xf32, #tpu.memory_space<vmem>> -> memref<1x2048xf32, #tpu.memory_space<vmem>>
    %dma_wait3A_253 = tpu.memref_squeeze %dma_wait3A_252 : memref<1x2048xf32, #tpu.memory_space<vmem>> -> memref<2048xf32, #tpu.memory_space<vmem>>
    tpu.wait_dma2 semaphore(%arg7 : memref<!tpu.dma_semaphore, #tpu.memory_space<semaphore_mem>>) src(%dma_wait3A_253 : memref<2048xf32, #tpu.memory_space<vmem>>) dst(%dma_wait3A_250 : memref<2048xf32, #tpu.memory_space<hbm>>)
    %dma_wait3A_254 = arith.constant 0 : i32
    %dma_wait3A_255 = arith.constant 0 : i32
    %dma_wait3A_256 = tpu.memref_slice %arg6[%dma_wait3A_254, %dma_wait3A_255] : memref<16x2048xf32, #tpu.memory_space<vmem>> -> memref<1x2048xf32, #tpu.memory_space<vmem>>
    %dma_wait3A_257 = tpu.memref_squeeze %dma_wait3A_256 : memref<1x2048xf32, #tpu.memory_space<vmem>> -> memref<2048xf32, #tpu.memory_space<vmem>>
    %dma_wait3A_258 = arith.constant 0 : i32
    %dma_wait3A_259 = tpu.memref_slice %arg4[%mul3A_2, %dma_wait3A_258] : memref<16384x2048xf32, #tpu.memory_space<hbm>> -> memref<1x2048xf32, #tpu.memory_space<hbm>>
    %dma_wait3A_260 = tpu.memref_squeeze %dma_wait3A_259 : memref<1x2048xf32, #tpu.memory_space<hbm>> -> memref<2048xf32, #tpu.memory_space<hbm>>
    %dma_wait3A_261 = arith.constant 0 : i32
    %dma_wait3A_262 = tpu.memref_slice %arg4[%mul3A_2, %dma_wait3A_261] : memref<16384x2048xf32, #tpu.memory_space<hbm>> -> memref<1x2048xf32, #tpu.memory_space<hbm>>
    %dma_wait3A_263 = tpu.memref_squeeze %dma_wait3A_262 : memref<1x2048xf32, #tpu.memory_space<hbm>> -> memref<2048xf32, #tpu.memory_space<hbm>>
    %dma_wait3A_264 = arith.constant 0 : i32
    %dma_wait3A_265 = tpu.memref_slice %arg6[%dma_wait3A_254, %dma_wait3A_264] : memref<16x2048xf32, #tpu.memory_space<vmem>> -> memref<1x2048xf32, #tpu.memory_space<vmem>>
    %dma_wait3A_266 = tpu.memref_squeeze %dma_wait3A_265 : memref<1x2048xf32, #tpu.memory_space<vmem>> -> memref<2048xf32, #tpu.memory_space<vmem>>
    tpu.wait_dma2 semaphore(%arg7 : memref<!tpu.dma_semaphore, #tpu.memory_space<semaphore_mem>>) src(%dma_wait3A_266 : memref<2048xf32, #tpu.memory_space<vmem>>) dst(%dma_wait3A_263 : memref<2048xf32, #tpu.memory_space<hbm>>)
    %dma_wait3A_267 = arith.constant 0 : i32
    %dma_wait3A_268 = arith.constant 0 : i32
    %dma_wait3A_269 = tpu.memref_slice %arg6[%dma_wait3A_267, %dma_wait3A_268] : memref<16x2048xf32, #tpu.memory_space<vmem>> -> memref<1x2048xf32, #tpu.memory_space<vmem>>
    %dma_wait3A_270 = tpu.memref_squeeze %dma_wait3A_269 : memref<1x2048xf32, #tpu.memory_space<vmem>> -> memref<2048xf32, #tpu.memory_space<vmem>>
    %dma_wait3A_271 = arith.constant 0 : i32
    %dma_wait3A_272 = tpu.memref_slice %arg4[%mul3A_2, %dma_wait3A_271] : memref<16384x2048xf32, #tpu.memory_space<hbm>> -> memref<1x2048xf32, #tpu.memory_space<hbm>>
    %dma_wait3A_273 = tpu.memref_squeeze %dma_wait3A_272 : memref<1x2048xf32, #tpu.memory_space<hbm>> -> memref<2048xf32, #tpu.memory_space<hbm>>
    %dma_wait3A_274 = arith.constant 0 : i32
    %dma_wait3A_275 = tpu.memref_slice %arg4[%mul3A_2, %dma_wait3A_274] : memref<16384x2048xf32, #tpu.memory_space<hbm>> -> memref<1x2048xf32, #tpu.memory_space<hbm>>
    %dma_wait3A_276 = tpu.memref_squeeze %dma_wait3A_275 : memref<1x2048xf32, #tpu.memory_space<hbm>> -> memref<2048xf32, #tpu.memory_space<hbm>>
    %dma_wait3A_277 = arith.constant 0 : i32
    %dma_wait3A_278 = tpu.memref_slice %arg6[%dma_wait3A_267, %dma_wait3A_277] : memref<16x2048xf32, #tpu.memory_space<vmem>> -> memref<1x2048xf32, #tpu.memory_space<vmem>>
    %dma_wait3A_279 = tpu.memref_squeeze %dma_wait3A_278 : memref<1x2048xf32, #tpu.memory_space<vmem>> -> memref<2048xf32, #tpu.memory_space<vmem>>
    tpu.wait_dma2 semaphore(%arg7 : memref<!tpu.dma_semaphore, #tpu.memory_space<semaphore_mem>>) src(%dma_wait3A_279 : memref<2048xf32, #tpu.memory_space<vmem>>) dst(%dma_wait3A_276 : memref<2048xf32, #tpu.memory_space<hbm>>)
    %dma_wait3A_280 = arith.constant 0 : i32
    %dma_wait3A_281 = arith.constant 0 : i32
    %dma_wait3A_282 = tpu.memref_slice %arg6[%dma_wait3A_280, %dma_wait3A_281] : memref<16x2048xf32, #tpu.memory_space<vmem>> -> memref<1x2048xf32, #tpu.memory_space<vmem>>
    %dma_wait3A_283 = tpu.memref_squeeze %dma_wait3A_282 : memref<1x2048xf32, #tpu.memory_space<vmem>> -> memref<2048xf32, #tpu.memory_space<vmem>>
    %dma_wait3A_284 = arith.constant 0 : i32
    %dma_wait3A_285 = tpu.memref_slice %arg4[%mul3A_2, %dma_wait3A_284] : memref<16384x2048xf32, #tpu.memory_space<hbm>> -> memref<1x2048xf32, #tpu.memory_space<hbm>>
    %dma_wait3A_286 = tpu.memref_squeeze %dma_wait3A_285 : memref<1x2048xf32, #tpu.memory_space<hbm>> -> memref<2048xf32, #tpu.memory_space<hbm>>
    %dma_wait3A_287 = arith.constant 0 : i32
    %dma_wait3A_288 = tpu.memref_slice %arg4[%mul3A_2, %dma_wait3A_287] : memref<16384x2048xf32, #tpu.memory_space<hbm>> -> memref<1x2048xf32, #tpu.memory_space<hbm>>
    %dma_wait3A_289 = tpu.memref_squeeze %dma_wait3A_288 : memref<1x2048xf32, #tpu.memory_space<hbm>> -> memref<2048xf32, #tpu.memory_space<hbm>>
    %dma_wait3A_290 = arith.constant 0 : i32
    %dma_wait3A_291 = tpu.memref_slice %arg6[%dma_wait3A_280, %dma_wait3A_290] : memref<16x2048xf32, #tpu.memory_space<vmem>> -> memref<1x2048xf32, #tpu.memory_space<vmem>>
    %dma_wait3A_292 = tpu.memref_squeeze %dma_wait3A_291 : memref<1x2048xf32, #tpu.memory_space<vmem>> -> memref<2048xf32, #tpu.memory_space<vmem>>
    tpu.wait_dma2 semaphore(%arg7 : memref<!tpu.dma_semaphore, #tpu.memory_space<semaphore_mem>>) src(%dma_wait3A_292 : memref<2048xf32, #tpu.memory_space<vmem>>) dst(%dma_wait3A_289 : memref<2048xf32, #tpu.memory_space<hbm>>)
    %dma_wait3A_293 = arith.constant 0 : i32
    %dma_wait3A_294 = arith.constant 0 : i32
    %dma_wait3A_295 = tpu.memref_slice %arg6[%dma_wait3A_293, %dma_wait3A_294] : memref<16x2048xf32, #tpu.memory_space<vmem>> -> memref<1x2048xf32, #tpu.memory_space<vmem>>
    %dma_wait3A_296 = tpu.memref_squeeze %dma_wait3A_295 : memref<1x2048xf32, #tpu.memory_space<vmem>> -> memref<2048xf32, #tpu.memory_space<vmem>>
    %dma_wait3A_297 = arith.constant 0 : i32
    %dma_wait3A_298 = tpu.memref_slice %arg4[%mul3A_2, %dma_wait3A_297] : memref<16384x2048xf32, #tpu.memory_space<hbm>> -> memref<1x2048xf32, #tpu.memory_space<hbm>>
    %dma_wait3A_299 = tpu.memref_squeeze %dma_wait3A_298 : memref<1x2048xf32, #tpu.memory_space<hbm>> -> memref<2048xf32, #tpu.memory_space<hbm>>
    %dma_wait3A_300 = arith.constant 0 : i32
    %dma_wait3A_301 = tpu.memref_slice %arg4[%mul3A_2, %dma_wait3A_300] : memref<16384x2048xf32, #tpu.memory_space<hbm>> -> memref<1x2048xf32, #tpu.memory_space<hbm>>
    %dma_wait3A_302 = tpu.memref_squeeze %dma_wait3A_301 : memref<1x2048xf32, #tpu.memory_space<hbm>> -> memref<2048xf32, #tpu.memory_space<hbm>>
    %dma_wait3A_303 = arith.constant 0 : i32
    %dma_wait3A_304 = tpu.memref_slice %arg6[%dma_wait3A_293, %dma_wait3A_303] : memref<16x2048xf32, #tpu.memory_space<vmem>> -> memref<1x2048xf32, #tpu.memory_space<vmem>>
    %dma_wait3A_305 = tpu.memref_squeeze %dma_wait3A_304 : memref<1x2048xf32, #tpu.memory_space<vmem>> -> memref<2048xf32, #tpu.memory_space<vmem>>
    tpu.wait_dma2 semaphore(%arg7 : memref<!tpu.dma_semaphore, #tpu.memory_space<semaphore_mem>>) src(%dma_wait3A_305 : memref<2048xf32, #tpu.memory_space<vmem>>) dst(%dma_wait3A_302 : memref<2048xf32, #tpu.memory_space<hbm>>)
    %dma_wait3A_306 = arith.constant 0 : i32
    %dma_wait3A_307 = arith.constant 0 : i32
    %dma_wait3A_308 = tpu.memref_slice %arg6[%dma_wait3A_306, %dma_wait3A_307] : memref<16x2048xf32, #tpu.memory_space<vmem>> -> memref<1x2048xf32, #tpu.memory_space<vmem>>
    %dma_wait3A_309 = tpu.memref_squeeze %dma_wait3A_308 : memref<1x2048xf32, #tpu.memory_space<vmem>> -> memref<2048xf32, #tpu.memory_space<vmem>>
    %dma_wait3A_310 = arith.constant 0 : i32
    %dma_wait3A_311 = tpu.memref_slice %arg4[%mul3A_2, %dma_wait3A_310] : memref<16384x2048xf32, #tpu.memory_space<hbm>> -> memref<1x2048xf32, #tpu.memory_space<hbm>>
    %dma_wait3A_312 = tpu.memref_squeeze %dma_wait3A_311 : memref<1x2048xf32, #tpu.memory_space<hbm>> -> memref<2048xf32, #tpu.memory_space<hbm>>
    %dma_wait3A_313 = arith.constant 0 : i32
    %dma_wait3A_314 = tpu.memref_slice %arg4[%mul3A_2, %dma_wait3A_313] : memref<16384x2048xf32, #tpu.memory_space<hbm>> -> memref<1x2048xf32, #tpu.memory_space<hbm>>
    %dma_wait3A_315 = tpu.memref_squeeze %dma_wait3A_314 : memref<1x2048xf32, #tpu.memory_space<hbm>> -> memref<2048xf32, #tpu.memory_space<hbm>>
    %dma_wait3A_316 = arith.constant 0 : i32
    %dma_wait3A_317 = tpu.memref_slice %arg6[%dma_wait3A_306, %dma_wait3A_316] : memref<16x2048xf32, #tpu.memory_space<vmem>> -> memref<1x2048xf32, #tpu.memory_space<vmem>>
    %dma_wait3A_318 = tpu.memref_squeeze %dma_wait3A_317 : memref<1x2048xf32, #tpu.memory_space<vmem>> -> memref<2048xf32, #tpu.memory_space<vmem>>
    tpu.wait_dma2 semaphore(%arg7 : memref<!tpu.dma_semaphore, #tpu.memory_space<semaphore_mem>>) src(%dma_wait3A_318 : memref<2048xf32, #tpu.memory_space<vmem>>) dst(%dma_wait3A_315 : memref<2048xf32, #tpu.memory_space<hbm>>)
    %dma_wait3A_319 = arith.constant 0 : i32
    %dma_wait3A_320 = arith.constant 0 : i32
    %dma_wait3A_321 = tpu.memref_slice %arg6[%dma_wait3A_319, %dma_wait3A_320] : memref<16x2048xf32, #tpu.memory_space<vmem>> -> memref<1x2048xf32, #tpu.memory_space<vmem>>
    %dma_wait3A_322 = tpu.memref_squeeze %dma_wait3A_321 : memref<1x2048xf32, #tpu.memory_space<vmem>> -> memref<2048xf32, #tpu.memory_space<vmem>>
    %dma_wait3A_323 = arith.constant 0 : i32
    %dma_wait3A_324 = tpu.memref_slice %arg4[%mul3A_2, %dma_wait3A_323] : memref<16384x2048xf32, #tpu.memory_space<hbm>> -> memref<1x2048xf32, #tpu.memory_space<hbm>>
    %dma_wait3A_325 = tpu.memref_squeeze %dma_wait3A_324 : memref<1x2048xf32, #tpu.memory_space<hbm>> -> memref<2048xf32, #tpu.memory_space<hbm>>
    %dma_wait3A_326 = arith.constant 0 : i32
    %dma_wait3A_327 = tpu.memref_slice %arg4[%mul3A_2, %dma_wait3A_326] : memref<16384x2048xf32, #tpu.memory_space<hbm>> -> memref<1x2048xf32, #tpu.memory_space<hbm>>
    %dma_wait3A_328 = tpu.memref_squeeze %dma_wait3A_327 : memref<1x2048xf32, #tpu.memory_space<hbm>> -> memref<2048xf32, #tpu.memory_space<hbm>>
    %dma_wait3A_329 = arith.constant 0 : i32
    %dma_wait3A_330 = tpu.memref_slice %arg6[%dma_wait3A_319, %dma_wait3A_329] : memref<16x2048xf32, #tpu.memory_space<vmem>> -> memref<1x2048xf32, #tpu.memory_space<vmem>>
    %dma_wait3A_331 = tpu.memref_squeeze %dma_wait3A_330 : memref<1x2048xf32, #tpu.memory_space<vmem>> -> memref<2048xf32, #tpu.memory_space<vmem>>
    tpu.wait_dma2 semaphore(%arg7 : memref<!tpu.dma_semaphore, #tpu.memory_space<semaphore_mem>>) src(%dma_wait3A_331 : memref<2048xf32, #tpu.memory_space<vmem>>) dst(%dma_wait3A_328 : memref<2048xf32, #tpu.memory_space<hbm>>)
    %dma_wait3A_332 = arith.constant 0 : i32
    %dma_wait3A_333 = arith.constant 0 : i32
    %dma_wait3A_334 = tpu.memref_slice %arg6[%dma_wait3A_332, %dma_wait3A_333] : memref<16x2048xf32, #tpu.memory_space<vmem>> -> memref<1x2048xf32, #tpu.memory_space<vmem>>
    %dma_wait3A_335 = tpu.memref_squeeze %dma_wait3A_334 : memref<1x2048xf32, #tpu.memory_space<vmem>> -> memref<2048xf32, #tpu.memory_space<vmem>>
    %dma_wait3A_336 = arith.constant 0 : i32
    %dma_wait3A_337 = tpu.memref_slice %arg4[%mul3A_2, %dma_wait3A_336] : memref<16384x2048xf32, #tpu.memory_space<hbm>> -> memref<1x2048xf32, #tpu.memory_space<hbm>>
    %dma_wait3A_338 = tpu.memref_squeeze %dma_wait3A_337 : memref<1x2048xf32, #tpu.memory_space<hbm>> -> memref<2048xf32, #tpu.memory_space<hbm>>
    %dma_wait3A_339 = arith.constant 0 : i32
    %dma_wait3A_340 = tpu.memref_slice %arg4[%mul3A_2, %dma_wait3A_339] : memref<16384x2048xf32, #tpu.memory_space<hbm>> -> memref<1x2048xf32, #tpu.memory_space<hbm>>
    %dma_wait3A_341 = tpu.memref_squeeze %dma_wait3A_340 : memref<1x2048xf32, #tpu.memory_space<hbm>> -> memref<2048xf32, #tpu.memory_space<hbm>>
    %dma_wait3A_342 = arith.constant 0 : i32
    %dma_wait3A_343 = tpu.memref_slice %arg6[%dma_wait3A_332, %dma_wait3A_342] : memref<16x2048xf32, #tpu.memory_space<vmem>> -> memref<1x2048xf32, #tpu.memory_space<vmem>>
    %dma_wait3A_344 = tpu.memref_squeeze %dma_wait3A_343 : memref<1x2048xf32, #tpu.memory_space<vmem>> -> memref<2048xf32, #tpu.memory_space<vmem>>
    tpu.wait_dma2 semaphore(%arg7 : memref<!tpu.dma_semaphore, #tpu.memory_space<semaphore_mem>>) src(%dma_wait3A_344 : memref<2048xf32, #tpu.memory_space<vmem>>) dst(%dma_wait3A_341 : memref<2048xf32, #tpu.memory_space<hbm>>)
    %dma_wait3A_345 = arith.constant 0 : i32
    %dma_wait3A_346 = arith.constant 0 : i32
    %dma_wait3A_347 = tpu.memref_slice %arg6[%dma_wait3A_345, %dma_wait3A_346] : memref<16x2048xf32, #tpu.memory_space<vmem>> -> memref<1x2048xf32, #tpu.memory_space<vmem>>
    %dma_wait3A_348 = tpu.memref_squeeze %dma_wait3A_347 : memref<1x2048xf32, #tpu.memory_space<vmem>> -> memref<2048xf32, #tpu.memory_space<vmem>>
    %dma_wait3A_349 = arith.constant 0 : i32
    %dma_wait3A_350 = tpu.memref_slice %arg4[%mul3A_2, %dma_wait3A_349] : memref<16384x2048xf32, #tpu.memory_space<hbm>> -> memref<1x2048xf32, #tpu.memory_space<hbm>>
    %dma_wait3A_351 = tpu.memref_squeeze %dma_wait3A_350 : memref<1x2048xf32, #tpu.memory_space<hbm>> -> memref<2048xf32, #tpu.memory_space<hbm>>
    %dma_wait3A_352 = arith.constant 0 : i32
    %dma_wait3A_353 = tpu.memref_slice %arg4[%mul3A_2, %dma_wait3A_352] : memref<16384x2048xf32, #tpu.memory_space<hbm>> -> memref<1x2048xf32, #tpu.memory_space<hbm>>
    %dma_wait3A_354 = tpu.memref_squeeze %dma_wait3A_353 : memref<1x2048xf32, #tpu.memory_space<hbm>> -> memref<2048xf32, #tpu.memory_space<hbm>>
    %dma_wait3A_355 = arith.constant 0 : i32
    %dma_wait3A_356 = tpu.memref_slice %arg6[%dma_wait3A_345, %dma_wait3A_355] : memref<16x2048xf32, #tpu.memory_space<vmem>> -> memref<1x2048xf32, #tpu.memory_space<vmem>>
    %dma_wait3A_357 = tpu.memref_squeeze %dma_wait3A_356 : memref<1x2048xf32, #tpu.memory_space<vmem>> -> memref<2048xf32, #tpu.memory_space<vmem>>
    tpu.wait_dma2 semaphore(%arg7 : memref<!tpu.dma_semaphore, #tpu.memory_space<semaphore_mem>>) src(%dma_wait3A_357 : memref<2048xf32, #tpu.memory_space<vmem>>) dst(%dma_wait3A_354 : memref<2048xf32, #tpu.memory_space<hbm>>)
    %dma_wait3A_358 = arith.constant 0 : i32
    %dma_wait3A_359 = arith.constant 0 : i32
    %dma_wait3A_360 = tpu.memref_slice %arg6[%dma_wait3A_358, %dma_wait3A_359] : memref<16x2048xf32, #tpu.memory_space<vmem>> -> memref<1x2048xf32, #tpu.memory_space<vmem>>
    %dma_wait3A_361 = tpu.memref_squeeze %dma_wait3A_360 : memref<1x2048xf32, #tpu.memory_space<vmem>> -> memref<2048xf32, #tpu.memory_space<vmem>>
    %dma_wait3A_362 = arith.constant 0 : i32
    %dma_wait3A_363 = tpu.memref_slice %arg4[%mul3A_2, %dma_wait3A_362] : memref<16384x2048xf32, #tpu.memory_space<hbm>> -> memref<1x2048xf32, #tpu.memory_space<hbm>>
    %dma_wait3A_364 = tpu.memref_squeeze %dma_wait3A_363 : memref<1x2048xf32, #tpu.memory_space<hbm>> -> memref<2048xf32, #tpu.memory_space<hbm>>
    %dma_wait3A_365 = arith.constant 0 : i32
    %dma_wait3A_366 = tpu.memref_slice %arg4[%mul3A_2, %dma_wait3A_365] : memref<16384x2048xf32, #tpu.memory_space<hbm>> -> memref<1x2048xf32, #tpu.memory_space<hbm>>
    %dma_wait3A_367 = tpu.memref_squeeze %dma_wait3A_366 : memref<1x2048xf32, #tpu.memory_space<hbm>> -> memref<2048xf32, #tpu.memory_space<hbm>>
    %dma_wait3A_368 = arith.constant 0 : i32
    %dma_wait3A_369 = tpu.memref_slice %arg6[%dma_wait3A_358, %dma_wait3A_368] : memref<16x2048xf32, #tpu.memory_space<vmem>> -> memref<1x2048xf32, #tpu.memory_space<vmem>>
    %dma_wait3A_370 = tpu.memref_squeeze %dma_wait3A_369 : memref<1x2048xf32, #tpu.memory_space<vmem>> -> memref<2048xf32, #tpu.memory_space<vmem>>
    tpu.wait_dma2 semaphore(%arg7 : memref<!tpu.dma_semaphore, #tpu.memory_space<semaphore_mem>>) src(%dma_wait3A_370 : memref<2048xf32, #tpu.memory_space<vmem>>) dst(%dma_wait3A_367 : memref<2048xf32, #tpu.memory_space<hbm>>)
    %dma_wait3A_371 = arith.constant 0 : i32
    %dma_wait3A_372 = arith.constant 0 : i32
    %dma_wait3A_373 = tpu.memref_slice %arg6[%dma_wait3A_371, %dma_wait3A_372] : memref<16x2048xf32, #tpu.memory_space<vmem>> -> memref<1x2048xf32, #tpu.memory_space<vmem>>
    %dma_wait3A_374 = tpu.memref_squeeze %dma_wait3A_373 : memref<1x2048xf32, #tpu.memory_space<vmem>> -> memref<2048xf32, #tpu.memory_space<vmem>>
    %dma_wait3A_375 = arith.constant 0 : i32
    %dma_wait3A_376 = tpu.memref_slice %arg4[%mul3A_2, %dma_wait3A_375] : memref<16384x2048xf32, #tpu.memory_space<hbm>> -> memref<1x2048xf32, #tpu.memory_space<hbm>>
    %dma_wait3A_377 = tpu.memref_squeeze %dma_wait3A_376 : memref<1x2048xf32, #tpu.memory_space<hbm>> -> memref<2048xf32, #tpu.memory_space<hbm>>
    %dma_wait3A_378 = arith.constant 0 : i32
    %dma_wait3A_379 = tpu.memref_slice %arg4[%mul3A_2, %dma_wait3A_378] : memref<16384x2048xf32, #tpu.memory_space<hbm>> -> memref<1x2048xf32, #tpu.memory_space<hbm>>
    %dma_wait3A_380 = tpu.memref_squeeze %dma_wait3A_379 : memref<1x2048xf32, #tpu.memory_space<hbm>> -> memref<2048xf32, #tpu.memory_space<hbm>>
    %dma_wait3A_381 = arith.constant 0 : i32
    %dma_wait3A_382 = tpu.memref_slice %arg6[%dma_wait3A_371, %dma_wait3A_381] : memref<16x2048xf32, #tpu.memory_space<vmem>> -> memref<1x2048xf32, #tpu.memory_space<vmem>>
    %dma_wait3A_383 = tpu.memref_squeeze %dma_wait3A_382 : memref<1x2048xf32, #tpu.memory_space<vmem>> -> memref<2048xf32, #tpu.memory_space<vmem>>
    tpu.wait_dma2 semaphore(%arg7 : memref<!tpu.dma_semaphore, #tpu.memory_space<semaphore_mem>>) src(%dma_wait3A_383 : memref<2048xf32, #tpu.memory_space<vmem>>) dst(%dma_wait3A_380 : memref<2048xf32, #tpu.memory_space<hbm>>)
    %dma_wait3A_384 = arith.constant 0 : i32
    %dma_wait3A_385 = arith.constant 0 : i32
    %dma_wait3A_386 = tpu.memref_slice %arg6[%dma_wait3A_384, %dma_wait3A_385] : memref<16x2048xf32, #tpu.memory_space<vmem>> -> memref<1x2048xf32, #tpu.memory_space<vmem>>
    %dma_wait3A_387 = tpu.memref_squeeze %dma_wait3A_386 : memref<1x2048xf32, #tpu.memory_space<vmem>> -> memref<2048xf32, #tpu.memory_space<vmem>>
    %dma_wait3A_388 = arith.constant 0 : i32
    %dma_wait3A_389 = tpu.memref_slice %arg4[%mul3A_2, %dma_wait3A_388] : memref<16384x2048xf32, #tpu.memory_space<hbm>> -> memref<1x2048xf32, #tpu.memory_space<hbm>>
    %dma_wait3A_390 = tpu.memref_squeeze %dma_wait3A_389 : memref<1x2048xf32, #tpu.memory_space<hbm>> -> memref<2048xf32, #tpu.memory_space<hbm>>
    %dma_wait3A_391 = arith.constant 0 : i32
    %dma_wait3A_392 = tpu.memref_slice %arg4[%mul3A_2, %dma_wait3A_391] : memref<16384x2048xf32, #tpu.memory_space<hbm>> -> memref<1x2048xf32, #tpu.memory_space<hbm>>
    %dma_wait3A_393 = tpu.memref_squeeze %dma_wait3A_392 : memref<1x2048xf32, #tpu.memory_space<hbm>> -> memref<2048xf32, #tpu.memory_space<hbm>>
    %dma_wait3A_394 = arith.constant 0 : i32
    %dma_wait3A_395 = tpu.memref_slice %arg6[%dma_wait3A_384, %dma_wait3A_394] : memref<16x2048xf32, #tpu.memory_space<vmem>> -> memref<1x2048xf32, #tpu.memory_space<vmem>>
    %dma_wait3A_396 = tpu.memref_squeeze %dma_wait3A_395 : memref<1x2048xf32, #tpu.memory_space<vmem>> -> memref<2048xf32, #tpu.memory_space<vmem>>
    tpu.wait_dma2 semaphore(%arg7 : memref<!tpu.dma_semaphore, #tpu.memory_space<semaphore_mem>>) src(%dma_wait3A_396 : memref<2048xf32, #tpu.memory_space<vmem>>) dst(%dma_wait3A_393 : memref<2048xf32, #tpu.memory_space<hbm>>)
    %dma_wait3A_397 = arith.constant 0 : i32
    %dma_wait3A_398 = arith.constant 0 : i32
    %dma_wait3A_399 = tpu.memref_slice %arg6[%dma_wait3A_397, %dma_wait3A_398] : memref<16x2048xf32, #tpu.memory_space<vmem>> -> memref<1x2048xf32, #tpu.memory_space<vmem>>
    %dma_wait3A_400 = tpu.memref_squeeze %dma_wait3A_399 : memref<1x2048xf32, #tpu.memory_space<vmem>> -> memref<2048xf32, #tpu.memory_space<vmem>>
    %dma_wait3A_401 = arith.constant 0 : i32
    %dma_wait3A_402 = tpu.memref_slice %arg4[%mul3A_2, %dma_wait3A_401] : memref<16384x2048xf32, #tpu.memory_space<hbm>> -> memref<1x2048xf32, #tpu.memory_space<hbm>>
    %dma_wait3A_403 = tpu.memref_squeeze %dma_wait3A_402 : memref<1x2048xf32, #tpu.memory_space<hbm>> -> memref<2048xf32, #tpu.memory_space<hbm>>
    %dma_wait3A_404 = arith.constant 0 : i32
    %dma_wait3A_405 = tpu.memref_slice %arg4[%mul3A_2, %dma_wait3A_404] : memref<16384x2048xf32, #tpu.memory_space<hbm>> -> memref<1x2048xf32, #tpu.memory_space<hbm>>
    %dma_wait3A_406 = tpu.memref_squeeze %dma_wait3A_405 : memref<1x2048xf32, #tpu.memory_space<hbm>> -> memref<2048xf32, #tpu.memory_space<hbm>>
    %dma_wait3A_407 = arith.constant 0 : i32
    %dma_wait3A_408 = tpu.memref_slice %arg6[%dma_wait3A_397, %dma_wait3A_407] : memref<16x2048xf32, #tpu.memory_space<vmem>> -> memref<1x2048xf32, #tpu.memory_space<vmem>>
    %dma_wait3A_409 = tpu.memref_squeeze %dma_wait3A_408 : memref<1x2048xf32, #tpu.memory_space<vmem>> -> memref<2048xf32, #tpu.memory_space<vmem>>
    tpu.wait_dma2 semaphore(%arg7 : memref<!tpu.dma_semaphore, #tpu.memory_space<semaphore_mem>>) src(%dma_wait3A_409 : memref<2048xf32, #tpu.memory_space<vmem>>) dst(%dma_wait3A_406 : memref<2048xf32, #tpu.memory_space<hbm>>)
    %dma_wait3A_410 = arith.constant 0 : i32
    %dma_wait3A_411 = arith.constant 0 : i32
    %dma_wait3A_412 = tpu.memref_slice %arg6[%dma_wait3A_410, %dma_wait3A_411] : memref<16x2048xf32, #tpu.memory_space<vmem>> -> memref<1x2048xf32, #tpu.memory_space<vmem>>
    %dma_wait3A_413 = tpu.memref_squeeze %dma_wait3A_412 : memref<1x2048xf32, #tpu.memory_space<vmem>> -> memref<2048xf32, #tpu.memory_space<vmem>>
    %dma_wait3A_414 = arith.constant 0 : i32
    %dma_wait3A_415 = tpu.memref_slice %arg4[%mul3A_2, %dma_wait3A_414] : memref<16384x2048xf32, #tpu.memory_space<hbm>> -> memref<1x2048xf32, #tpu.memory_space<hbm>>
    %dma_wait3A_416 = tpu.memref_squeeze %dma_wait3A_415 : memref<1x2048xf32, #tpu.memory_space<hbm>> -> memref<2048xf32, #tpu.memory_space<hbm>>
    %dma_wait3A_417 = arith.constant 0 : i32
    %dma_wait3A_418 = tpu.memref_slice %arg4[%mul3A_2, %dma_wait3A_417] : memref<16384x2048xf32, #tpu.memory_space<hbm>> -> memref<1x2048xf32, #tpu.memory_space<hbm>>
    %dma_wait3A_419 = tpu.memref_squeeze %dma_wait3A_418 : memref<1x2048xf32, #tpu.memory_space<hbm>> -> memref<2048xf32, #tpu.memory_space<hbm>>
    %dma_wait3A_420 = arith.constant 0 : i32
    %dma_wait3A_421 = tpu.memref_slice %arg6[%dma_wait3A_410, %dma_wait3A_420] : memref<16x2048xf32, #tpu.memory_space<vmem>> -> memref<1x2048xf32, #tpu.memory_space<vmem>>
    %dma_wait3A_422 = tpu.memref_squeeze %dma_wait3A_421 : memref<1x2048xf32, #tpu.memory_space<vmem>> -> memref<2048xf32, #tpu.memory_space<vmem>>
    tpu.wait_dma2 semaphore(%arg7 : memref<!tpu.dma_semaphore, #tpu.memory_space<semaphore_mem>>) src(%dma_wait3A_422 : memref<2048xf32, #tpu.memory_space<vmem>>) dst(%dma_wait3A_419 : memref<2048xf32, #tpu.memory_space<hbm>>)
    %dma_wait3A_423 = arith.constant 0 : i32
    %dma_wait3A_424 = arith.constant 0 : i32
    %dma_wait3A_425 = tpu.memref_slice %arg6[%dma_wait3A_423, %dma_wait3A_424] : memref<16x2048xf32, #tpu.memory_space<vmem>> -> memref<1x2048xf32, #tpu.memory_space<vmem>>
    %dma_wait3A_426 = tpu.memref_squeeze %dma_wait3A_425 : memref<1x2048xf32, #tpu.memory_space<vmem>> -> memref<2048xf32, #tpu.memory_space<vmem>>
    %dma_wait3A_427 = arith.constant 0 : i32
    %dma_wait3A_428 = tpu.memref_slice %arg4[%mul3A_2, %dma_wait3A_427] : memref<16384x2048xf32, #tpu.memory_space<hbm>> -> memref<1x2048xf32, #tpu.memory_space<hbm>>
    %dma_wait3A_429 = tpu.memref_squeeze %dma_wait3A_428 : memref<1x2048xf32, #tpu.memory_space<hbm>> -> memref<2048xf32, #tpu.memory_space<hbm>>
    %dma_wait3A_430 = arith.constant 0 : i32
    %dma_wait3A_431 = tpu.memref_slice %arg4[%mul3A_2, %dma_wait3A_430] : memref<16384x2048xf32, #tpu.memory_space<hbm>> -> memref<1x2048xf32, #tpu.memory_space<hbm>>
    %dma_wait3A_432 = tpu.memref_squeeze %dma_wait3A_431 : memref<1x2048xf32, #tpu.memory_space<hbm>> -> memref<2048xf32, #tpu.memory_space<hbm>>
    %dma_wait3A_433 = arith.constant 0 : i32
    %dma_wait3A_434 = tpu.memref_slice %arg6[%dma_wait3A_423, %dma_wait3A_433] : memref<16x2048xf32, #tpu.memory_space<vmem>> -> memref<1x2048xf32, #tpu.memory_space<vmem>>
    %dma_wait3A_435 = tpu.memref_squeeze %dma_wait3A_434 : memref<1x2048xf32, #tpu.memory_space<vmem>> -> memref<2048xf32, #tpu.memory_space<vmem>>
    tpu.wait_dma2 semaphore(%arg7 : memref<!tpu.dma_semaphore, #tpu.memory_space<semaphore_mem>>) src(%dma_wait3A_435 : memref<2048xf32, #tpu.memory_space<vmem>>) dst(%dma_wait3A_432 : memref<2048xf32, #tpu.memory_space<hbm>>)
    %dma_wait3A_436 = arith.constant 0 : i32
    %dma_wait3A_437 = arith.constant 0 : i32
    %dma_wait3A_438 = tpu.memref_slice %arg6[%dma_wait3A_436, %dma_wait3A_437] : memref<16x2048xf32, #tpu.memory_space<vmem>> -> memref<1x2048xf32, #tpu.memory_space<vmem>>
    %dma_wait3A_439 = tpu.memref_squeeze %dma_wait3A_438 : memref<1x2048xf32, #tpu.memory_space<vmem>> -> memref<2048xf32, #tpu.memory_space<vmem>>
    %dma_wait3A_440 = arith.constant 0 : i32
    %dma_wait3A_441 = tpu.memref_slice %arg4[%mul3A_2, %dma_wait3A_440] : memref<16384x2048xf32, #tpu.memory_space<hbm>> -> memref<1x2048xf32, #tpu.memory_space<hbm>>
    %dma_wait3A_442 = tpu.memref_squeeze %dma_wait3A_441 : memref<1x2048xf32, #tpu.memory_space<hbm>> -> memref<2048xf32, #tpu.memory_space<hbm>>
    %dma_wait3A_443 = arith.constant 0 : i32
    %dma_wait3A_444 = tpu.memref_slice %arg4[%mul3A_2, %dma_wait3A_443] : memref<16384x2048xf32, #tpu.memory_space<hbm>> -> memref<1x2048xf32, #tpu.memory_space<hbm>>
    %dma_wait3A_445 = tpu.memref_squeeze %dma_wait3A_444 : memref<1x2048xf32, #tpu.memory_space<hbm>> -> memref<2048xf32, #tpu.memory_space<hbm>>
    %dma_wait3A_446 = arith.constant 0 : i32
    %dma_wait3A_447 = tpu.memref_slice %arg6[%dma_wait3A_436, %dma_wait3A_446] : memref<16x2048xf32, #tpu.memory_space<vmem>> -> memref<1x2048xf32, #tpu.memory_space<vmem>>
    %dma_wait3A_448 = tpu.memref_squeeze %dma_wait3A_447 : memref<1x2048xf32, #tpu.memory_space<vmem>> -> memref<2048xf32, #tpu.memory_space<vmem>>
    tpu.wait_dma2 semaphore(%arg7 : memref<!tpu.dma_semaphore, #tpu.memory_space<semaphore_mem>>) src(%dma_wait3A_448 : memref<2048xf32, #tpu.memory_space<vmem>>) dst(%dma_wait3A_445 : memref<2048xf32, #tpu.memory_space<hbm>>)
    %dma_wait3A_449 = arith.constant 0 : i32
    %dma_wait3A_450 = arith.constant 0 : i32
    %dma_wait3A_451 = tpu.memref_slice %arg6[%dma_wait3A_449, %dma_wait3A_450] : memref<16x2048xf32, #tpu.memory_space<vmem>> -> memref<1x2048xf32, #tpu.memory_space<vmem>>
    %dma_wait3A_452 = tpu.memref_squeeze %dma_wait3A_451 : memref<1x2048xf32, #tpu.memory_space<vmem>> -> memref<2048xf32, #tpu.memory_space<vmem>>
    %dma_wait3A_453 = arith.constant 0 : i32
    %dma_wait3A_454 = tpu.memref_slice %arg4[%mul3A_2, %dma_wait3A_453] : memref<16384x2048xf32, #tpu.memory_space<hbm>> -> memref<1x2048xf32, #tpu.memory_space<hbm>>
    %dma_wait3A_455 = tpu.memref_squeeze %dma_wait3A_454 : memref<1x2048xf32, #tpu.memory_space<hbm>> -> memref<2048xf32, #tpu.memory_space<hbm>>
    %dma_wait3A_456 = arith.constant 0 : i32
    %dma_wait3A_457 = tpu.memref_slice %arg4[%mul3A_2, %dma_wait3A_456] : memref<16384x2048xf32, #tpu.memory_space<hbm>> -> memref<1x2048xf32, #tpu.memory_space<hbm>>
    %dma_wait3A_458 = tpu.memref_squeeze %dma_wait3A_457 : memref<1x2048xf32, #tpu.memory_space<hbm>> -> memref<2048xf32, #tpu.memory_space<hbm>>
    %dma_wait3A_459 = arith.constant 0 : i32
    %dma_wait3A_460 = tpu.memref_slice %arg6[%dma_wait3A_449, %dma_wait3A_459] : memref<16x2048xf32, #tpu.memory_space<vmem>> -> memref<1x2048xf32, #tpu.memory_space<vmem>>
    %dma_wait3A_461 = tpu.memref_squeeze %dma_wait3A_460 : memref<1x2048xf32, #tpu.memory_space<vmem>> -> memref<2048xf32, #tpu.memory_space<vmem>>
    tpu.wait_dma2 semaphore(%arg7 : memref<!tpu.dma_semaphore, #tpu.memory_space<semaphore_mem>>) src(%dma_wait3A_461 : memref<2048xf32, #tpu.memory_space<vmem>>) dst(%dma_wait3A_458 : memref<2048xf32, #tpu.memory_space<hbm>>)
    %dma_wait3A_462 = arith.constant 0 : i32
    %dma_wait3A_463 = arith.constant 0 : i32
    %dma_wait3A_464 = tpu.memref_slice %arg6[%dma_wait3A_462, %dma_wait3A_463] : memref<16x2048xf32, #tpu.memory_space<vmem>> -> memref<1x2048xf32, #tpu.memory_space<vmem>>
    %dma_wait3A_465 = tpu.memref_squeeze %dma_wait3A_464 : memref<1x2048xf32, #tpu.memory_space<vmem>> -> memref<2048xf32, #tpu.memory_space<vmem>>
    %dma_wait3A_466 = arith.constant 0 : i32
    %dma_wait3A_467 = tpu.memref_slice %arg4[%mul3A_2, %dma_wait3A_466] : memref<16384x2048xf32, #tpu.memory_space<hbm>> -> memref<1x2048xf32, #tpu.memory_space<hbm>>
    %dma_wait3A_468 = tpu.memref_squeeze %dma_wait3A_467 : memref<1x2048xf32, #tpu.memory_space<hbm>> -> memref<2048xf32, #tpu.memory_space<hbm>>
    %dma_wait3A_469 = arith.constant 0 : i32
    %dma_wait3A_470 = tpu.memref_slice %arg4[%mul3A_2, %dma_wait3A_469] : memref<16384x2048xf32, #tpu.memory_space<hbm>> -> memref<1x2048xf32, #tpu.memory_space<hbm>>
    %dma_wait3A_471 = tpu.memref_squeeze %dma_wait3A_470 : memref<1x2048xf32, #tpu.memory_space<hbm>> -> memref<2048xf32, #tpu.memory_space<hbm>>
    %dma_wait3A_472 = arith.constant 0 : i32
    %dma_wait3A_473 = tpu.memref_slice %arg6[%dma_wait3A_462, %dma_wait3A_472] : memref<16x2048xf32, #tpu.memory_space<vmem>> -> memref<1x2048xf32, #tpu.memory_space<vmem>>
    %dma_wait3A_474 = tpu.memref_squeeze %dma_wait3A_473 : memref<1x2048xf32, #tpu.memory_space<vmem>> -> memref<2048xf32, #tpu.memory_space<vmem>>
    tpu.wait_dma2 semaphore(%arg7 : memref<!tpu.dma_semaphore, #tpu.memory_space<semaphore_mem>>) src(%dma_wait3A_474 : memref<2048xf32, #tpu.memory_space<vmem>>) dst(%dma_wait3A_471 : memref<2048xf32, #tpu.memory_space<hbm>>)
    %dma_wait3A_475 = arith.constant 0 : i32
    %dma_wait3A_476 = arith.constant 0 : i32
    %dma_wait3A_477 = tpu.memref_slice %arg6[%dma_wait3A_475, %dma_wait3A_476] : memref<16x2048xf32, #tpu.memory_space<vmem>> -> memref<1x2048xf32, #tpu.memory_space<vmem>>
    %dma_wait3A_478 = tpu.memref_squeeze %dma_wait3A_477 : memref<1x2048xf32, #tpu.memory_space<vmem>> -> memref<2048xf32, #tpu.memory_space<vmem>>
    %dma_wait3A_479 = arith.constant 0 : i32
    %dma_wait3A_480 = tpu.memref_slice %arg4[%mul3A_2, %dma_wait3A_479] : memref<16384x2048xf32, #tpu.memory_space<hbm>> -> memref<1x2048xf32, #tpu.memory_space<hbm>>
    %dma_wait3A_481 = tpu.memref_squeeze %dma_wait3A_480 : memref<1x2048xf32, #tpu.memory_space<hbm>> -> memref<2048xf32, #tpu.memory_space<hbm>>
    %dma_wait3A_482 = arith.constant 0 : i32
    %dma_wait3A_483 = tpu.memref_slice %arg4[%mul3A_2, %dma_wait3A_482] : memref<16384x2048xf32, #tpu.memory_space<hbm>> -> memref<1x2048xf32, #tpu.memory_space<hbm>>
    %dma_wait3A_484 = tpu.memref_squeeze %dma_wait3A_483 : memref<1x2048xf32, #tpu.memory_space<hbm>> -> memref<2048xf32, #tpu.memory_space<hbm>>
    %dma_wait3A_485 = arith.constant 0 : i32
    %dma_wait3A_486 = tpu.memref_slice %arg6[%dma_wait3A_475, %dma_wait3A_485] : memref<16x2048xf32, #tpu.memory_space<vmem>> -> memref<1x2048xf32, #tpu.memory_space<vmem>>
    %dma_wait3A_487 = tpu.memref_squeeze %dma_wait3A_486 : memref<1x2048xf32, #tpu.memory_space<vmem>> -> memref<2048xf32, #tpu.memory_space<vmem>>
    tpu.wait_dma2 semaphore(%arg7 : memref<!tpu.dma_semaphore, #tpu.memory_space<semaphore_mem>>) src(%dma_wait3A_487 : memref<2048xf32, #tpu.memory_space<vmem>>) dst(%dma_wait3A_484 : memref<2048xf32, #tpu.memory_space<hbm>>)
    %dma_wait3A_488 = arith.constant 0 : i32
    %dma_wait3A_489 = arith.constant 0 : i32
    %dma_wait3A_490 = tpu.memref_slice %arg6[%dma_wait3A_488, %dma_wait3A_489] : memref<16x2048xf32, #tpu.memory_space<vmem>> -> memref<1x2048xf32, #tpu.memory_space<vmem>>
    %dma_wait3A_491 = tpu.memref_squeeze %dma_wait3A_490 : memref<1x2048xf32, #tpu.memory_space<vmem>> -> memref<2048xf32, #tpu.memory_space<vmem>>
    %dma_wait3A_492 = arith.constant 0 : i32
    %dma_wait3A_493 = tpu.memref_slice %arg4[%mul3A_2, %dma_wait3A_492] : memref<16384x2048xf32, #tpu.memory_space<hbm>> -> memref<1x2048xf32, #tpu.memory_space<hbm>>
    %dma_wait3A_494 = tpu.memref_squeeze %dma_wait3A_493 : memref<1x2048xf32, #tpu.memory_space<hbm>> -> memref<2048xf32, #tpu.memory_space<hbm>>
    %dma_wait3A_495 = arith.constant 0 : i32
    %dma_wait3A_496 = tpu.memref_slice %arg4[%mul3A_2, %dma_wait3A_495] : memref<16384x2048xf32, #tpu.memory_space<hbm>> -> memref<1x2048xf32, #tpu.memory_space<hbm>>
    %dma_wait3A_497 = tpu.memref_squeeze %dma_wait3A_496 : memref<1x2048xf32, #tpu.memory_space<hbm>> -> memref<2048xf32, #tpu.memory_space<hbm>>
    %dma_wait3A_498 = arith.constant 0 : i32
    %dma_wait3A_499 = tpu.memref_slice %arg6[%dma_wait3A_488, %dma_wait3A_498] : memref<16x2048xf32, #tpu.memory_space<vmem>> -> memref<1x2048xf32, #tpu.memory_space<vmem>>
    %dma_wait3A_500 = tpu.memref_squeeze %dma_wait3A_499 : memref<1x2048xf32, #tpu.memory_space<vmem>> -> memref<2048xf32, #tpu.memory_space<vmem>>
    tpu.wait_dma2 semaphore(%arg7 : memref<!tpu.dma_semaphore, #tpu.memory_space<semaphore_mem>>) src(%dma_wait3A_500 : memref<2048xf32, #tpu.memory_space<vmem>>) dst(%dma_wait3A_497 : memref<2048xf32, #tpu.memory_space<hbm>>)
    %dma_wait3A_501 = arith.constant 0 : i32
    %dma_wait3A_502 = arith.constant 0 : i32
    %dma_wait3A_503 = tpu.memref_slice %arg6[%dma_wait3A_501, %dma_wait3A_502] : memref<16x2048xf32, #tpu.memory_space<vmem>> -> memref<1x2048xf32, #tpu.memory_space<vmem>>
    %dma_wait3A_504 = tpu.memref_squeeze %dma_wait3A_503 : memref<1x2048xf32, #tpu.memory_space<vmem>> -> memref<2048xf32, #tpu.memory_space<vmem>>
    %dma_wait3A_505 = arith.constant 0 : i32
    %dma_wait3A_506 = tpu.memref_slice %arg4[%mul3A_2, %dma_wait3A_505] : memref<16384x2048xf32, #tpu.memory_space<hbm>> -> memref<1x2048xf32, #tpu.memory_space<hbm>>
    %dma_wait3A_507 = tpu.memref_squeeze %dma_wait3A_506 : memref<1x2048xf32, #tpu.memory_space<hbm>> -> memref<2048xf32, #tpu.memory_space<hbm>>
    %dma_wait3A_508 = arith.constant 0 : i32
    %dma_wait3A_509 = tpu.memref_slice %arg4[%mul3A_2, %dma_wait3A_508] : memref<16384x2048xf32, #tpu.memory_space<hbm>> -> memref<1x2048xf32, #tpu.memory_space<hbm>>
    %dma_wait3A_510 = tpu.memref_squeeze %dma_wait3A_509 : memref<1x2048xf32, #tpu.memory_space<hbm>> -> memref<2048xf32, #tpu.memory_space<hbm>>
    %dma_wait3A_511 = arith.constant 0 : i32
    %dma_wait3A_512 = tpu.memref_slice %arg6[%dma_wait3A_501, %dma_wait3A_511] : memref<16x2048xf32, #tpu.memory_space<vmem>> -> memref<1x2048xf32, #tpu.memory_space<vmem>>
    %dma_wait3A_513 = tpu.memref_squeeze %dma_wait3A_512 : memref<1x2048xf32, #tpu.memory_space<vmem>> -> memref<2048xf32, #tpu.memory_space<vmem>>
    tpu.wait_dma2 semaphore(%arg7 : memref<!tpu.dma_semaphore, #tpu.memory_space<semaphore_mem>>) src(%dma_wait3A_513 : memref<2048xf32, #tpu.memory_space<vmem>>) dst(%dma_wait3A_510 : memref<2048xf32, #tpu.memory_space<hbm>>)
    %dma_wait3A_514 = arith.constant 0 : i32
    %dma_wait3A_515 = arith.constant 0 : i32
    %dma_wait3A_516 = tpu.memref_slice %arg6[%dma_wait3A_514, %dma_wait3A_515] : memref<16x2048xf32, #tpu.memory_space<vmem>> -> memref<1x2048xf32, #tpu.memory_space<vmem>>
    %dma_wait3A_517 = tpu.memref_squeeze %dma_wait3A_516 : memref<1x2048xf32, #tpu.memory_space<vmem>> -> memref<2048xf32, #tpu.memory_space<vmem>>
    %dma_wait3A_518 = arith.constant 0 : i32
    %dma_wait3A_519 = tpu.memref_slice %arg4[%mul3A_2, %dma_wait3A_518] : memref<16384x2048xf32, #tpu.memory_space<hbm>> -> memref<1x2048xf32, #tpu.memory_space<hbm>>
    %dma_wait3A_520 = tpu.memref_squeeze %dma_wait3A_519 : memref<1x2048xf32, #tpu.memory_space<hbm>> -> memref<2048xf32, #tpu.memory_space<hbm>>
    %dma_wait3A_521 = arith.constant 0 : i32
    %dma_wait3A_522 = tpu.memref_slice %arg4[%mul3A_2, %dma_wait3A_521] : memref<16384x2048xf32, #tpu.memory_space<hbm>> -> memref<1x2048xf32, #tpu.memory_space<hbm>>
    %dma_wait3A_523 = tpu.memref_squeeze %dma_wait3A_522 : memref<1x2048xf32, #tpu.memory_space<hbm>> -> memref<2048xf32, #tpu.memory_space<hbm>>
    %dma_wait3A_524 = arith.constant 0 : i32
    %dma_wait3A_525 = tpu.memref_slice %arg6[%dma_wait3A_514, %dma_wait3A_524] : memref<16x2048xf32, #tpu.memory_space<vmem>> -> memref<1x2048xf32, #tpu.memory_space<vmem>>
    %dma_wait3A_526 = tpu.memref_squeeze %dma_wait3A_525 : memref<1x2048xf32, #tpu.memory_space<vmem>> -> memref<2048xf32, #tpu.memory_space<vmem>>
    tpu.wait_dma2 semaphore(%arg7 : memref<!tpu.dma_semaphore, #tpu.memory_space<semaphore_mem>>) src(%dma_wait3A_526 : memref<2048xf32, #tpu.memory_space<vmem>>) dst(%dma_wait3A_523 : memref<2048xf32, #tpu.memory_space<hbm>>)
    %dma_wait3A_527 = arith.constant 0 : i32
    %dma_wait3A_528 = arith.constant 0 : i32
    %dma_wait3A_529 = tpu.memref_slice %arg6[%dma_wait3A_527, %dma_wait3A_528] : memref<16x2048xf32, #tpu.memory_space<vmem>> -> memref<1x2048xf32, #tpu.memory_space<vmem>>
    %dma_wait3A_530 = tpu.memref_squeeze %dma_wait3A_529 : memref<1x2048xf32, #tpu.memory_space<vmem>> -> memref<2048xf32, #tpu.memory_space<vmem>>
    %dma_wait3A_531 = arith.constant 0 : i32
    %dma_wait3A_532 = tpu.memref_slice %arg4[%mul3A_2, %dma_wait3A_531] : memref<16384x2048xf32, #tpu.memory_space<hbm>> -> memref<1x2048xf32, #tpu.memory_space<hbm>>
    %dma_wait3A_533 = tpu.memref_squeeze %dma_wait3A_532 : memref<1x2048xf32, #tpu.memory_space<hbm>> -> memref<2048xf32, #tpu.memory_space<hbm>>
    %dma_wait3A_534 = arith.constant 0 : i32
    %dma_wait3A_535 = tpu.memref_slice %arg4[%mul3A_2, %dma_wait3A_534] : memref<16384x2048xf32, #tpu.memory_space<hbm>> -> memref<1x2048xf32, #tpu.memory_space<hbm>>
    %dma_wait3A_536 = tpu.memref_squeeze %dma_wait3A_535 : memref<1x2048xf32, #tpu.memory_space<hbm>> -> memref<2048xf32, #tpu.memory_space<hbm>>
    %dma_wait3A_537 = arith.constant 0 : i32
    %dma_wait3A_538 = tpu.memref_slice %arg6[%dma_wait3A_527, %dma_wait3A_537] : memref<16x2048xf32, #tpu.memory_space<vmem>> -> memref<1x2048xf32, #tpu.memory_space<vmem>>
    %dma_wait3A_539 = tpu.memref_squeeze %dma_wait3A_538 : memref<1x2048xf32, #tpu.memory_space<vmem>> -> memref<2048xf32, #tpu.memory_space<vmem>>
    tpu.wait_dma2 semaphore(%arg7 : memref<!tpu.dma_semaphore, #tpu.memory_space<semaphore_mem>>) src(%dma_wait3A_539 : memref<2048xf32, #tpu.memory_space<vmem>>) dst(%dma_wait3A_536 : memref<2048xf32, #tpu.memory_space<hbm>>)
    %dma_wait3A_540 = arith.constant 0 : i32
    %dma_wait3A_541 = arith.constant 0 : i32
    %dma_wait3A_542 = tpu.memref_slice %arg6[%dma_wait3A_540, %dma_wait3A_541] : memref<16x2048xf32, #tpu.memory_space<vmem>> -> memref<1x2048xf32, #tpu.memory_space<vmem>>
    %dma_wait3A_543 = tpu.memref_squeeze %dma_wait3A_542 : memref<1x2048xf32, #tpu.memory_space<vmem>> -> memref<2048xf32, #tpu.memory_space<vmem>>
    %dma_wait3A_544 = arith.constant 0 : i32
    %dma_wait3A_545 = tpu.memref_slice %arg4[%mul3A_2, %dma_wait3A_544] : memref<16384x2048xf32, #tpu.memory_space<hbm>> -> memref<1x2048xf32, #tpu.memory_space<hbm>>
    %dma_wait3A_546 = tpu.memref_squeeze %dma_wait3A_545 : memref<1x2048xf32, #tpu.memory_space<hbm>> -> memref<2048xf32, #tpu.memory_space<hbm>>
    %dma_wait3A_547 = arith.constant 0 : i32
    %dma_wait3A_548 = tpu.memref_slice %arg4[%mul3A_2, %dma_wait3A_547] : memref<16384x2048xf32, #tpu.memory_space<hbm>> -> memref<1x2048xf32, #tpu.memory_space<hbm>>
    %dma_wait3A_549 = tpu.memref_squeeze %dma_wait3A_548 : memref<1x2048xf32, #tpu.memory_space<hbm>> -> memref<2048xf32, #tpu.memory_space<hbm>>
    %dma_wait3A_550 = arith.constant 0 : i32
    %dma_wait3A_551 = tpu.memref_slice %arg6[%dma_wait3A_540, %dma_wait3A_550] : memref<16x2048xf32, #tpu.memory_space<vmem>> -> memref<1x2048xf32, #tpu.memory_space<vmem>>
    %dma_wait3A_552 = tpu.memref_squeeze %dma_wait3A_551 : memref<1x2048xf32, #tpu.memory_space<vmem>> -> memref<2048xf32, #tpu.memory_space<vmem>>
    tpu.wait_dma2 semaphore(%arg7 : memref<!tpu.dma_semaphore, #tpu.memory_space<semaphore_mem>>) src(%dma_wait3A_552 : memref<2048xf32, #tpu.memory_space<vmem>>) dst(%dma_wait3A_549 : memref<2048xf32, #tpu.memory_space<hbm>>)
    %dma_wait3A_553 = arith.constant 0 : i32
    %dma_wait3A_554 = arith.constant 0 : i32
    %dma_wait3A_555 = tpu.memref_slice %arg6[%dma_wait3A_553, %dma_wait3A_554] : memref<16x2048xf32, #tpu.memory_space<vmem>> -> memref<1x2048xf32, #tpu.memory_space<vmem>>
    %dma_wait3A_556 = tpu.memref_squeeze %dma_wait3A_555 : memref<1x2048xf32, #tpu.memory_space<vmem>> -> memref<2048xf32, #tpu.memory_space<vmem>>
    %dma_wait3A_557 = arith.constant 0 : i32
    %dma_wait3A_558 = tpu.memref_slice %arg4[%mul3A_2, %dma_wait3A_557] : memref<16384x2048xf32, #tpu.memory_space<hbm>> -> memref<1x2048xf32, #tpu.memory_space<hbm>>
    %dma_wait3A_559 = tpu.memref_squeeze %dma_wait3A_558 : memref<1x2048xf32, #tpu.memory_space<hbm>> -> memref<2048xf32, #tpu.memory_space<hbm>>
    %dma_wait3A_560 = arith.constant 0 : i32
    %dma_wait3A_561 = tpu.memref_slice %arg4[%mul3A_2, %dma_wait3A_560] : memref<16384x2048xf32, #tpu.memory_space<hbm>> -> memref<1x2048xf32, #tpu.memory_space<hbm>>
    %dma_wait3A_562 = tpu.memref_squeeze %dma_wait3A_561 : memref<1x2048xf32, #tpu.memory_space<hbm>> -> memref<2048xf32, #tpu.memory_space<hbm>>
    %dma_wait3A_563 = arith.constant 0 : i32
    %dma_wait3A_564 = tpu.memref_slice %arg6[%dma_wait3A_553, %dma_wait3A_563] : memref<16x2048xf32, #tpu.memory_space<vmem>> -> memref<1x2048xf32, #tpu.memory_space<vmem>>
    %dma_wait3A_565 = tpu.memref_squeeze %dma_wait3A_564 : memref<1x2048xf32, #tpu.memory_space<vmem>> -> memref<2048xf32, #tpu.memory_space<vmem>>
    tpu.wait_dma2 semaphore(%arg7 : memref<!tpu.dma_semaphore, #tpu.memory_space<semaphore_mem>>) src(%dma_wait3A_565 : memref<2048xf32, #tpu.memory_space<vmem>>) dst(%dma_wait3A_562 : memref<2048xf32, #tpu.memory_space<hbm>>)
    %dma_wait3A_566 = arith.constant 0 : i32
    %dma_wait3A_567 = arith.constant 0 : i32
    %dma_wait3A_568 = tpu.memref_slice %arg6[%dma_wait3A_566, %dma_wait3A_567] : memref<16x2048xf32, #tpu.memory_space<vmem>> -> memref<1x2048xf32, #tpu.memory_space<vmem>>
    %dma_wait3A_569 = tpu.memref_squeeze %dma_wait3A_568 : memref<1x2048xf32, #tpu.memory_space<vmem>> -> memref<2048xf32, #tpu.memory_space<vmem>>
    %dma_wait3A_570 = arith.constant 0 : i32
    %dma_wait3A_571 = tpu.memref_slice %arg4[%mul3A_2, %dma_wait3A_570] : memref<16384x2048xf32, #tpu.memory_space<hbm>> -> memref<1x2048xf32, #tpu.memory_space<hbm>>
    %dma_wait3A_572 = tpu.memref_squeeze %dma_wait3A_571 : memref<1x2048xf32, #tpu.memory_space<hbm>> -> memref<2048xf32, #tpu.memory_space<hbm>>
    %dma_wait3A_573 = arith.constant 0 : i32
    %dma_wait3A_574 = tpu.memref_slice %arg4[%mul3A_2, %dma_wait3A_573] : memref<16384x2048xf32, #tpu.memory_space<hbm>> -> memref<1x2048xf32, #tpu.memory_space<hbm>>
    %dma_wait3A_575 = tpu.memref_squeeze %dma_wait3A_574 : memref<1x2048xf32, #tpu.memory_space<hbm>> -> memref<2048xf32, #tpu.memory_space<hbm>>
    %dma_wait3A_576 = arith.constant 0 : i32
    %dma_wait3A_577 = tpu.memref_slice %arg6[%dma_wait3A_566, %dma_wait3A_576] : memref<16x2048xf32, #tpu.memory_space<vmem>> -> memref<1x2048xf32, #tpu.memory_space<vmem>>
    %dma_wait3A_578 = tpu.memref_squeeze %dma_wait3A_577 : memref<1x2048xf32, #tpu.memory_space<vmem>> -> memref<2048xf32, #tpu.memory_space<vmem>>
    tpu.wait_dma2 semaphore(%arg7 : memref<!tpu.dma_semaphore, #tpu.memory_space<semaphore_mem>>) src(%dma_wait3A_578 : memref<2048xf32, #tpu.memory_space<vmem>>) dst(%dma_wait3A_575 : memref<2048xf32, #tpu.memory_space<hbm>>)
    %dma_wait3A_579 = arith.constant 0 : i32
    %dma_wait3A_580 = arith.constant 0 : i32
    %dma_wait3A_581 = tpu.memref_slice %arg6[%dma_wait3A_579, %dma_wait3A_580] : memref<16x2048xf32, #tpu.memory_space<vmem>> -> memref<1x2048xf32, #tpu.memory_space<vmem>>
    %dma_wait3A_582 = tpu.memref_squeeze %dma_wait3A_581 : memref<1x2048xf32, #tpu.memory_space<vmem>> -> memref<2048xf32, #tpu.memory_space<vmem>>
    %dma_wait3A_583 = arith.constant 0 : i32
    %dma_wait3A_584 = tpu.memref_slice %arg4[%mul3A_2, %dma_wait3A_583] : memref<16384x2048xf32, #tpu.memory_space<hbm>> -> memref<1x2048xf32, #tpu.memory_space<hbm>>
    %dma_wait3A_585 = tpu.memref_squeeze %dma_wait3A_584 : memref<1x2048xf32, #tpu.memory_space<hbm>> -> memref<2048xf32, #tpu.memory_space<hbm>>
    %dma_wait3A_586 = arith.constant 0 : i32
    %dma_wait3A_587 = tpu.memref_slice %arg4[%mul3A_2, %dma_wait3A_586] : memref<16384x2048xf32, #tpu.memory_space<hbm>> -> memref<1x2048xf32, #tpu.memory_space<hbm>>
    %dma_wait3A_588 = tpu.memref_squeeze %dma_wait3A_587 : memref<1x2048xf32, #tpu.memory_space<hbm>> -> memref<2048xf32, #tpu.memory_space<hbm>>
    %dma_wait3A_589 = arith.constant 0 : i32
    %dma_wait3A_590 = tpu.memref_slice %arg6[%dma_wait3A_579, %dma_wait3A_589] : memref<16x2048xf32, #tpu.memory_space<vmem>> -> memref<1x2048xf32, #tpu.memory_space<vmem>>
    %dma_wait3A_591 = tpu.memref_squeeze %dma_wait3A_590 : memref<1x2048xf32, #tpu.memory_space<vmem>> -> memref<2048xf32, #tpu.memory_space<vmem>>
    tpu.wait_dma2 semaphore(%arg7 : memref<!tpu.dma_semaphore, #tpu.memory_space<semaphore_mem>>) src(%dma_wait3A_591 : memref<2048xf32, #tpu.memory_space<vmem>>) dst(%dma_wait3A_588 : memref<2048xf32, #tpu.memory_space<hbm>>)
    %dma_wait3A_592 = arith.constant 0 : i32
    %dma_wait3A_593 = arith.constant 0 : i32
    %dma_wait3A_594 = tpu.memref_slice %arg6[%dma_wait3A_592, %dma_wait3A_593] : memref<16x2048xf32, #tpu.memory_space<vmem>> -> memref<1x2048xf32, #tpu.memory_space<vmem>>
    %dma_wait3A_595 = tpu.memref_squeeze %dma_wait3A_594 : memref<1x2048xf32, #tpu.memory_space<vmem>> -> memref<2048xf32, #tpu.memory_space<vmem>>
    %dma_wait3A_596 = arith.constant 0 : i32
    %dma_wait3A_597 = tpu.memref_slice %arg4[%mul3A_2, %dma_wait3A_596] : memref<16384x2048xf32, #tpu.memory_space<hbm>> -> memref<1x2048xf32, #tpu.memory_space<hbm>>
    %dma_wait3A_598 = tpu.memref_squeeze %dma_wait3A_597 : memref<1x2048xf32, #tpu.memory_space<hbm>> -> memref<2048xf32, #tpu.memory_space<hbm>>
    %dma_wait3A_599 = arith.constant 0 : i32
    %dma_wait3A_600 = tpu.memref_slice %arg4[%mul3A_2, %dma_wait3A_599] : memref<16384x2048xf32, #tpu.memory_space<hbm>> -> memref<1x2048xf32, #tpu.memory_space<hbm>>
    %dma_wait3A_601 = tpu.memref_squeeze %dma_wait3A_600 : memref<1x2048xf32, #tpu.memory_space<hbm>> -> memref<2048xf32, #tpu.memory_space<hbm>>
    %dma_wait3A_602 = arith.constant 0 : i32
    %dma_wait3A_603 = tpu.memref_slice %arg6[%dma_wait3A_592, %dma_wait3A_602] : memref<16x2048xf32, #tpu.memory_space<vmem>> -> memref<1x2048xf32, #tpu.memory_space<vmem>>
    %dma_wait3A_604 = tpu.memref_squeeze %dma_wait3A_603 : memref<1x2048xf32, #tpu.memory_space<vmem>> -> memref<2048xf32, #tpu.memory_space<vmem>>
    tpu.wait_dma2 semaphore(%arg7 : memref<!tpu.dma_semaphore, #tpu.memory_space<semaphore_mem>>) src(%dma_wait3A_604 : memref<2048xf32, #tpu.memory_space<vmem>>) dst(%dma_wait3A_601 : memref<2048xf32, #tpu.memory_space<hbm>>)
    %dma_wait3A_605 = arith.constant 0 : i32
    %dma_wait3A_606 = arith.constant 0 : i32
    %dma_wait3A_607 = tpu.memref_slice %arg6[%dma_wait3A_605, %dma_wait3A_606] : memref<16x2048xf32, #tpu.memory_space<vmem>> -> memref<1x2048xf32, #tpu.memory_space<vmem>>
    %dma_wait3A_608 = tpu.memref_squeeze %dma_wait3A_607 : memref<1x2048xf32, #tpu.memory_space<vmem>> -> memref<2048xf32, #tpu.memory_space<vmem>>
    %dma_wait3A_609 = arith.constant 0 : i32
    %dma_wait3A_610 = tpu.memref_slice %arg4[%mul3A_2, %dma_wait3A_609] : memref<16384x2048xf32, #tpu.memory_space<hbm>> -> memref<1x2048xf32, #tpu.memory_space<hbm>>
    %dma_wait3A_611 = tpu.memref_squeeze %dma_wait3A_610 : memref<1x2048xf32, #tpu.memory_space<hbm>> -> memref<2048xf32, #tpu.memory_space<hbm>>
    %dma_wait3A_612 = arith.constant 0 : i32
    %dma_wait3A_613 = tpu.memref_slice %arg4[%mul3A_2, %dma_wait3A_612] : memref<16384x2048xf32, #tpu.memory_space<hbm>> -> memref<1x2048xf32, #tpu.memory_space<hbm>>
    %dma_wait3A_614 = tpu.memref_squeeze %dma_wait3A_613 : memref<1x2048xf32, #tpu.memory_space<hbm>> -> memref<2048xf32, #tpu.memory_space<hbm>>
    %dma_wait3A_615 = arith.constant 0 : i32
    %dma_wait3A_616 = tpu.memref_slice %arg6[%dma_wait3A_605, %dma_wait3A_615] : memref<16x2048xf32, #tpu.memory_space<vmem>> -> memref<1x2048xf32, #tpu.memory_space<vmem>>
    %dma_wait3A_617 = tpu.memref_squeeze %dma_wait3A_616 : memref<1x2048xf32, #tpu.memory_space<vmem>> -> memref<2048xf32, #tpu.memory_space<vmem>>
    tpu.wait_dma2 semaphore(%arg7 : memref<!tpu.dma_semaphore, #tpu.memory_space<semaphore_mem>>) src(%dma_wait3A_617 : memref<2048xf32, #tpu.memory_space<vmem>>) dst(%dma_wait3A_614 : memref<2048xf32, #tpu.memory_space<hbm>>)
    %dma_wait3A_618 = arith.constant 0 : i32
    %dma_wait3A_619 = arith.constant 0 : i32
    %dma_wait3A_620 = tpu.memref_slice %arg6[%dma_wait3A_618, %dma_wait3A_619] : memref<16x2048xf32, #tpu.memory_space<vmem>> -> memref<1x2048xf32, #tpu.memory_space<vmem>>
    %dma_wait3A_621 = tpu.memref_squeeze %dma_wait3A_620 : memref<1x2048xf32, #tpu.memory_space<vmem>> -> memref<2048xf32, #tpu.memory_space<vmem>>
    %dma_wait3A_622 = arith.constant 0 : i32
    %dma_wait3A_623 = tpu.memref_slice %arg4[%mul3A_2, %dma_wait3A_622] : memref<16384x2048xf32, #tpu.memory_space<hbm>> -> memref<1x2048xf32, #tpu.memory_space<hbm>>
    %dma_wait3A_624 = tpu.memref_squeeze %dma_wait3A_623 : memref<1x2048xf32, #tpu.memory_space<hbm>> -> memref<2048xf32, #tpu.memory_space<hbm>>
    %dma_wait3A_625 = arith.constant 0 : i32
    %dma_wait3A_626 = tpu.memref_slice %arg4[%mul3A_2, %dma_wait3A_625] : memref<16384x2048xf32, #tpu.memory_space<hbm>> -> memref<1x2048xf32, #tpu.memory_space<hbm>>
    %dma_wait3A_627 = tpu.memref_squeeze %dma_wait3A_626 : memref<1x2048xf32, #tpu.memory_space<hbm>> -> memref<2048xf32, #tpu.memory_space<hbm>>
    %dma_wait3A_628 = arith.constant 0 : i32
    %dma_wait3A_629 = tpu.memref_slice %arg6[%dma_wait3A_618, %dma_wait3A_628] : memref<16x2048xf32, #tpu.memory_space<vmem>> -> memref<1x2048xf32, #tpu.memory_space<vmem>>
    %dma_wait3A_630 = tpu.memref_squeeze %dma_wait3A_629 : memref<1x2048xf32, #tpu.memory_space<vmem>> -> memref<2048xf32, #tpu.memory_space<vmem>>
    tpu.wait_dma2 semaphore(%arg7 : memref<!tpu.dma_semaphore, #tpu.memory_space<semaphore_mem>>) src(%dma_wait3A_630 : memref<2048xf32, #tpu.memory_space<vmem>>) dst(%dma_wait3A_627 : memref<2048xf32, #tpu.memory_space<hbm>>)
    return
  }
}

module attributes {stable_mosaic.version = 14 : i64} {
  func.func @_means_body(%arg0: i32, %arg1: memref<17xi32, #tpu.memory_space<smem>>, %arg2: memref<1024x2048xf32, #tpu.memory_space<vmem>>, %arg3: memref<16x2048xf32, #tpu.memory_space<vmem>>) attributes {dimension_semantics = [#tpu.dimension_semantics<arbitrary>], iteration_bounds = array<i64: 16>, scalar_prefetch = 0 : i64, scratch_operands = 0 : i64, tpu.core_type = #tpu.core_type<tc>, window_params = [{transform_indices = @transform_0, window_bounds = array<i64: 17>}, {transform_indices = @transform_1, window_bounds = array<i64: 1024, 2048>}, {pipeline_mode = #tpu.pipeline_mode<synchronous>, transform_indices = @transform_2, window_bounds = array<i64: 16, 2048>}]} {
    %iota3A = tpu.iota {dimensions = array<i32: 1>} : vector<1x1024xi32>
    %mul3A = arith.constant 1024 : i32
    %mul3A_0 = arith.muli %arg0, %mul3A : i32
    %add3A = vector.broadcast %mul3A_0 : i32 to vector<1x1024xi32>
    %add3A_1 = arith.addi %iota3A, %add3A : vector<1x1024xi32>
    %get3A = arith.constant 0 : index
    %get3A_2 = memref.load %arg1[%get3A] : memref<17xi32, #tpu.memory_space<smem>>
    %get3A_3 = arith.constant 1 : index
    %get3A_4 = memref.load %arg1[%get3A_3] : memref<17xi32, #tpu.memory_space<smem>>
    %sub3A = arith.subi %get3A_4, %get3A_2 : i32
    %convert_element_type3A = arith.sitofp %sub3A : i32 to f32
    %div3A = arith.constant 1.000000e+00 : f32
    %div3A_5 = arith.divf %div3A, %convert_element_type3A : f32
    %ge3A = vector.broadcast %get3A_2 : i32 to vector<1x1024xi32>
    %ge3A_6 = arith.cmpi sge, %add3A_1, %ge3A : vector<1x1024xi32>
    %lt3A = vector.broadcast %get3A_4 : i32 to vector<1x1024xi32>
    %lt3A_7 = arith.cmpi slt, %add3A_1, %lt3A : vector<1x1024xi32>
    %and3A = arith.andi %ge3A_6, %lt3A_7 : vector<1x1024xi1>
    %jit3A = arith.constant 0.000000e+00 : f32
    %broadcast_in_dim3A = vector.broadcast %div3A_5 : f32 to vector<1x1024xf32>
    %broadcast_in_dim3A_8 = vector.broadcast %jit3A : f32 to vector<1x1024xf32>
    %select_n3A = arith.select %and3A, %broadcast_in_dim3A, %broadcast_in_dim3A_8 : vector<1x1024xi1>, vector<1x1024xf32>
    %get3A_9 = arith.constant 1 : index
    %get3A_10 = memref.load %arg1[%get3A_9] : memref<17xi32, #tpu.memory_space<smem>>
    %get3A_11 = arith.constant 2 : index
    %get3A_12 = memref.load %arg1[%get3A_11] : memref<17xi32, #tpu.memory_space<smem>>
    %sub3A_13 = arith.subi %get3A_12, %get3A_10 : i32
    %convert_element_type3A_14 = arith.sitofp %sub3A_13 : i32 to f32
    %div3A_15 = arith.constant 1.000000e+00 : f32
    %div3A_16 = arith.divf %div3A_15, %convert_element_type3A_14 : f32
    %ge3A_17 = vector.broadcast %get3A_10 : i32 to vector<1x1024xi32>
    %ge3A_18 = arith.cmpi sge, %add3A_1, %ge3A_17 : vector<1x1024xi32>
    %lt3A_19 = vector.broadcast %get3A_12 : i32 to vector<1x1024xi32>
    %lt3A_20 = arith.cmpi slt, %add3A_1, %lt3A_19 : vector<1x1024xi32>
    %and3A_21 = arith.andi %ge3A_18, %lt3A_20 : vector<1x1024xi1>
    %jit3A_22 = arith.constant 0.000000e+00 : f32
    %broadcast_in_dim3A_23 = vector.broadcast %div3A_16 : f32 to vector<1x1024xf32>
    %broadcast_in_dim3A_24 = vector.broadcast %jit3A_22 : f32 to vector<1x1024xf32>
    %select_n3A_25 = arith.select %and3A_21, %broadcast_in_dim3A_23, %broadcast_in_dim3A_24 : vector<1x1024xi1>, vector<1x1024xf32>
    %get3A_26 = arith.constant 2 : index
    %get3A_27 = memref.load %arg1[%get3A_26] : memref<17xi32, #tpu.memory_space<smem>>
    %get3A_28 = arith.constant 3 : index
    %get3A_29 = memref.load %arg1[%get3A_28] : memref<17xi32, #tpu.memory_space<smem>>
    %sub3A_30 = arith.subi %get3A_29, %get3A_27 : i32
    %convert_element_type3A_31 = arith.sitofp %sub3A_30 : i32 to f32
    %div3A_32 = arith.constant 1.000000e+00 : f32
    %div3A_33 = arith.divf %div3A_32, %convert_element_type3A_31 : f32
    %ge3A_34 = vector.broadcast %get3A_27 : i32 to vector<1x1024xi32>
    %ge3A_35 = arith.cmpi sge, %add3A_1, %ge3A_34 : vector<1x1024xi32>
    %lt3A_36 = vector.broadcast %get3A_29 : i32 to vector<1x1024xi32>
    %lt3A_37 = arith.cmpi slt, %add3A_1, %lt3A_36 : vector<1x1024xi32>
    %and3A_38 = arith.andi %ge3A_35, %lt3A_37 : vector<1x1024xi1>
    %jit3A_39 = arith.constant 0.000000e+00 : f32
    %broadcast_in_dim3A_40 = vector.broadcast %div3A_33 : f32 to vector<1x1024xf32>
    %broadcast_in_dim3A_41 = vector.broadcast %jit3A_39 : f32 to vector<1x1024xf32>
    %select_n3A_42 = arith.select %and3A_38, %broadcast_in_dim3A_40, %broadcast_in_dim3A_41 : vector<1x1024xi1>, vector<1x1024xf32>
    %get3A_43 = arith.constant 3 : index
    %get3A_44 = memref.load %arg1[%get3A_43] : memref<17xi32, #tpu.memory_space<smem>>
    %get3A_45 = arith.constant 4 : index
    %get3A_46 = memref.load %arg1[%get3A_45] : memref<17xi32, #tpu.memory_space<smem>>
    %sub3A_47 = arith.subi %get3A_46, %get3A_44 : i32
    %convert_element_type3A_48 = arith.sitofp %sub3A_47 : i32 to f32
    %div3A_49 = arith.constant 1.000000e+00 : f32
    %div3A_50 = arith.divf %div3A_49, %convert_element_type3A_48 : f32
    %ge3A_51 = vector.broadcast %get3A_44 : i32 to vector<1x1024xi32>
    %ge3A_52 = arith.cmpi sge, %add3A_1, %ge3A_51 : vector<1x1024xi32>
    %lt3A_53 = vector.broadcast %get3A_46 : i32 to vector<1x1024xi32>
    %lt3A_54 = arith.cmpi slt, %add3A_1, %lt3A_53 : vector<1x1024xi32>
    %and3A_55 = arith.andi %ge3A_52, %lt3A_54 : vector<1x1024xi1>
    %jit3A_56 = arith.constant 0.000000e+00 : f32
    %broadcast_in_dim3A_57 = vector.broadcast %div3A_50 : f32 to vector<1x1024xf32>
    %broadcast_in_dim3A_58 = vector.broadcast %jit3A_56 : f32 to vector<1x1024xf32>
    %select_n3A_59 = arith.select %and3A_55, %broadcast_in_dim3A_57, %broadcast_in_dim3A_58 : vector<1x1024xi1>, vector<1x1024xf32>
    %get3A_60 = arith.constant 4 : index
    %get3A_61 = memref.load %arg1[%get3A_60] : memref<17xi32, #tpu.memory_space<smem>>
    %get3A_62 = arith.constant 5 : index
    %get3A_63 = memref.load %arg1[%get3A_62] : memref<17xi32, #tpu.memory_space<smem>>
    %sub3A_64 = arith.subi %get3A_63, %get3A_61 : i32
    %convert_element_type3A_65 = arith.sitofp %sub3A_64 : i32 to f32
    %div3A_66 = arith.constant 1.000000e+00 : f32
    %div3A_67 = arith.divf %div3A_66, %convert_element_type3A_65 : f32
    %ge3A_68 = vector.broadcast %get3A_61 : i32 to vector<1x1024xi32>
    %ge3A_69 = arith.cmpi sge, %add3A_1, %ge3A_68 : vector<1x1024xi32>
    %lt3A_70 = vector.broadcast %get3A_63 : i32 to vector<1x1024xi32>
    %lt3A_71 = arith.cmpi slt, %add3A_1, %lt3A_70 : vector<1x1024xi32>
    %and3A_72 = arith.andi %ge3A_69, %lt3A_71 : vector<1x1024xi1>
    %jit3A_73 = arith.constant 0.000000e+00 : f32
    %broadcast_in_dim3A_74 = vector.broadcast %div3A_67 : f32 to vector<1x1024xf32>
    %broadcast_in_dim3A_75 = vector.broadcast %jit3A_73 : f32 to vector<1x1024xf32>
    %select_n3A_76 = arith.select %and3A_72, %broadcast_in_dim3A_74, %broadcast_in_dim3A_75 : vector<1x1024xi1>, vector<1x1024xf32>
    %get3A_77 = arith.constant 5 : index
    %get3A_78 = memref.load %arg1[%get3A_77] : memref<17xi32, #tpu.memory_space<smem>>
    %get3A_79 = arith.constant 6 : index
    %get3A_80 = memref.load %arg1[%get3A_79] : memref<17xi32, #tpu.memory_space<smem>>
    %sub3A_81 = arith.subi %get3A_80, %get3A_78 : i32
    %convert_element_type3A_82 = arith.sitofp %sub3A_81 : i32 to f32
    %div3A_83 = arith.constant 1.000000e+00 : f32
    %div3A_84 = arith.divf %div3A_83, %convert_element_type3A_82 : f32
    %ge3A_85 = vector.broadcast %get3A_78 : i32 to vector<1x1024xi32>
    %ge3A_86 = arith.cmpi sge, %add3A_1, %ge3A_85 : vector<1x1024xi32>
    %lt3A_87 = vector.broadcast %get3A_80 : i32 to vector<1x1024xi32>
    %lt3A_88 = arith.cmpi slt, %add3A_1, %lt3A_87 : vector<1x1024xi32>
    %and3A_89 = arith.andi %ge3A_86, %lt3A_88 : vector<1x1024xi1>
    %jit3A_90 = arith.constant 0.000000e+00 : f32
    %broadcast_in_dim3A_91 = vector.broadcast %div3A_84 : f32 to vector<1x1024xf32>
    %broadcast_in_dim3A_92 = vector.broadcast %jit3A_90 : f32 to vector<1x1024xf32>
    %select_n3A_93 = arith.select %and3A_89, %broadcast_in_dim3A_91, %broadcast_in_dim3A_92 : vector<1x1024xi1>, vector<1x1024xf32>
    %get3A_94 = arith.constant 6 : index
    %get3A_95 = memref.load %arg1[%get3A_94] : memref<17xi32, #tpu.memory_space<smem>>
    %get3A_96 = arith.constant 7 : index
    %get3A_97 = memref.load %arg1[%get3A_96] : memref<17xi32, #tpu.memory_space<smem>>
    %sub3A_98 = arith.subi %get3A_97, %get3A_95 : i32
    %convert_element_type3A_99 = arith.sitofp %sub3A_98 : i32 to f32
    %div3A_100 = arith.constant 1.000000e+00 : f32
    %div3A_101 = arith.divf %div3A_100, %convert_element_type3A_99 : f32
    %ge3A_102 = vector.broadcast %get3A_95 : i32 to vector<1x1024xi32>
    %ge3A_103 = arith.cmpi sge, %add3A_1, %ge3A_102 : vector<1x1024xi32>
    %lt3A_104 = vector.broadcast %get3A_97 : i32 to vector<1x1024xi32>
    %lt3A_105 = arith.cmpi slt, %add3A_1, %lt3A_104 : vector<1x1024xi32>
    %and3A_106 = arith.andi %ge3A_103, %lt3A_105 : vector<1x1024xi1>
    %jit3A_107 = arith.constant 0.000000e+00 : f32
    %broadcast_in_dim3A_108 = vector.broadcast %div3A_101 : f32 to vector<1x1024xf32>
    %broadcast_in_dim3A_109 = vector.broadcast %jit3A_107 : f32 to vector<1x1024xf32>
    %select_n3A_110 = arith.select %and3A_106, %broadcast_in_dim3A_108, %broadcast_in_dim3A_109 : vector<1x1024xi1>, vector<1x1024xf32>
    %get3A_111 = arith.constant 7 : index
    %get3A_112 = memref.load %arg1[%get3A_111] : memref<17xi32, #tpu.memory_space<smem>>
    %get3A_113 = arith.constant 8 : index
    %get3A_114 = memref.load %arg1[%get3A_113] : memref<17xi32, #tpu.memory_space<smem>>
    %sub3A_115 = arith.subi %get3A_114, %get3A_112 : i32
    %convert_element_type3A_116 = arith.sitofp %sub3A_115 : i32 to f32
    %div3A_117 = arith.constant 1.000000e+00 : f32
    %div3A_118 = arith.divf %div3A_117, %convert_element_type3A_116 : f32
    %ge3A_119 = vector.broadcast %get3A_112 : i32 to vector<1x1024xi32>
    %ge3A_120 = arith.cmpi sge, %add3A_1, %ge3A_119 : vector<1x1024xi32>
    %lt3A_121 = vector.broadcast %get3A_114 : i32 to vector<1x1024xi32>
    %lt3A_122 = arith.cmpi slt, %add3A_1, %lt3A_121 : vector<1x1024xi32>
    %and3A_123 = arith.andi %ge3A_120, %lt3A_122 : vector<1x1024xi1>
    %jit3A_124 = arith.constant 0.000000e+00 : f32
    %broadcast_in_dim3A_125 = vector.broadcast %div3A_118 : f32 to vector<1x1024xf32>
    %broadcast_in_dim3A_126 = vector.broadcast %jit3A_124 : f32 to vector<1x1024xf32>
    %select_n3A_127 = arith.select %and3A_123, %broadcast_in_dim3A_125, %broadcast_in_dim3A_126 : vector<1x1024xi1>, vector<1x1024xf32>
    %get3A_128 = arith.constant 8 : index
    %get3A_129 = memref.load %arg1[%get3A_128] : memref<17xi32, #tpu.memory_space<smem>>
    %get3A_130 = arith.constant 9 : index
    %get3A_131 = memref.load %arg1[%get3A_130] : memref<17xi32, #tpu.memory_space<smem>>
    %sub3A_132 = arith.subi %get3A_131, %get3A_129 : i32
    %convert_element_type3A_133 = arith.sitofp %sub3A_132 : i32 to f32
    %div3A_134 = arith.constant 1.000000e+00 : f32
    %div3A_135 = arith.divf %div3A_134, %convert_element_type3A_133 : f32
    %ge3A_136 = vector.broadcast %get3A_129 : i32 to vector<1x1024xi32>
    %ge3A_137 = arith.cmpi sge, %add3A_1, %ge3A_136 : vector<1x1024xi32>
    %lt3A_138 = vector.broadcast %get3A_131 : i32 to vector<1x1024xi32>
    %lt3A_139 = arith.cmpi slt, %add3A_1, %lt3A_138 : vector<1x1024xi32>
    %and3A_140 = arith.andi %ge3A_137, %lt3A_139 : vector<1x1024xi1>
    %jit3A_141 = arith.constant 0.000000e+00 : f32
    %broadcast_in_dim3A_142 = vector.broadcast %div3A_135 : f32 to vector<1x1024xf32>
    %broadcast_in_dim3A_143 = vector.broadcast %jit3A_141 : f32 to vector<1x1024xf32>
    %select_n3A_144 = arith.select %and3A_140, %broadcast_in_dim3A_142, %broadcast_in_dim3A_143 : vector<1x1024xi1>, vector<1x1024xf32>
    %get3A_145 = arith.constant 9 : index
    %get3A_146 = memref.load %arg1[%get3A_145] : memref<17xi32, #tpu.memory_space<smem>>
    %get3A_147 = arith.constant 10 : index
    %get3A_148 = memref.load %arg1[%get3A_147] : memref<17xi32, #tpu.memory_space<smem>>
    %sub3A_149 = arith.subi %get3A_148, %get3A_146 : i32
    %convert_element_type3A_150 = arith.sitofp %sub3A_149 : i32 to f32
    %div3A_151 = arith.constant 1.000000e+00 : f32
    %div3A_152 = arith.divf %div3A_151, %convert_element_type3A_150 : f32
    %ge3A_153 = vector.broadcast %get3A_146 : i32 to vector<1x1024xi32>
    %ge3A_154 = arith.cmpi sge, %add3A_1, %ge3A_153 : vector<1x1024xi32>
    %lt3A_155 = vector.broadcast %get3A_148 : i32 to vector<1x1024xi32>
    %lt3A_156 = arith.cmpi slt, %add3A_1, %lt3A_155 : vector<1x1024xi32>
    %and3A_157 = arith.andi %ge3A_154, %lt3A_156 : vector<1x1024xi1>
    %jit3A_158 = arith.constant 0.000000e+00 : f32
    %broadcast_in_dim3A_159 = vector.broadcast %div3A_152 : f32 to vector<1x1024xf32>
    %broadcast_in_dim3A_160 = vector.broadcast %jit3A_158 : f32 to vector<1x1024xf32>
    %select_n3A_161 = arith.select %and3A_157, %broadcast_in_dim3A_159, %broadcast_in_dim3A_160 : vector<1x1024xi1>, vector<1x1024xf32>
    %get3A_162 = arith.constant 10 : index
    %get3A_163 = memref.load %arg1[%get3A_162] : memref<17xi32, #tpu.memory_space<smem>>
    %get3A_164 = arith.constant 11 : index
    %get3A_165 = memref.load %arg1[%get3A_164] : memref<17xi32, #tpu.memory_space<smem>>
    %sub3A_166 = arith.subi %get3A_165, %get3A_163 : i32
    %convert_element_type3A_167 = arith.sitofp %sub3A_166 : i32 to f32
    %div3A_168 = arith.constant 1.000000e+00 : f32
    %div3A_169 = arith.divf %div3A_168, %convert_element_type3A_167 : f32
    %ge3A_170 = vector.broadcast %get3A_163 : i32 to vector<1x1024xi32>
    %ge3A_171 = arith.cmpi sge, %add3A_1, %ge3A_170 : vector<1x1024xi32>
    %lt3A_172 = vector.broadcast %get3A_165 : i32 to vector<1x1024xi32>
    %lt3A_173 = arith.cmpi slt, %add3A_1, %lt3A_172 : vector<1x1024xi32>
    %and3A_174 = arith.andi %ge3A_171, %lt3A_173 : vector<1x1024xi1>
    %jit3A_175 = arith.constant 0.000000e+00 : f32
    %broadcast_in_dim3A_176 = vector.broadcast %div3A_169 : f32 to vector<1x1024xf32>
    %broadcast_in_dim3A_177 = vector.broadcast %jit3A_175 : f32 to vector<1x1024xf32>
    %select_n3A_178 = arith.select %and3A_174, %broadcast_in_dim3A_176, %broadcast_in_dim3A_177 : vector<1x1024xi1>, vector<1x1024xf32>
    %get3A_179 = arith.constant 11 : index
    %get3A_180 = memref.load %arg1[%get3A_179] : memref<17xi32, #tpu.memory_space<smem>>
    %get3A_181 = arith.constant 12 : index
    %get3A_182 = memref.load %arg1[%get3A_181] : memref<17xi32, #tpu.memory_space<smem>>
    %sub3A_183 = arith.subi %get3A_182, %get3A_180 : i32
    %convert_element_type3A_184 = arith.sitofp %sub3A_183 : i32 to f32
    %div3A_185 = arith.constant 1.000000e+00 : f32
    %div3A_186 = arith.divf %div3A_185, %convert_element_type3A_184 : f32
    %ge3A_187 = vector.broadcast %get3A_180 : i32 to vector<1x1024xi32>
    %ge3A_188 = arith.cmpi sge, %add3A_1, %ge3A_187 : vector<1x1024xi32>
    %lt3A_189 = vector.broadcast %get3A_182 : i32 to vector<1x1024xi32>
    %lt3A_190 = arith.cmpi slt, %add3A_1, %lt3A_189 : vector<1x1024xi32>
    %and3A_191 = arith.andi %ge3A_188, %lt3A_190 : vector<1x1024xi1>
    %jit3A_192 = arith.constant 0.000000e+00 : f32
    %broadcast_in_dim3A_193 = vector.broadcast %div3A_186 : f32 to vector<1x1024xf32>
    %broadcast_in_dim3A_194 = vector.broadcast %jit3A_192 : f32 to vector<1x1024xf32>
    %select_n3A_195 = arith.select %and3A_191, %broadcast_in_dim3A_193, %broadcast_in_dim3A_194 : vector<1x1024xi1>, vector<1x1024xf32>
    %get3A_196 = arith.constant 12 : index
    %get3A_197 = memref.load %arg1[%get3A_196] : memref<17xi32, #tpu.memory_space<smem>>
    %get3A_198 = arith.constant 13 : index
    %get3A_199 = memref.load %arg1[%get3A_198] : memref<17xi32, #tpu.memory_space<smem>>
    %sub3A_200 = arith.subi %get3A_199, %get3A_197 : i32
    %convert_element_type3A_201 = arith.sitofp %sub3A_200 : i32 to f32
    %div3A_202 = arith.constant 1.000000e+00 : f32
    %div3A_203 = arith.divf %div3A_202, %convert_element_type3A_201 : f32
    %ge3A_204 = vector.broadcast %get3A_197 : i32 to vector<1x1024xi32>
    %ge3A_205 = arith.cmpi sge, %add3A_1, %ge3A_204 : vector<1x1024xi32>
    %lt3A_206 = vector.broadcast %get3A_199 : i32 to vector<1x1024xi32>
    %lt3A_207 = arith.cmpi slt, %add3A_1, %lt3A_206 : vector<1x1024xi32>
    %and3A_208 = arith.andi %ge3A_205, %lt3A_207 : vector<1x1024xi1>
    %jit3A_209 = arith.constant 0.000000e+00 : f32
    %broadcast_in_dim3A_210 = vector.broadcast %div3A_203 : f32 to vector<1x1024xf32>
    %broadcast_in_dim3A_211 = vector.broadcast %jit3A_209 : f32 to vector<1x1024xf32>
    %select_n3A_212 = arith.select %and3A_208, %broadcast_in_dim3A_210, %broadcast_in_dim3A_211 : vector<1x1024xi1>, vector<1x1024xf32>
    %get3A_213 = arith.constant 13 : index
    %get3A_214 = memref.load %arg1[%get3A_213] : memref<17xi32, #tpu.memory_space<smem>>
    %get3A_215 = arith.constant 14 : index
    %get3A_216 = memref.load %arg1[%get3A_215] : memref<17xi32, #tpu.memory_space<smem>>
    %sub3A_217 = arith.subi %get3A_216, %get3A_214 : i32
    %convert_element_type3A_218 = arith.sitofp %sub3A_217 : i32 to f32
    %div3A_219 = arith.constant 1.000000e+00 : f32
    %div3A_220 = arith.divf %div3A_219, %convert_element_type3A_218 : f32
    %ge3A_221 = vector.broadcast %get3A_214 : i32 to vector<1x1024xi32>
    %ge3A_222 = arith.cmpi sge, %add3A_1, %ge3A_221 : vector<1x1024xi32>
    %lt3A_223 = vector.broadcast %get3A_216 : i32 to vector<1x1024xi32>
    %lt3A_224 = arith.cmpi slt, %add3A_1, %lt3A_223 : vector<1x1024xi32>
    %and3A_225 = arith.andi %ge3A_222, %lt3A_224 : vector<1x1024xi1>
    %jit3A_226 = arith.constant 0.000000e+00 : f32
    %broadcast_in_dim3A_227 = vector.broadcast %div3A_220 : f32 to vector<1x1024xf32>
    %broadcast_in_dim3A_228 = vector.broadcast %jit3A_226 : f32 to vector<1x1024xf32>
    %select_n3A_229 = arith.select %and3A_225, %broadcast_in_dim3A_227, %broadcast_in_dim3A_228 : vector<1x1024xi1>, vector<1x1024xf32>
    %get3A_230 = arith.constant 14 : index
    %get3A_231 = memref.load %arg1[%get3A_230] : memref<17xi32, #tpu.memory_space<smem>>
    %get3A_232 = arith.constant 15 : index
    %get3A_233 = memref.load %arg1[%get3A_232] : memref<17xi32, #tpu.memory_space<smem>>
    %sub3A_234 = arith.subi %get3A_233, %get3A_231 : i32
    %convert_element_type3A_235 = arith.sitofp %sub3A_234 : i32 to f32
    %div3A_236 = arith.constant 1.000000e+00 : f32
    %div3A_237 = arith.divf %div3A_236, %convert_element_type3A_235 : f32
    %ge3A_238 = vector.broadcast %get3A_231 : i32 to vector<1x1024xi32>
    %ge3A_239 = arith.cmpi sge, %add3A_1, %ge3A_238 : vector<1x1024xi32>
    %lt3A_240 = vector.broadcast %get3A_233 : i32 to vector<1x1024xi32>
    %lt3A_241 = arith.cmpi slt, %add3A_1, %lt3A_240 : vector<1x1024xi32>
    %and3A_242 = arith.andi %ge3A_239, %lt3A_241 : vector<1x1024xi1>
    %jit3A_243 = arith.constant 0.000000e+00 : f32
    %broadcast_in_dim3A_244 = vector.broadcast %div3A_237 : f32 to vector<1x1024xf32>
    %broadcast_in_dim3A_245 = vector.broadcast %jit3A_243 : f32 to vector<1x1024xf32>
    %select_n3A_246 = arith.select %and3A_242, %broadcast_in_dim3A_244, %broadcast_in_dim3A_245 : vector<1x1024xi1>, vector<1x1024xf32>
    %get3A_247 = arith.constant 15 : index
    %get3A_248 = memref.load %arg1[%get3A_247] : memref<17xi32, #tpu.memory_space<smem>>
    %get3A_249 = arith.constant 16 : index
    %get3A_250 = memref.load %arg1[%get3A_249] : memref<17xi32, #tpu.memory_space<smem>>
    %sub3A_251 = arith.subi %get3A_250, %get3A_248 : i32
    %convert_element_type3A_252 = arith.sitofp %sub3A_251 : i32 to f32
    %div3A_253 = arith.constant 1.000000e+00 : f32
    %div3A_254 = arith.divf %div3A_253, %convert_element_type3A_252 : f32
    %ge3A_255 = vector.broadcast %get3A_248 : i32 to vector<1x1024xi32>
    %ge3A_256 = arith.cmpi sge, %add3A_1, %ge3A_255 : vector<1x1024xi32>
    %lt3A_257 = vector.broadcast %get3A_250 : i32 to vector<1x1024xi32>
    %lt3A_258 = arith.cmpi slt, %add3A_1, %lt3A_257 : vector<1x1024xi32>
    %and3A_259 = arith.andi %ge3A_256, %lt3A_258 : vector<1x1024xi1>
    %jit3A_260 = arith.constant 0.000000e+00 : f32
    %broadcast_in_dim3A_261 = vector.broadcast %div3A_254 : f32 to vector<1x1024xf32>
    %broadcast_in_dim3A_262 = vector.broadcast %jit3A_260 : f32 to vector<1x1024xf32>
    %select_n3A_263 = arith.select %and3A_259, %broadcast_in_dim3A_261, %broadcast_in_dim3A_262 : vector<1x1024xi1>, vector<1x1024xf32>
    %concatenate3A = tpu.concatenate %select_n3A, %select_n3A_25, %select_n3A_42, %select_n3A_59, %select_n3A_76, %select_n3A_93, %select_n3A_110, %select_n3A_127, %select_n3A_144, %select_n3A_161, %select_n3A_178, %select_n3A_195, %select_n3A_212, %select_n3A_229, %select_n3A_246, %select_n3A_263 in 0 : vector<1x1024xf32>, vector<1x1024xf32>, vector<1x1024xf32>, vector<1x1024xf32>, vector<1x1024xf32>, vector<1x1024xf32>, vector<1x1024xf32>, vector<1x1024xf32>, vector<1x1024xf32>, vector<1x1024xf32>, vector<1x1024xf32>, vector<1x1024xf32>, vector<1x1024xf32>, vector<1x1024xf32>, vector<1x1024xf32>, vector<1x1024xf32> -> vector<16x1024xf32>
    %get3A_264 = arith.constant 0 : index
    %get3A_265 = arith.constant 0 : index
    %get3A_266 = vector.load %arg2[%get3A_264, %get3A_265] : memref<1024x2048xf32, #tpu.memory_space<vmem>>, vector<1024x2048xf32>
    %dot_general3A = arith.constant dense<0.000000e+00> : vector<16x2048xf32>
    %dot_general3A_267 = tpu.matmul %concatenate3A, %get3A_266, %dot_general3A {dimension_numbers = #tpu.dot_dimension_numbers<[1], [0], [0], [1], [0, 0, 1, 1], [], []>, transpose_lhs_hint = false} : vector<16x1024xf32>, vector<1024x2048xf32>, vector<16x2048xf32> -> vector<16x2048xf32>
    %eq3A = arith.constant 0 : i32
    %eq3A_268 = arith.cmpi eq, %arg0, %eq3A : i32
    %convert_element_type3A_269 = arith.extui %eq3A_268 : i1 to i32
    %cond3A = arith.constant 0 : i32
    %cond3A_270 = arith.cmpi ne, %convert_element_type3A_269, %cond3A : i32
    scf.if %cond3A_270 {
      %broadcast_in_dim3A_277 = arith.constant 0.000000e+00 : f32
      %broadcast_in_dim3A_278 = vector.broadcast %broadcast_in_dim3A_277 : f32 to vector<16x2048xf32>
      %swap3A_279 = arith.constant 0 : index
      %swap3A_280 = arith.constant 0 : index
      %swap3A_281 = vector.load %arg3[%swap3A_279, %swap3A_280] : memref<16x2048xf32, #tpu.memory_space<vmem>>, vector<16x2048xf32>
      tpu.vector_store %arg3[%swap3A_279, %swap3A_280], %broadcast_in_dim3A_278 {strides = array<i32>} : memref<16x2048xf32, #tpu.memory_space<vmem>>, vector<16x2048xf32>,
    } else {
    }
    %get3A_271 = arith.constant 0 : index
    %get3A_272 = arith.constant 0 : index
    %get3A_273 = vector.load %arg3[%get3A_271, %get3A_272] : memref<16x2048xf32, #tpu.memory_space<vmem>>, vector<16x2048xf32>
    %add3A_274 = arith.addf %get3A_273, %dot_general3A_267 : vector<16x2048xf32>
    %swap3A = arith.constant 0 : index
    %swap3A_275 = arith.constant 0 : index
    %swap3A_276 = vector.load %arg3[%swap3A, %swap3A_275] : memref<16x2048xf32, #tpu.memory_space<vmem>>, vector<16x2048xf32>
    tpu.vector_store %arg3[%swap3A, %swap3A_275], %add3A_274 {strides = array<i32>} : memref<16x2048xf32, #tpu.memory_space<vmem>>, vector<16x2048xf32>,
    return
  }
  func.func @transform_0(%arg0: i32) -> i32 {
    %c0_i32 = arith.constant 0 : i32
    %c0_i32_0 = arith.constant 0 : i32
    return %c0_i32 : i32
  }
  func.func @transform_1(%arg0: i32) -> (i32, i32) {
    %c0_i32 = arith.constant 0 : i32
    %c0_i32_0 = arith.constant 0 : i32
    return %arg0, %c0_i32 : i32, i32
  }
  func.func @transform_2(%arg0: i32) -> (i32, i32) {
    %c0_i32 = arith.constant 0 : i32
    %c0_i32_0 = arith.constant 0 : i32
    %c0_i32_1 = arith.constant 0 : i32
    return %c0_i32, %c0_i32_0 : i32, i32
  }
}

</mosaic_0001>

<sc_bundles>
// kernel: kernel.4.cloned.1.call-start
scs
__scs_entry_jumppad:
0x0: {  	(pc) =	sbr.rel $0x88, $3  }
0x1: {  	(tag) =	ssettag $0x0;
	lr =	simm.s32 $0x1  }
0x2: {  	[smem:$0x3F9E] =	sst lr;
	_ =	strace $0xD0000000  }
0x3: {  	_ = 	snop  }
0x4: {  	_ = 	snop  }
0x5: {  	_ = 	snop  }
0x6: {  	_ = 	snop  }
0x7: {  	_ = 	snop  }
__scs_overlays_trampoline_lowered:
0x8: {  	[smem:$0x3FAD] =	sst s0  }
0x9: {  	[smem:$0x3FAE] =	sst s1  }
0xa: {  	[smem:$0x3FAF] =	sst s2  }
0xb: {  	[smem:$0x3FB0] =	sst s3  }
0xc: {  	[smem:$0x3FB1] =	sst s4  }
0xd: {  	[smem:$0x3FB2] =	sst s5  }
0xe: {  	[smem:$0x3FB3] =	sst s6  }
0xf: {  	[smem:$0x3FB4] =	sst s7  }
0x10: {  	[smem:$0x3FB5] =	sst s8  }
0x11: {  	[smem:$0x3FB6] =	sst s9;
	s0 =	simm.s32 @!p0 $0x0  }
0x12: {  	s1 =	sld [smem:$0x3F9C];
	s0 =	simm.s32 @p0 $0x1  }
0x13: {  	[smem:$0x3FB7] =	sst s0;
	s0 =	simm.s32 @!p1 $0x0  }
0x14: {  	s2 =	sld [smem:$0x3F9B];
	s0 =	simm.s32 @p1 $0x1  }
0x15: {  	[smem:$0x3FB8] =	sst s0;
	s0 =	simm.s32 @!p2 $0x0  }
0x16: {  	s3 =	sld [smem:$0x3FDB];
	s0 =	simm.s32 @p2 $0x1  }
0x17: {  	s4 =	simm.s32 $0x1BF5;
	[smem:$0x3FBA] =	sst s0  }
0x18: {  	s0 =	sld [smem:$0x3F9D];
	_ =	swait.ge [sflag:s4], $0x0  }
0x19: {  	s7 =	sld [smem:$0x3F9E]  }
0x1a: {  	s8 =	sadd.s32 $0xFFFFE003, lr  }
0x1b: {  	s9 =	sadd.s32 $0xFFFFFEF7, lr;
	s5 =	simm.s32 $0xFFFFFFFF;
	p2 =	slt.u32 s8, $0xFFFFF086  }
0x1c: {  	p1 =	slt.u32 s9, $0xF7A;
	s5 =	simm.s32 @!p2 $0x0  }
0x1d: {  	s5 =	simm.s32 @p1 $0x1;
	p0 =	seq.s32 s7, s2  }
0x1e: {  	s7 =	smul.u32 @!p0 $0xF7A, s2;
	p2 =	seq.s32 @!p0 s5, $0x0  }
0x1f: {  	s9 =	smul.u32 $0xF7A, s1;
	s8 =	simm.s32 @!p0 $0x1BF5;
	p2 =	por !p2, p0  }
0x20: {  	[sflag:s8] =	ssyncset.s32 @!p0 $0xFFFFF086;
	s6 =	sadd.s32 @!p0 s3, s7;
	s7 =	simm.s32 @!p0 $0x108  }
0x21: {  	s3 =	sadd.s32 s3, s9;
	s6 =	sadd.s32 @!p0 $0x88, s6;
	s7 =	simm.s32 @p2 $0x1082  }
0x22: {  	[simem:s7], [sflag:s8] =	dma.local @!p0 [hbm:s6], $0xF7A  }
0x23: {  	s9 =	sor.u32 $0xD0000000, s2;
	s6 =	simm.s32 $0x108;
	_ =	swait.ge @!p0 [sflag:s8], $0x0  }
0x24: {  	s3 =	sadd.s32 $0x88, s3;
	s6 =	simm.s32 @!p1 $0x1082;
	[sflag:s4] =	ssyncset.s32 $0xFFFFF086  }
0x25: {  	[simem:s6], [sflag:s4] =	dma.local [hbm:s3], $0xF7A  }
0x26: {  	[smem:$0x3F9E] =	sst s1;
	(tag) =	ssettag s2;
	_ =	strace s9  }
0x27: {  	s1 =	sld [smem:$0x3FAE]  }
0x28: {  	s2 =	sld [smem:$0x3FAF]  }
0x29: {  	s4 =	sld [smem:$0x3FB1]  }
0x2a: {  	p0 =	seq.s32 s5, $0x0;
	s5 =	sld [smem:$0x3FB2]  }
0x2b: {  	s6 =	sld [smem:$0x3FB3]  }
0x2c: {  	s7 =	sld [smem:$0x3FB4]  }
0x2d: {  	s3 =	simm.s32 $0x108;
	s8 =	sld [smem:$0x3FB5]  }
0x2e: {  	s3 =	simm.s32 @!p0 $0x1082;
	s9 =	sld [smem:$0x3FB6]  }
0x2f: {  	lr =	sadd.s32 s0, s3;
	s0 =	sld [smem:$0x3FAD]  }
0x30: {  	s3 =	sld [smem:$0x3FB0]  }
0x31: {  	[smem:$0x3FB9] =	sst s10  }
0x32: {  	s10 =	sld [smem:$0x3FB7];
	_ =	sdelay $0x3  }
0x33: {  	p0 =	seq.s32 s10, $0x1;
	s10 =	sld [smem:$0x3FB9];
	_ =	sdelay $0x3  }
0x34: {  	[smem:$0x3FB9] =	sst s10  }
0x35: {  	s10 =	sld [smem:$0x3FB8];
	_ =	sdelay $0x3  }
0x36: {  	p1 =	seq.s32 s10, $0x1;
	s10 =	sld [smem:$0x3FB9];
	_ =	sdelay $0x3  }
0x37: {  	[smem:$0x3FB9] =	sst s10  }
0x38: {  	s10 =	sld [smem:$0x3FBA]  }
0x39: {  	_ = 	snop;
	(pc) =	sbr.ind lr, $3  }
0x3a: {  	_ = 	snop  }
0x3b: {  	_ = 	snop  }
0x3c: {  	p2 =	seq.s32 s10, $0x1;
	s10 =	sld [smem:$0x3FB9]  }
0x3d: {  	_ =	shalt  }
0x3e: {  	_ =	shalt  }
0x3f: {  	_ =	shalt  }
0x40: {  	_ =	shalt  }
0x41: {  	_ =	shalt  }
0x42: {  	_ =	shalt  }
0x43: {  	_ =	shalt  }
0x44: {  	_ =	shalt  }
0x45: {  	_ =	shalt  }
0x46: {  	_ =	shalt  }
0x47: {  	_ =	shalt  }
0x48: {  	_ =	shalt  }
0x49: {  	_ =	shalt  }
0x4a: {  	_ =	shalt  }
0x4b: {  	_ =	shalt  }
0x4c: {  	_ =	shalt  }
0x4d: {  	_ =	shalt  }
0x4e: {  	_ =	shalt  }
0x4f: {  	_ =	shalt  }
0x50: {  	_ =	shalt  }
0x51: {  	_ =	shalt  }
0x52: {  	_ =	shalt  }
0x53: {  	_ =	shalt  }
0x54: {  	_ =	shalt  }
0x55: {  	_ =	shalt  }
0x56: {  	_ =	shalt  }
0x57: {  	_ =	shalt  }
0x58: {  	_ =	shalt  }
0x59: {  	_ =	shalt  }
0x5a: {  	_ =	shalt  }
0x5b: {  	_ =	shalt  }
0x5c: {  	_ =	shalt  }
0x5d: {  	_ =	shalt  }
0x5e: {  	_ =	shalt  }
0x5f: {  	_ =	shalt  }
0x60: {  	_ =	shalt  }
0x61: {  	_ =	shalt  }
0x62: {  	_ =	shalt  }
0x63: {  	_ =	shalt  }
0x64: {  	_ =	shalt  }
0x65: {  	_ =	shalt  }
0x66: {  	_ =	shalt  }
0x67: {  	_ =	shalt  }
0x68: {  	_ =	shalt  }
0x69: {  	_ =	shalt  }
0x6a: {  	_ =	shalt  }
0x6b: {  	_ =	shalt  }
0x6c: {  	_ =	shalt  }
0x6d: {  	_ =	shalt  }
0x6e: {  	_ =	shalt  }
0x6f: {  	_ =	shalt  }
0x70: {  	_ =	shalt  }
0x71: {  	_ =	shalt  }
0x72: {  	_ =	shalt  }
0x73: {  	_ =	shalt  }
0x74: {  	_ =	shalt  }
0x75: {  	_ =	shalt  }
0x76: {  	_ =	shalt  }
0x77: {  	_ =	shalt  }
0x78: {  	_ =	shalt  }
0x79: {  	_ =	shalt  }
0x7a: {  	_ =	shalt  }
0x7b: {  	_ =	shalt  }
0x7c: {  	_ =	shalt  }
0x7d: {  	_ =	shalt  }
0x7e: {  	_ =	shalt  }
0x7f: {  	_ =	shalt  }
0x80: {  	_ =	shalt  }
0x81: {  	_ =	shalt  }
0x82: {  	_ =	shalt  }
0x83: {  	_ =	shalt  }
0x84: {  	_ =	shalt  }
0x85: {  	_ =	shalt  }
0x86: {  	_ =	shalt  }
0x87: {  	_ =	shalt  }
.Lfunc_end0:
.L_simem_size_0:
called_computation_lowered:
.L_overlay_start_0:
0x88: {  	s2 =	sld [smem:$0x3FD9]  }
0x89: {  	s3 =	sld [smem:$0x3FFE];
	_ =	sdelay $0x1  }
0x8a: {  	s1 =	srdreg.scid  }
0x8b: {  	s0 =	sand.u32 $0x1, s1  }
0x8c: {  	s17 =	sshll.u32 s0, $0xA;
	s2 =	sadd.s32 s3, s2  }
0x8d: {  	s2 =	sadd.s32 s2, s17  }
0x8e: {  	[smem:$0x3FC5] =	sst s2  }
0x8f: {  	_ = 	snop  }
0x90: {  	s2 =	sld [smem:$0x3FD0];
	(tm) =	ssettm $0x1  }
0x91: {  	s18 =	sld [smem:$0x3FFB];
	_ =	sdelay $0x3  }
0x92: {  	_ =	strace s18  }
0x93: {  	s3 =	sld [smem:$0x3FFC];
	_ =	sdelay $0x3  }
0x94: {  	_ =	strace s3  }
0x95: {  	s3 =	sld [smem:$0x3FFD];
	_ =	sdelay $0x3  }
0x96: {  	_ =	strace s3  }
0x97: {  	_ =	strace $0x8FFFFFFF  }
0x98: {  	s19 =	sld [smem:$0x3FDB];
	_ =	sdelay $0x1  }
0x99: {  	s4 =	simm.s32 $_scs_section_size  }
0x9a: {  	s5 =	simm.s32 $_size__tile_overlayer_lowered;
	s6 =	simm.s32 $_tile_overlayer_lowered  }
0x9b: {  	s22 =	simm.s32 $0x1BFF;
	s21 =	sshll.u32 s6, $0x1;
	s3 =	sadd.s32 s4, s19  }
0x9c: {  	s7 =	simm.s32 $0x0;
	s20 =	sshll.u32 s5, $0x1;
	s5 =	sadd.s32 s21, s3  }
0x9d: {  	[timem:s7], [sflag:s22] =	dma.local [hbm:s5], s20  }
0x9e: {  	_ =	swait.ge [sflag:s22], s20  }
0x9f: {  	s4 =	ssub.s32 $0x0, s20;
	[sflag:s22] =	ssyncset.done $0x0  }
0xa0: {  	[sflag:s22] =	ssyncadd.s32 s4;
	_ =	sdelay $0x1  }
0xa1: {  	s23 =	simm.s32 $0x1B8B  }
0xa2: {  	_ =	swait.ge [sflag:s23], $0x1  }
0xa3: {  	[sflag:s23] =	ssyncset.done $0x0  }
0xa4: {  	s25 =	simm.s32 $0x1B8E;
	s24 =	sld [smem:$0x3FFE];
	[sflag:s23] =	ssyncadd.s32 $0xFFFFFFFF  }
0xa5: {  	s26 =	simm.s32 $execute0_lowered;
	[smem:$0x3FD2] =	sst s25  }
0xa6: {  	s5 =	sshll.u32 s26, $0x1;
	_ =	strace $0x80000046;
	[dreg:$0x1] =	wrdreg $0xFFFFFFFF  }
0xa7: {  	s28 =	simm.s32 $_size_execute0_lowered;
	s3 =	sadd.s32 s3, s5;
	[dreg:$0x0] =	wrdreg $0x0  }
0xa8: {  	s5 =	sshll.u32 s28, $0x1;
	[dreg:$0x2] =	wrdreg s3  }
0xa9: {  	[dreg:$0x3] =	wrdreg s5  }
0xaa: {  	[dreg:$0x4] =	wrdreg $0xC0  }
0xab: {  	_ =	task [dreg:s7], $0x5FFFF  }
0xac: {  	[dreg:$0x1] =	wrdreg $0xFFFFFFFF  }
0xad: {  	[dreg:$0x0] =	wrdreg $0x60  }
0xae: {  	[dreg:$0x2] =	wrdreg s24  }
0xaf: {  	[dreg:$0x3] =	wrdreg s2  }
0xb0: {  	[dreg:$0x4] =	wrdreg $0x9  }
0xb1: {  	_ =	task.clear_ibuf [dreg:s7], $0x5FFFF;
	_ =	strace $0x90000046  }
0xb2: {  	s29 =	simm.s32 $0x9;
	_ =	strace $0x80000048  }
0xb3: {  	_ =	swait.ge [sflag:s29], $0x1  }
0xb4: {  	[sflag:s29] =	ssyncadd.s32 $0xFFFFFFFF  }
0xb5: {  	_ =	strace $0x90000048  }
0xb6: {  	_ =	sfence  }
0xb7: {  	s30 =	sld [smem:$0x0];
	_ =	sdelay $0x2  }
0xb8: {  	s31 =	sshll.u32 s1, $0xD;
	s1 =	sshrl.u32 s1, $0x2  }
0xb9: {  	s3 =	sand.u32 $0x4000, s31;
	s1 =	sadd.s32 s1, s30  }
0xba: {  	s0 =	sor.u32 s3, s0;
	s1 =	sshll.u32 s1, $0x11  }
0xbb: {  	s0 =	sor.u32 s1, s0  }
0xbc: {  	s0 =	sadd.s32 $0x8F2B, s0  }
0xbd: {  	[sflag:s0] =	ssyncadd.remote.s32 $0x1  }
0xbe: {  	_ =	sfence.sel $0xFFFF  }
0xbf: {  	[dreg:$0x0] =	wrdreg $0xFFFFFFFF;
	(pc) =	sbr.abs _section_cstart, $3  }
0xc0: {  	[dreg:$0x1] =	wrdreg $0xFFFFFFFF  }
0xc1: {  	_ =	task.clear_ibuf [dreg:s7], $0x2FFFF;
	_ =	strace $0x9FFFFFFF  }
0xc2: {  	(tm) =	ssettm $0x7FFFFFFF  }
0xc3: {  	_ =	shalt  }
tec
execute0_lowered:
.L_overlay_start_1:
0x0: {  	(tag) =	ssettag $0x1  }
0x1: {  	s4 =	rddreg [dreg:$0x0]  }
0x2: {  	s5 =	rddreg [dreg:$0x1]  }
0x3: {  	s0 =	rddreg [dreg:$0x2];
	s3 =	srdreg.scid  }
0x4: {  	s2 =	simm.s32 $0x0;
	s1 =	stileid.u32;
	s6 =	sand.u32 $0x1, s3  }
0x5: {  	[smem:$0x7FF] =	sst s2;
	s7 =	sshll.u32 s1, $0xA;
	s3 =	sadd.s32 $0x4400, s4  }
0x6: {  	s31 =	sshll.u32 s1, $0x12;
	s8 =	sshll.u32 s6, $0x9;
	_ =	strace $0x80000047  }
0x7: {  	s30 =	ssub.s32 $0x2, s6;
	s5 =	sadd.s32 s31, s5;
	s6 =	sshll.u32 s6, $0x11  }
0x8: {  	s7 =	sor.u32 s8, s7;
	s9 =	sshrl.u32 s30, $0x1;
	s6 =	sadd.s32 s6, s5  }
0x9: {  	s8 =	simm.s32 $0x1;
	s4 =	sadd.s32 s7, s4;
	s7 =	ssub.s32 s30, s9  }
0xa: {  	[dreg:$0x3] =	wrdreg s6;
	s6 =	simm.s32 $0x2;
	s9 =	simm.s32 $0x0  }
0xb: {  	s4 =	sadd.s32 $0x400, s4;
	s5 =	smax.u32 s7, $0x1;
	s7 =	simm.s32 $0x1000  }
.LBB2_1:
0xc: {  	[tilespmem:s2], [sflag:$0x2] =	stream.linear.gather [hbm4b:s4+s2], $0x1000, $0x38;
	[tilespmem:$0x9000] =	vst v63  }
0xd: {  	_ =	swait.ge [sflag:s6], $0x1000  }
0xe: {  	[sflag:s6] =	ssyncset.done $0x0  }
0xf: {  	[sflag:s6] =	ssyncadd.s32 $0xFFFFF000  }
0x10: {  	[tilespmem:s7], [sflag:$0x2] =	stream.linear.gather [hbm4b:s3+s2], $0x8000, $0x38;
	[tilespmem:$0x9000] =	vst v63  }
0x11: {  	_ =	swait.ge [sflag:s6], $0x8000  }
0x12: {  	s10 =	simm.s32 $0x0;
	[sflag:s6] =	ssyncset.done $0x0  }
0x13: {  	s11 =	simm.s32 $0x0;
	s12 =	simm.s32 $0x0;
	[sflag:s6] =	ssyncadd.s32 $0xFFFF8000  }
.LBB2_2:
0x14: {  	v0 =	vld [tilespmem:s10+$0x0];
	_ =	sdelay $0x4  }
0x15: {  	(v2sf) =	vpush v0, $0x0;
	_ =	sdelay $0xe  }
0x16: {  	s13 =	spop (v2sf)  }
0x17: {  	s15 =	sshll.u32 s13, $0xB;
	s13 =	sshll.u32 s13, $0x7  }
0x18: {  	s15 =	sand.u32 $0xFFFFC000, s15;
	s13 =	sand.u32 $0x380, s13  }
0x19: {  	s14 =	rddreg [dreg:$0x3];
	s15 =	sor.u32 s13, s15  }
0x1a: {  	s13 =	sadd.s32 s11, s14;
	s17 =	sor.u32 $0x1000, s15  }
0x1b: {  	[hbm4b:s13+s2] =	stream.linear.scatter [tilespmem:s17], [sflag:$0x1], $0x80, $0x38;
	[tilespmem:$0x9000] =	vst v63  }
0x1c: {  	s18 =	sor.u32 $0x1400, s15;
	s16 =	sadd.s32 $0x80, s13  }
0x1d: {  	[hbm4b:s16+s2] =	stream.linear.scatter [tilespmem:s18], [sflag:$0x1], $0x80, $0x38;
	[tilespmem:$0x9000] =	vst v63  }
0x1e: {  	s19 =	sor.u32 $0x1800, s15;
	s20 =	sadd.s32 $0x100, s13  }
0x1f: {  	[hbm4b:s20+s2] =	stream.linear.scatter [tilespmem:s19], [sflag:$0x1], $0x80, $0x38;
	[tilespmem:$0x9000] =	vst v63  }
0x20: {  	s21 =	sor.u32 $0x1C00, s15;
	s22 =	sadd.s32 $0x180, s13  }
0x21: {  	[hbm4b:s22+s2] =	stream.linear.scatter [tilespmem:s21], [sflag:$0x1], $0x80, $0x38;
	[tilespmem:$0x9000] =	vst v63  }
0x22: {  	s23 =	sor.u32 $0x2000, s15;
	s24 =	sadd.s32 $0x200, s13  }
0x23: {  	(v2sf) =	vpush v0, $0x1;
	[hbm4b:s24+s2] =	stream.linear.scatter [tilespmem:s23], [sflag:$0x1], $0x80, $0x38;
	[tilespmem:$0x9000] =	vst v63  }
0x24: {  	s25 =	sor.u32 $0x2400, s15;
	s26 =	sadd.s32 $0x280, s13  }
0x25: {  	[hbm4b:s26+s2] =	stream.linear.scatter [tilespmem:s25], [sflag:$0x1], $0x80, $0x38;
	[tilespmem:$0x9000] =	vst v63  }
0x26: {  	s28 =	sor.u32 $0x2800, s15;
	s29 =	sadd.s32 $0x300, s13  }
0x27: {  	[hbm4b:s29+s2] =	stream.linear.scatter [tilespmem:s28], [sflag:$0x1], $0x80, $0x38;
	[tilespmem:$0x9000] =	vst v63  }
0x28: {  	s30 =	sor.u32 $0x2C00, s15;
	s31 =	sadd.s32 $0x380, s13  }
0x29: {  	[hbm4b:s31+s2] =	stream.linear.scatter [tilespmem:s30], [sflag:$0x1], $0x80, $0x38;
	[tilespmem:$0x9000] =	vst v63  }
0x2a: {  	s17 =	sor.u32 $0x3000, s15;
	s18 =	sadd.s32 $0x400, s13  }
0x2b: {  	[hbm4b:s18+s2] =	stream.linear.scatter [tilespmem:s17], [sflag:$0x1], $0x80, $0x38;
	[tilespmem:$0x9000] =	vst v63  }
0x2c: {  	s19 =	sor.u32 $0x3400, s15;
	s20 =	sadd.s32 $0x480, s13;
	s21 =	sor.u32 $0x3800, s15  }
0x2d: {  	[hbm4b:s20+s2] =	stream.linear.scatter [tilespmem:s19], [sflag:$0x1], $0x80, $0x38;
	[tilespmem:$0x9000] =	vst v63  }
0x2e: {  	s22 =	sadd.s32 $0x500, s13;
	s23 =	sor.u32 $0x3C00, s15;
	s24 =	sadd.s32 $0x580, s13  }
0x2f: {  	[hbm4b:s22+s2] =	stream.linear.scatter [tilespmem:s21], [sflag:$0x1], $0x80, $0x38;
	[tilespmem:$0x9000] =	vst v63  }
0x30: {  	s25 =	sadd.s32 $0x4000, s15;
	s26 =	sadd.s32 $0x600, s13;
	s28 =	sadd.s32 $0x4400, s15  }
0x31: {  	[hbm4b:s24+s2] =	stream.linear.scatter [tilespmem:s23], [sflag:$0x1], $0x80, $0x38;
	[tilespmem:$0x9000] =	vst v63  }
0x32: {  	s29 =	sadd.s32 $0x680, s13;
	s30 =	sadd.s32 $0x4800, s15;
	s19 =	spop (v2sf)  }
0x33: {  	[hbm4b:s26+s2] =	stream.linear.scatter [tilespmem:s25], [sflag:$0x1], $0x80, $0x38;
	[tilespmem:$0x9000] =	vst v63  }
0x34: {  	s31 =	sadd.s32 $0x700, s13;
	s20 =	sshll.u32 s19, $0xB;
	s14 =	sshll.u32 s19, $0x7  }
0x35: {  	[hbm4b:s29+s2] =	stream.linear.scatter [tilespmem:s28], [sflag:$0x1], $0x80, $0x38;
	[tilespmem:$0x9000] =	vst v63  }
0x36: {  	s17 =	sadd.s32 $0x4C00, s15;
	s15 =	sand.u32 $0xFFFFC000, s20;
	s14 =	sand.u32 $0x380, s14  }
0x37: {  	[hbm4b:s31+s2] =	stream.linear.scatter [tilespmem:s30], [sflag:$0x1], $0x80, $0x38;
	[tilespmem:$0x9000] =	vst v63  }
0x38: {  	s18 =	sadd.s32 $0x780, s13;
	s14 =	sor.u32 s14, s15  }
0x39: {  	[hbm4b:s18+s2] =	stream.linear.scatter [tilespmem:s17], [sflag:$0x1], $0x80, $0x38;
	[tilespmem:$0x9000] =	vst v63  }
0x3a: {  	s21 =	sadd.s32 $0x10, s13;
	s22 =	sor.u32 $0x1000, s14  }
0x3b: {  	[hbm4b:s21+s2] =	stream.linear.scatter [tilespmem:s22], [sflag:$0x1], $0x80, $0x38;
	[tilespmem:$0x9000] =	vst v63  }
0x3c: {  	s23 =	sor.u32 $0x1400, s14;
	s24 =	sadd.s32 $0x90, s13  }
0x3d: {  	[hbm4b:s24+s2] =	stream.linear.scatter [tilespmem:s23], [sflag:$0x1], $0x80, $0x38;
	[tilespmem:$0x9000] =	vst v63  }
0x3e: {  	s25 =	sor.u32 $0x1800, s14;
	s26 =	sadd.s32 $0x110, s13  }
0x3f: {  	[hbm4b:s26+s2] =	stream.linear.scatter [tilespmem:s25], [sflag:$0x1], $0x80, $0x38;
	[tilespmem:$0x9000] =	vst v63  }
0x40: {  	s28 =	sor.u32 $0x1C00, s14;
	s29 =	sadd.s32 $0x190, s13  }
0x41: {  	[hbm4b:s29+s2] =	stream.linear.scatter [tilespmem:s28], [sflag:$0x1], $0x80, $0x38;
	[tilespmem:$0x9000] =	vst v63  }
0x42: {  	s30 =	sor.u32 $0x2000, s14;
	s31 =	sadd.s32 $0x210, s13  }
0x43: {  	[hbm4b:s31+s2] =	stream.linear.scatter [tilespmem:s30], [sflag:$0x1], $0x80, $0x38;
	[tilespmem:$0x9000] =	vst v63  }
0x44: {  	s17 =	sor.u32 $0x2400, s14;
	s18 =	sadd.s32 $0x290, s13  }
0x45: {  	[hbm4b:s18+s2] =	stream.linear.scatter [tilespmem:s17], [sflag:$0x1], $0x80, $0x38;
	[tilespmem:$0x9000] =	vst v63  }
0x46: {  	s20 =	sadd.s32 $0x310, s13;
	s19 =	sor.u32 $0x2800, s14  }
0x47: {  	[hbm4b:s20+s2] =	stream.linear.scatter [tilespmem:s19], [sflag:$0x1], $0x80, $0x38;
	[tilespmem:$0x9000] =	vst v63  }
0x48: {  	s21 =	sor.u32 $0x2C00, s14;
	s22 =	sadd.s32 $0x390, s13  }
0x49: {  	(v2sf) =	vpush v0, $0x2;
	[hbm4b:s22+s2] =	stream.linear.scatter [tilespmem:s21], [sflag:$0x1], $0x80, $0x38;
	[tilespmem:$0x9000] =	vst v63  }
0x4a: {  	s23 =	sor.u32 $0x3000, s14;
	s24 =	sadd.s32 $0x410, s13  }
0x4b: {  	[hbm4b:s24+s2] =	stream.linear.scatter [tilespmem:s23], [sflag:$0x1], $0x80, $0x38;
	[tilespmem:$0x9000] =	vst v63  }
0x4c: {  	s25 =	sor.u32 $0x3400, s14;
	s26 =	sadd.s32 $0x490, s13  }
0x4d: {  	[hbm4b:s26+s2] =	stream.linear.scatter [tilespmem:s25], [sflag:$0x1], $0x80, $0x38;
	[tilespmem:$0x9000] =	vst v63  }
0x4e: {  	s28 =	sor.u32 $0x3800, s14;
	s29 =	sadd.s32 $0x510, s13  }
0x4f: {  	[hbm4b:s29+s2] =	stream.linear.scatter [tilespmem:s28], [sflag:$0x1], $0x80, $0x38;
	[tilespmem:$0x9000] =	vst v63  }
0x50: {  	s30 =	sor.u32 $0x3C00, s14;
	s31 =	sadd.s32 $0x590, s13  }
0x51: {  	[hbm4b:s31+s2] =	stream.linear.scatter [tilespmem:s30], [sflag:$0x1], $0x80, $0x38;
	[tilespmem:$0x9000] =	vst v63  }
0x52: {  	s16 =	sadd.s32 $0x4000, s14;
	s17 =	sadd.s32 $0x610, s13  }
0x53: {  	[hbm4b:s17+s2] =	stream.linear.scatter [tilespmem:s16], [sflag:$0x1], $0x80, $0x38;
	[tilespmem:$0x9000] =	vst v63  }
0x54: {  	s18 =	sadd.s32 $0x4400, s14;
	s19 =	sadd.s32 $0x690, s13  }
0x55: {  	[hbm4b:s19+s2] =	stream.linear.scatter [tilespmem:s18], [sflag:$0x1], $0x80, $0x38;
	[tilespmem:$0x9000] =	vst v63  }
0x56: {  	s20 =	sadd.s32 $0x4800, s14;
	s21 =	sadd.s32 $0x710, s13  }
0x57: {  	[hbm4b:s21+s2] =	stream.linear.scatter [tilespmem:s20], [sflag:$0x1], $0x80, $0x38;
	[tilespmem:$0x9000] =	vst v63  }
0x58: {  	s14 =	sadd.s32 $0x4C00, s14;
	s22 =	sadd.s32 $0x790, s13;
	s23 =	spop (v2sf)  }
0x59: {  	[hbm4b:s22+s2] =	stream.linear.scatter [tilespmem:s14], [sflag:$0x1], $0x80, $0x38;
	[tilespmem:$0x9000] =	vst v63  }
0x5a: {  	s24 =	sshll.u32 s23, $0xB;
	s14 =	sshll.u32 s23, $0x7  }
0x5b: {  	s15 =	sand.u32 $0xFFFFC000, s24;
	s14 =	sand.u32 $0x380, s14  }
0x5c: {  	s14 =	sor.u32 s14, s15  }
0x5d: {  	s25 =	sadd.s32 $0x20, s13;
	s26 =	sor.u32 $0x1000, s14  }
0x5e: {  	[hbm4b:s25+s2] =	stream.linear.scatter [tilespmem:s26], [sflag:$0x1], $0x80, $0x38;
	[tilespmem:$0x9000] =	vst v63  }
0x5f: {  	s29 =	sadd.s32 $0xA0, s13;
	s28 =	sor.u32 $0x1400, s14  }
0x60: {  	[hbm4b:s29+s2] =	stream.linear.scatter [tilespmem:s28], [sflag:$0x1], $0x80, $0x38;
	[tilespmem:$0x9000] =	vst v63  }
0x61: {  	s31 =	sadd.s32 $0x120, s13;
	s30 =	sor.u32 $0x1800, s14  }
0x62: {  	[hbm4b:s31+s2] =	stream.linear.scatter [tilespmem:s30], [sflag:$0x1], $0x80, $0x38;
	[tilespmem:$0x9000] =	vst v63  }
0x63: {  	s18 =	sadd.s32 $0x1A0, s13;
	s17 =	sor.u32 $0x1C00, s14  }
0x64: {  	[hbm4b:s18+s2] =	stream.linear.scatter [tilespmem:s17], [sflag:$0x1], $0x80, $0x38;
	[tilespmem:$0x9000] =	vst v63  }
0x65: {  	s20 =	sadd.s32 $0x220, s13;
	s19 =	sor.u32 $0x2000, s14  }
0x66: {  	[hbm4b:s20+s2] =	stream.linear.scatter [tilespmem:s19], [sflag:$0x1], $0x80, $0x38;
	[tilespmem:$0x9000] =	vst v63  }
0x67: {  	s22 =	sadd.s32 $0x2A0, s13;
	s21 =	sor.u32 $0x2400, s14  }
0x68: {  	[hbm4b:s22+s2] =	stream.linear.scatter [tilespmem:s21], [sflag:$0x1], $0x80, $0x38;
	[tilespmem:$0x9000] =	vst v63  }
0x69: {  	s24 =	sadd.s32 $0x320, s13;
	s23 =	sor.u32 $0x2800, s14  }
0x6a: {  	[hbm4b:s24+s2] =	stream.linear.scatter [tilespmem:s23], [sflag:$0x1], $0x80, $0x38;
	[tilespmem:$0x9000] =	vst v63  }
0x6b: {  	s25 =	sor.u32 $0x2C00, s14;
	s26 =	sadd.s32 $0x3A0, s13  }
0x6c: {  	(v2sf) =	vpush v0, $0x3;
	[hbm4b:s26+s2] =	stream.linear.scatter [tilespmem:s25], [sflag:$0x1], $0x80, $0x38;
	[tilespmem:$0x9000] =	vst v63  }
0x6d: {  	s28 =	sor.u32 $0x3000, s14;
	s29 =	sadd.s32 $0x420, s13  }
0x6e: {  	[hbm4b:s29+s2] =	stream.linear.scatter [tilespmem:s28], [sflag:$0x1], $0x80, $0x38;
	[tilespmem:$0x9000] =	vst v63  }
0x6f: {  	s30 =	sor.u32 $0x3400, s14;
	s31 =	sadd.s32 $0x4A0, s13  }
0x70: {  	[hbm4b:s31+s2] =	stream.linear.scatter [tilespmem:s30], [sflag:$0x1], $0x80, $0x38;
	[tilespmem:$0x9000] =	vst v63  }
0x71: {  	s16 =	sor.u32 $0x3800, s14;
	s17 =	sadd.s32 $0x520, s13  }
0x72: {  	[hbm4b:s17+s2] =	stream.linear.scatter [tilespmem:s16], [sflag:$0x1], $0x80, $0x38;
	[tilespmem:$0x9000] =	vst v63  }
0x73: {  	s18 =	sor.u32 $0x3C00, s14;
	s19 =	sadd.s32 $0x5A0, s13  }
0x74: {  	[hbm4b:s19+s2] =	stream.linear.scatter [tilespmem:s18], [sflag:$0x1], $0x80, $0x38;
	[tilespmem:$0x9000] =	vst v63  }
0x75: {  	s20 =	sadd.s32 $0x4000, s14;
	s21 =	sadd.s32 $0x620, s13  }
0x76: {  	[hbm4b:s21+s2] =	stream.linear.scatter [tilespmem:s20], [sflag:$0x1], $0x80, $0x38;
	[tilespmem:$0x9000] =	vst v63  }
0x77: {  	s22 =	sadd.s32 $0x4400, s14;
	s23 =	sadd.s32 $0x6A0, s13  }
0x78: {  	[hbm4b:s23+s2] =	stream.linear.scatter [tilespmem:s22], [sflag:$0x1], $0x80, $0x38;
	[tilespmem:$0x9000] =	vst v63  }
0x79: {  	s24 =	sadd.s32 $0x4800, s14;
	s25 =	sadd.s32 $0x720, s13  }
0x7a: {  	[hbm4b:s25+s2] =	stream.linear.scatter [tilespmem:s24], [sflag:$0x1], $0x80, $0x38;
	[tilespmem:$0x9000] =	vst v63  }
0x7b: {  	s14 =	sadd.s32 $0x4C00, s14;
	s26 =	sadd.s32 $0x7A0, s13;
	s28 =	spop (v2sf)  }
0x7c: {  	[hbm4b:s26+s2] =	stream.linear.scatter [tilespmem:s14], [sflag:$0x1], $0x80, $0x38;
	[tilespmem:$0x9000] =	vst v63  }
0x7d: {  	s29 =	sshll.u32 s28, $0xB;
	s14 =	sshll.u32 s28, $0x7  }
0x7e: {  	s15 =	sand.u32 $0xFFFFC000, s29;
	s14 =	sand.u32 $0x380, s14  }
0x7f: {  	s14 =	sor.u32 s14, s15  }
0x80: {  	s30 =	sadd.s32 $0x30, s13;
	s31 =	sor.u32 $0x1000, s14  }
0x81: {  	[hbm4b:s30+s2] =	stream.linear.scatter [tilespmem:s31], [sflag:$0x1], $0x80, $0x38;
	[tilespmem:$0x9000] =	vst v63  }
0x82: {  	s18 =	sadd.s32 $0xB0, s13;
	s17 =	sor.u32 $0x1400, s14  }
0x83: {  	[hbm4b:s18+s2] =	stream.linear.scatter [tilespmem:s17], [sflag:$0x1], $0x80, $0x38;
	[tilespmem:$0x9000] =	vst v63  }
0x84: {  	s20 =	sadd.s32 $0x130, s13;
	s19 =	sor.u32 $0x1800, s14  }
0x85: {  	[hbm4b:s20+s2] =	stream.linear.scatter [tilespmem:s19], [sflag:$0x1], $0x80, $0x38;
	[tilespmem:$0x9000] =	vst v63  }
0x86: {  	s22 =	sadd.s32 $0x1B0, s13;
	s21 =	sor.u32 $0x1C00, s14  }
0x87: {  	[hbm4b:s22+s2] =	stream.linear.scatter [tilespmem:s21], [sflag:$0x1], $0x80, $0x38;
	[tilespmem:$0x9000] =	vst v63  }
0x88: {  	s24 =	sadd.s32 $0x230, s13;
	s23 =	sor.u32 $0x2000, s14  }
0x89: {  	[hbm4b:s24+s2] =	stream.linear.scatter [tilespmem:s23], [sflag:$0x1], $0x80, $0x38;
	[tilespmem:$0x9000] =	vst v63  }
0x8a: {  	s26 =	sadd.s32 $0x2B0, s13;
	s25 =	sor.u32 $0x2400, s14  }
0x8b: {  	[hbm4b:s26+s2] =	stream.linear.scatter [tilespmem:s25], [sflag:$0x1], $0x80, $0x38;
	[tilespmem:$0x9000] =	vst v63  }
0x8c: {  	s29 =	sadd.s32 $0x330, s13;
	s28 =	sor.u32 $0x2800, s14  }
0x8d: {  	[hbm4b:s29+s2] =	stream.linear.scatter [tilespmem:s28], [sflag:$0x1], $0x80, $0x38;
	[tilespmem:$0x9000] =	vst v63  }
0x8e: {  	s30 =	sor.u32 $0x2C00, s14;
	s31 =	sadd.s32 $0x3B0, s13  }
0x8f: {  	(v2sf) =	vpush v0, $0x4;
	[hbm4b:s31+s2] =	stream.linear.scatter [tilespmem:s30], [sflag:$0x1], $0x80, $0x38;
	[tilespmem:$0x9000] =	vst v63  }
0x90: {  	s16 =	sor.u32 $0x3000, s14;
	s17 =	sadd.s32 $0x430, s13  }
0x91: {  	[hbm4b:s17+s2] =	stream.linear.scatter [tilespmem:s16], [sflag:$0x1], $0x80, $0x38;
	[tilespmem:$0x9000] =	vst v63  }
0x92: {  	s18 =	sor.u32 $0x3400, s14;
	s19 =	sadd.s32 $0x4B0, s13  }
0x93: {  	[hbm4b:s19+s2] =	stream.linear.scatter [tilespmem:s18], [sflag:$0x1], $0x80, $0x38;
	[tilespmem:$0x9000] =	vst v63  }
0x94: {  	s20 =	sor.u32 $0x3800, s14;
	s21 =	sadd.s32 $0x530, s13  }
0x95: {  	[hbm4b:s21+s2] =	stream.linear.scatter [tilespmem:s20], [sflag:$0x1], $0x80, $0x38;
	[tilespmem:$0x9000] =	vst v63  }
0x96: {  	s22 =	sor.u32 $0x3C00, s14;
	s23 =	sadd.s32 $0x5B0, s13  }
0x97: {  	[hbm4b:s23+s2] =	stream.linear.scatter [tilespmem:s22], [sflag:$0x1], $0x80, $0x38;
	[tilespmem:$0x9000] =	vst v63  }
0x98: {  	s24 =	sadd.s32 $0x4000, s14;
	s25 =	sadd.s32 $0x630, s13  }
0x99: {  	[hbm4b:s25+s2] =	stream.linear.scatter [tilespmem:s24], [sflag:$0x1], $0x80, $0x38;
	[tilespmem:$0x9000] =	vst v63  }
0x9a: {  	s26 =	sadd.s32 $0x4400, s14;
	s28 =	sadd.s32 $0x6B0, s13  }
0x9b: {  	[hbm4b:s28+s2] =	stream.linear.scatter [tilespmem:s26], [sflag:$0x1], $0x80, $0x38;
	[tilespmem:$0x9000] =	vst v63  }
0x9c: {  	s29 =	sadd.s32 $0x4800, s14;
	s30 =	sadd.s32 $0x730, s13  }
0x9d: {  	[hbm4b:s30+s2] =	stream.linear.scatter [tilespmem:s29], [sflag:$0x1], $0x80, $0x38;
	[tilespmem:$0x9000] =	vst v63  }
0x9e: {  	s15 =	spop (v2sf);
	s14 =	sadd.s32 $0x4C00, s14;
	s31 =	sadd.s32 $0x7B0, s13  }
0x9f: {  	[hbm4b:s31+s2] =	stream.linear.scatter [tilespmem:s14], [sflag:$0x1], $0x80, $0x38;
	[tilespmem:$0x9000] =	vst v63  }
0xa0: {  	s16 =	sshll.u32 s15, $0xB;
	s14 =	sshll.u32 s15, $0x7  }
0xa1: {  	s15 =	sand.u32 $0xFFFFC000, s16;
	s14 =	sand.u32 $0x380, s14  }
0xa2: {  	s14 =	sor.u32 s14, s15  }
0xa3: {  	s17 =	sadd.s32 $0x40, s13;
	s18 =	sor.u32 $0x1000, s14  }
0xa4: {  	[hbm4b:s17+s2] =	stream.linear.scatter [tilespmem:s18], [sflag:$0x1], $0x80, $0x38;
	[tilespmem:$0x9000] =	vst v63  }
0xa5: {  	s20 =	sadd.s32 $0xC0, s13;
	s19 =	sor.u32 $0x1400, s14  }
0xa6: {  	[hbm4b:s20+s2] =	stream.linear.scatter [tilespmem:s19], [sflag:$0x1], $0x80, $0x38;
	[tilespmem:$0x9000] =	vst v63  }
0xa7: {  	s22 =	sadd.s32 $0x140, s13;
	s21 =	sor.u32 $0x1800, s14  }
0xa8: {  	[hbm4b:s22+s2] =	stream.linear.scatter [tilespmem:s21], [sflag:$0x1], $0x80, $0x38;
	[tilespmem:$0x9000] =	vst v63  }
0xa9: {  	s24 =	sadd.s32 $0x1C0, s13;
	s23 =	sor.u32 $0x1C00, s14  }
0xaa: {  	[hbm4b:s24+s2] =	stream.linear.scatter [tilespmem:s23], [sflag:$0x1], $0x80, $0x38;
	[tilespmem:$0x9000] =	vst v63  }
0xab: {  	s26 =	sadd.s32 $0x240, s13;
	s25 =	sor.u32 $0x2000, s14  }
0xac: {  	[hbm4b:s26+s2] =	stream.linear.scatter [tilespmem:s25], [sflag:$0x1], $0x80, $0x38;
	[tilespmem:$0x9000] =	vst v63  }
0xad: {  	s29 =	sadd.s32 $0x2C0, s13;
	s28 =	sor.u32 $0x2400, s14  }
0xae: {  	[hbm4b:s29+s2] =	stream.linear.scatter [tilespmem:s28], [sflag:$0x1], $0x80, $0x38;
	[tilespmem:$0x9000] =	vst v63  }
0xaf: {  	s31 =	sadd.s32 $0x340, s13;
	s30 =	sor.u32 $0x2800, s14  }
0xb0: {  	[hbm4b:s31+s2] =	stream.linear.scatter [tilespmem:s30], [sflag:$0x1], $0x80, $0x38;
	[tilespmem:$0x9000] =	vst v63  }
0xb1: {  	s17 =	sor.u32 $0x2C00, s14;
	s18 =	sadd.s32 $0x3C0, s13  }
0xb2: {  	(v2sf) =	vpush v0, $0x5;
	[hbm4b:s18+s2] =	stream.linear.scatter [tilespmem:s17], [sflag:$0x1], $0x80, $0x38;
	[tilespmem:$0x9000] =	vst v63  }
0xb3: {  	s19 =	sor.u32 $0x3000, s14;
	s20 =	sadd.s32 $0x440, s13  }
0xb4: {  	[hbm4b:s20+s2] =	stream.linear.scatter [tilespmem:s19], [sflag:$0x1], $0x80, $0x38;
	[tilespmem:$0x9000] =	vst v63  }
0xb5: {  	s21 =	sor.u32 $0x3400, s14;
	s22 =	sadd.s32 $0x4C0, s13  }
0xb6: {  	[hbm4b:s22+s2] =	stream.linear.scatter [tilespmem:s21], [sflag:$0x1], $0x80, $0x38;
	[tilespmem:$0x9000] =	vst v63  }
0xb7: {  	s23 =	sor.u32 $0x3800, s14;
	s24 =	sadd.s32 $0x540, s13  }
0xb8: {  	[hbm4b:s24+s2] =	stream.linear.scatter [tilespmem:s23], [sflag:$0x1], $0x80, $0x38;
	[tilespmem:$0x9000] =	vst v63  }
0xb9: {  	s25 =	sor.u32 $0x3C00, s14;
	s26 =	sadd.s32 $0x5C0, s13  }
0xba: {  	[hbm4b:s26+s2] =	stream.linear.scatter [tilespmem:s25], [sflag:$0x1], $0x80, $0x38;
	[tilespmem:$0x9000] =	vst v63  }
0xbb: {  	s28 =	sadd.s32 $0x4000, s14;
	s29 =	sadd.s32 $0x640, s13  }
0xbc: {  	[hbm4b:s29+s2] =	stream.linear.scatter [tilespmem:s28], [sflag:$0x1], $0x80, $0x38;
	[tilespmem:$0x9000] =	vst v63  }
0xbd: {  	s30 =	sadd.s32 $0x4400, s14;
	s31 =	sadd.s32 $0x6C0, s13  }
0xbe: {  	[hbm4b:s31+s2] =	stream.linear.scatter [tilespmem:s30], [sflag:$0x1], $0x80, $0x38;
	[tilespmem:$0x9000] =	vst v63  }
0xbf: {  	s16 =	sadd.s32 $0x4800, s14;
	s17 =	sadd.s32 $0x740, s13  }
0xc0: {  	[hbm4b:s17+s2] =	stream.linear.scatter [tilespmem:s16], [sflag:$0x1], $0x80, $0x38;
	[tilespmem:$0x9000] =	vst v63  }
0xc1: {  	s14 =	sadd.s32 $0x4C00, s14;
	s18 =	sadd.s32 $0x7C0, s13;
	s19 =	spop (v2sf)  }
0xc2: {  	[hbm4b:s18+s2] =	stream.linear.scatter [tilespmem:s14], [sflag:$0x1], $0x80, $0x38;
	[tilespmem:$0x9000] =	vst v63  }
0xc3: {  	s20 =	sshll.u32 s19, $0xB;
	s14 =	sshll.u32 s19, $0x7  }
0xc4: {  	s15 =	sand.u32 $0xFFFFC000, s20;
	s14 =	sand.u32 $0x380, s14  }
0xc5: {  	s14 =	sor.u32 s14, s15  }
0xc6: {  	s21 =	sadd.s32 $0x50, s13;
	s22 =	sor.u32 $0x1000, s14  }
0xc7: {  	[hbm4b:s21+s2] =	stream.linear.scatter [tilespmem:s22], [sflag:$0x1], $0x80, $0x38;
	[tilespmem:$0x9000] =	vst v63  }
0xc8: {  	s24 =	sadd.s32 $0xD0, s13;
	s23 =	sor.u32 $0x1400, s14  }
0xc9: {  	[hbm4b:s24+s2] =	stream.linear.scatter [tilespmem:s23], [sflag:$0x1], $0x80, $0x38;
	[tilespmem:$0x9000] =	vst v63  }
0xca: {  	s26 =	sadd.s32 $0x150, s13;
	s25 =	sor.u32 $0x1800, s14  }
0xcb: {  	[hbm4b:s26+s2] =	stream.linear.scatter [tilespmem:s25], [sflag:$0x1], $0x80, $0x38;
	[tilespmem:$0x9000] =	vst v63  }
0xcc: {  	s29 =	sadd.s32 $0x1D0, s13;
	s28 =	sor.u32 $0x1C00, s14  }
0xcd: {  	[hbm4b:s29+s2] =	stream.linear.scatter [tilespmem:s28], [sflag:$0x1], $0x80, $0x38;
	[tilespmem:$0x9000] =	vst v63  }
0xce: {  	s31 =	sadd.s32 $0x250, s13;
	s30 =	sor.u32 $0x2000, s14  }
0xcf: {  	[hbm4b:s31+s2] =	stream.linear.scatter [tilespmem:s30], [sflag:$0x1], $0x80, $0x38;
	[tilespmem:$0x9000] =	vst v63  }
0xd0: {  	s18 =	sadd.s32 $0x2D0, s13;
	s17 =	sor.u32 $0x2400, s14  }
0xd1: {  	[hbm4b:s18+s2] =	stream.linear.scatter [tilespmem:s17], [sflag:$0x1], $0x80, $0x38;
	[tilespmem:$0x9000] =	vst v63  }
0xd2: {  	s20 =	sadd.s32 $0x350, s13;
	s19 =	sor.u32 $0x2800, s14  }
0xd3: {  	[hbm4b:s20+s2] =	stream.linear.scatter [tilespmem:s19], [sflag:$0x1], $0x80, $0x38;
	[tilespmem:$0x9000] =	vst v63  }
0xd4: {  	s21 =	sor.u32 $0x2C00, s14;
	s22 =	sadd.s32 $0x3D0, s13  }
0xd5: {  	(v2sf) =	vpush v0, $0x6;
	[hbm4b:s22+s2] =	stream.linear.scatter [tilespmem:s21], [sflag:$0x1], $0x80, $0x38;
	[tilespmem:$0x9000] =	vst v63  }
0xd6: {  	s23 =	sor.u32 $0x3000, s14;
	s24 =	sadd.s32 $0x450, s13  }
0xd7: {  	[hbm4b:s24+s2] =	stream.linear.scatter [tilespmem:s23], [sflag:$0x1], $0x80, $0x38;
	[tilespmem:$0x9000] =	vst v63  }
0xd8: {  	s25 =	sor.u32 $0x3400, s14;
	s26 =	sadd.s32 $0x4D0, s13  }
0xd9: {  	[hbm4b:s26+s2] =	stream.linear.scatter [tilespmem:s25], [sflag:$0x1], $0x80, $0x38;
	[tilespmem:$0x9000] =	vst v63  }
0xda: {  	s28 =	sor.u32 $0x3800, s14;
	s29 =	sadd.s32 $0x550, s13  }
0xdb: {  	[hbm4b:s29+s2] =	stream.linear.scatter [tilespmem:s28], [sflag:$0x1], $0x80, $0x38;
	[tilespmem:$0x9000] =	vst v63  }
0xdc: {  	s30 =	sor.u32 $0x3C00, s14;
	s31 =	sadd.s32 $0x5D0, s13  }
0xdd: {  	[hbm4b:s31+s2] =	stream.linear.scatter [tilespmem:s30], [sflag:$0x1], $0x80, $0x38;
	[tilespmem:$0x9000] =	vst v63  }
0xde: {  	s16 =	sadd.s32 $0x4000, s14;
	s17 =	sadd.s32 $0x650, s13  }
0xdf: {  	[hbm4b:s17+s2] =	stream.linear.scatter [tilespmem:s16], [sflag:$0x1], $0x80, $0x38;
	[tilespmem:$0x9000] =	vst v63  }
0xe0: {  	s18 =	sadd.s32 $0x4400, s14;
	s19 =	sadd.s32 $0x6D0, s13  }
0xe1: {  	[hbm4b:s19+s2] =	stream.linear.scatter [tilespmem:s18], [sflag:$0x1], $0x80, $0x38;
	[tilespmem:$0x9000] =	vst v63  }
0xe2: {  	s20 =	sadd.s32 $0x4800, s14;
	s21 =	sadd.s32 $0x750, s13  }
0xe3: {  	[hbm4b:s21+s2] =	stream.linear.scatter [tilespmem:s20], [sflag:$0x1], $0x80, $0x38;
	[tilespmem:$0x9000] =	vst v63  }
0xe4: {  	s14 =	sadd.s32 $0x4C00, s14;
	s22 =	sadd.s32 $0x7D0, s13;
	s23 =	spop (v2sf)  }
0xe5: {  	[hbm4b:s22+s2] =	stream.linear.scatter [tilespmem:s14], [sflag:$0x1], $0x80, $0x38;
	[tilespmem:$0x9000] =	vst v63  }
0xe6: {  	s24 =	sshll.u32 s23, $0xB;
	s14 =	sshll.u32 s23, $0x7  }
0xe7: {  	s15 =	sand.u32 $0xFFFFC000, s24;
	s14 =	sand.u32 $0x380, s14  }
0xe8: {  	s14 =	sor.u32 s14, s15  }
0xe9: {  	s25 =	sadd.s32 $0x60, s13;
	s26 =	sor.u32 $0x1000, s14  }
0xea: {  	[hbm4b:s25+s2] =	stream.linear.scatter [tilespmem:s26], [sflag:$0x1], $0x80, $0x38;
	[tilespmem:$0x9000] =	vst v63  }
0xeb: {  	s29 =	sadd.s32 $0xE0, s13;
	s28 =	sor.u32 $0x1400, s14  }
0xec: {  	[hbm4b:s29+s2] =	stream.linear.scatter [tilespmem:s28], [sflag:$0x1], $0x80, $0x38;
	[tilespmem:$0x9000] =	vst v63  }
0xed: {  	s31 =	sadd.s32 $0x160, s13;
	s30 =	sor.u32 $0x1800, s14  }
0xee: {  	[hbm4b:s31+s2] =	stream.linear.scatter [tilespmem:s30], [sflag:$0x1], $0x80, $0x38;
	[tilespmem:$0x9000] =	vst v63  }
0xef: {  	s18 =	sadd.s32 $0x1E0, s13;
	s17 =	sor.u32 $0x1C00, s14  }
0xf0: {  	[hbm4b:s18+s2] =	stream.linear.scatter [tilespmem:s17], [sflag:$0x1], $0x80, $0x38;
	[tilespmem:$0x9000] =	vst v63  }
0xf1: {  	s20 =	sadd.s32 $0x260, s13;
	s19 =	sor.u32 $0x2000, s14  }
0xf2: {  	[hbm4b:s20+s2] =	stream.linear.scatter [tilespmem:s19], [sflag:$0x1], $0x80, $0x38;
	[tilespmem:$0x9000] =	vst v63  }
0xf3: {  	s22 =	sadd.s32 $0x2E0, s13;
	s21 =	sor.u32 $0x2400, s14  }
0xf4: {  	[hbm4b:s22+s2] =	stream.linear.scatter [tilespmem:s21], [sflag:$0x1], $0x80, $0x38;
	[tilespmem:$0x9000] =	vst v63  }
0xf5: {  	s24 =	sadd.s32 $0x360, s13;
	s23 =	sor.u32 $0x2800, s14  }
0xf6: {  	[hbm4b:s24+s2] =	stream.linear.scatter [tilespmem:s23], [sflag:$0x1], $0x80, $0x38;
	[tilespmem:$0x9000] =	vst v63  }
0xf7: {  	s25 =	sor.u32 $0x2C00, s14;
	s26 =	sadd.s32 $0x3E0, s13  }
0xf8: {  	(v2sf) =	vpush v0, $0x7;
	[hbm4b:s26+s2] =	stream.linear.scatter [tilespmem:s25], [sflag:$0x1], $0x80, $0x38;
	[tilespmem:$0x9000] =	vst v63  }
0xf9: {  	s28 =	sor.u32 $0x3000, s14;
	s29 =	sadd.s32 $0x460, s13  }
0xfa: {  	[hbm4b:s29+s2] =	stream.linear.scatter [tilespmem:s28], [sflag:$0x1], $0x80, $0x38;
	[tilespmem:$0x9000] =	vst v63  }
0xfb: {  	s30 =	sor.u32 $0x3400, s14;
	s31 =	sadd.s32 $0x4E0, s13  }
0xfc: {  	[hbm4b:s31+s2] =	stream.linear.scatter [tilespmem:s30], [sflag:$0x1], $0x80, $0x38;
	[tilespmem:$0x9000] =	vst v63  }
0xfd: {  	s16 =	sor.u32 $0x3800, s14;
	s17 =	sadd.s32 $0x560, s13  }
0xfe: {  	[hbm4b:s17+s2] =	stream.linear.scatter [tilespmem:s16], [sflag:$0x1], $0x80, $0x38;
	[tilespmem:$0x9000] =	vst v63  }
0xff: {  	s18 =	sor.u32 $0x3C00, s14;
	s19 =	sadd.s32 $0x5E0, s13  }
0x100: {  	[hbm4b:s19+s2] =	stream.linear.scatter [tilespmem:s18], [sflag:$0x1], $0x80, $0x38;
	[tilespmem:$0x9000] =	vst v63  }
0x101: {  	s20 =	sadd.s32 $0x4000, s14;
	s21 =	sadd.s32 $0x660, s13  }
0x102: {  	[hbm4b:s21+s2] =	stream.linear.scatter [tilespmem:s20], [sflag:$0x1], $0x80, $0x38;
	[tilespmem:$0x9000] =	vst v63  }
0x103: {  	s22 =	sadd.s32 $0x4400, s14;
	s23 =	sadd.s32 $0x6E0, s13  }
0x104: {  	[hbm4b:s23+s2] =	stream.linear.scatter [tilespmem:s22], [sflag:$0x1], $0x80, $0x38;
	[tilespmem:$0x9000] =	vst v63  }
0x105: {  	s24 =	sadd.s32 $0x4800, s14;
	s25 =	sadd.s32 $0x760, s13  }
0x106: {  	[hbm4b:s25+s2] =	stream.linear.scatter [tilespmem:s24], [sflag:$0x1], $0x80, $0x38;
	[tilespmem:$0x9000] =	vst v63  }
0x107: {  	s14 =	sadd.s32 $0x4C00, s14;
	s26 =	sadd.s32 $0x7E0, s13;
	s28 =	spop (v2sf)  }
0x108: {  	[hbm4b:s26+s2] =	stream.linear.scatter [tilespmem:s14], [sflag:$0x1], $0x80, $0x38;
	[tilespmem:$0x9000] =	vst v63  }
0x109: {  	s29 =	sshll.u32 s28, $0xB;
	s14 =	sshll.u32 s28, $0x7  }
0x10a: {  	s15 =	sand.u32 $0xFFFFC000, s29;
	s14 =	sand.u32 $0x380, s14  }
0x10b: {  	s14 =	sor.u32 s14, s15  }
0x10c: {  	s30 =	sadd.s32 $0x70, s13;
	s31 =	sor.u32 $0x1000, s14  }
0x10d: {  	[hbm4b:s30+s2] =	stream.linear.scatter [tilespmem:s31], [sflag:$0x1], $0x80, $0x38;
	[tilespmem:$0x9000] =	vst v63  }
0x10e: {  	s18 =	sadd.s32 $0xF0, s13;
	s17 =	sor.u32 $0x1400, s14  }
0x10f: {  	[hbm4b:s18+s2] =	stream.linear.scatter [tilespmem:s17], [sflag:$0x1], $0x80, $0x38;
	[tilespmem:$0x9000] =	vst v63  }
0x110: {  	s20 =	sadd.s32 $0x170, s13;
	s19 =	sor.u32 $0x1800, s14  }
0x111: {  	[hbm4b:s20+s2] =	stream.linear.scatter [tilespmem:s19], [sflag:$0x1], $0x80, $0x38;
	[tilespmem:$0x9000] =	vst v63  }
0x112: {  	s22 =	sadd.s32 $0x1F0, s13;
	s21 =	sor.u32 $0x1C00, s14  }
0x113: {  	[hbm4b:s22+s2] =	stream.linear.scatter [tilespmem:s21], [sflag:$0x1], $0x80, $0x38;
	[tilespmem:$0x9000] =	vst v63  }
0x114: {  	s24 =	sadd.s32 $0x270, s13;
	s23 =	sor.u32 $0x2000, s14  }
0x115: {  	[hbm4b:s24+s2] =	stream.linear.scatter [tilespmem:s23], [sflag:$0x1], $0x80, $0x38;
	[tilespmem:$0x9000] =	vst v63  }
0x116: {  	s26 =	sadd.s32 $0x2F0, s13;
	s25 =	sor.u32 $0x2400, s14  }
0x117: {  	[hbm4b:s26+s2] =	stream.linear.scatter [tilespmem:s25], [sflag:$0x1], $0x80, $0x38;
	[tilespmem:$0x9000] =	vst v63  }
0x118: {  	s29 =	sadd.s32 $0x370, s13;
	s28 =	sor.u32 $0x2800, s14  }
0x119: {  	[hbm4b:s29+s2] =	stream.linear.scatter [tilespmem:s28], [sflag:$0x1], $0x80, $0x38;
	[tilespmem:$0x9000] =	vst v63  }
0x11a: {  	s30 =	sor.u32 $0x2C00, s14;
	s31 =	sadd.s32 $0x3F0, s13  }
0x11b: {  	(v2sf) =	vpush v0, $0x8;
	[hbm4b:s31+s2] =	stream.linear.scatter [tilespmem:s30], [sflag:$0x1], $0x80, $0x38;
	[tilespmem:$0x9000] =	vst v63  }
0x11c: {  	s16 =	sor.u32 $0x3000, s14;
	s17 =	sadd.s32 $0x470, s13  }
0x11d: {  	[hbm4b:s17+s2] =	stream.linear.scatter [tilespmem:s16], [sflag:$0x1], $0x80, $0x38;
	[tilespmem:$0x9000] =	vst v63  }
0x11e: {  	s18 =	sor.u32 $0x3400, s14;
	s19 =	sadd.s32 $0x4F0, s13  }
0x11f: {  	[hbm4b:s19+s2] =	stream.linear.scatter [tilespmem:s18], [sflag:$0x1], $0x80, $0x38;
	[tilespmem:$0x9000] =	vst v63  }
0x120: {  	s20 =	sor.u32 $0x3800, s14;
	s21 =	sadd.s32 $0x570, s13  }
0x121: {  	[hbm4b:s21+s2] =	stream.linear.scatter [tilespmem:s20], [sflag:$0x1], $0x80, $0x38;
	[tilespmem:$0x9000] =	vst v63  }
0x122: {  	s22 =	sor.u32 $0x3C00, s14;
	s23 =	sadd.s32 $0x5F0, s13  }
0x123: {  	[hbm4b:s23+s2] =	stream.linear.scatter [tilespmem:s22], [sflag:$0x1], $0x80, $0x38;
	[tilespmem:$0x9000] =	vst v63  }
0x124: {  	s24 =	sadd.s32 $0x4000, s14;
	s25 =	sadd.s32 $0x670, s13  }
0x125: {  	[hbm4b:s25+s2] =	stream.linear.scatter [tilespmem:s24], [sflag:$0x1], $0x80, $0x38;
	[tilespmem:$0x9000] =	vst v63  }
0x126: {  	s26 =	sadd.s32 $0x4400, s14;
	s28 =	sadd.s32 $0x6F0, s13  }
0x127: {  	[hbm4b:s28+s2] =	stream.linear.scatter [tilespmem:s26], [sflag:$0x1], $0x80, $0x38;
	[tilespmem:$0x9000] =	vst v63  }
0x128: {  	s29 =	sadd.s32 $0x4800, s14;
	s30 =	sadd.s32 $0x770, s13  }
0x129: {  	[hbm4b:s30+s2] =	stream.linear.scatter [tilespmem:s29], [sflag:$0x1], $0x80, $0x38;
	[tilespmem:$0x9000] =	vst v63  }
0x12a: {  	s15 =	spop (v2sf);
	s14 =	sadd.s32 $0x4C00, s14;
	s31 =	sadd.s32 $0x7F0, s13  }
0x12b: {  	[hbm4b:s31+s2] =	stream.linear.scatter [tilespmem:s14], [sflag:$0x1], $0x80, $0x38;
	[tilespmem:$0x9000] =	vst v63  }
0x12c: {  	s16 =	sshll.u32 s15, $0xB;
	s14 =	sshll.u32 s15, $0x7  }
0x12d: {  	s15 =	sand.u32 $0xFFFFC000, s16;
	s14 =	sand.u32 $0x380, s14  }
0x12e: {  	s14 =	sor.u32 s14, s15  }
0x12f: {  	s17 =	sadd.s32 $0x800, s13;
	s18 =	sor.u32 $0x1000, s14  }
0x130: {  	[hbm4b:s17+s2] =	stream.linear.scatter [tilespmem:s18], [sflag:$0x1], $0x80, $0x38;
	[tilespmem:$0x9000] =	vst v63  }
0x131: {  	s20 =	sadd.s32 $0x880, s13;
	s19 =	sor.u32 $0x1400, s14  }
0x132: {  	[hbm4b:s20+s2] =	stream.linear.scatter [tilespmem:s19], [sflag:$0x1], $0x80, $0x38;
	[tilespmem:$0x9000] =	vst v63  }
0x133: {  	s22 =	sadd.s32 $0x900, s13;
	s21 =	sor.u32 $0x1800, s14  }
0x134: {  	[hbm4b:s22+s2] =	stream.linear.scatter [tilespmem:s21], [sflag:$0x1], $0x80, $0x38;
	[tilespmem:$0x9000] =	vst v63  }
0x135: {  	s24 =	sadd.s32 $0x980, s13;
	s23 =	sor.u32 $0x1C00, s14  }
0x136: {  	[hbm4b:s24+s2] =	stream.linear.scatter [tilespmem:s23], [sflag:$0x1], $0x80, $0x38;
	[tilespmem:$0x9000] =	vst v63  }
0x137: {  	s26 =	sadd.s32 $0xA00, s13;
	s25 =	sor.u32 $0x2000, s14  }
0x138: {  	[hbm4b:s26+s2] =	stream.linear.scatter [tilespmem:s25], [sflag:$0x1], $0x80, $0x38;
	[tilespmem:$0x9000] =	vst v63  }
0x139: {  	s29 =	sadd.s32 $0xA80, s13;
	s28 =	sor.u32 $0x2400, s14  }
0x13a: {  	[hbm4b:s29+s2] =	stream.linear.scatter [tilespmem:s28], [sflag:$0x1], $0x80, $0x38;
	[tilespmem:$0x9000] =	vst v63  }
0x13b: {  	s31 =	sadd.s32 $0xB00, s13;
	s30 =	sor.u32 $0x2800, s14  }
0x13c: {  	[hbm4b:s31+s2] =	stream.linear.scatter [tilespmem:s30], [sflag:$0x1], $0x80, $0x38;
	[tilespmem:$0x9000] =	vst v63  }
0x13d: {  	s17 =	sor.u32 $0x2C00, s14;
	s18 =	sadd.s32 $0xB80, s13  }
0x13e: {  	(v2sf) =	vpush v0, $0x9;
	[hbm4b:s18+s2] =	stream.linear.scatter [tilespmem:s17], [sflag:$0x1], $0x80, $0x38;
	[tilespmem:$0x9000] =	vst v63  }
0x13f: {  	s19 =	sor.u32 $0x3000, s14;
	s20 =	sadd.s32 $0xC00, s13  }
0x140: {  	[hbm4b:s20+s2] =	stream.linear.scatter [tilespmem:s19], [sflag:$0x1], $0x80, $0x38;
	[tilespmem:$0x9000] =	vst v63  }
0x141: {  	s21 =	sor.u32 $0x3400, s14;
	s22 =	sadd.s32 $0xC80, s13  }
0x142: {  	[hbm4b:s22+s2] =	stream.linear.scatter [tilespmem:s21], [sflag:$0x1], $0x80, $0x38;
	[tilespmem:$0x9000] =	vst v63  }
0x143: {  	s23 =	sor.u32 $0x3800, s14;
	s24 =	sadd.s32 $0xD00, s13  }
0x144: {  	[hbm4b:s24+s2] =	stream.linear.scatter [tilespmem:s23], [sflag:$0x1], $0x80, $0x38;
	[tilespmem:$0x9000] =	vst v63  }
0x145: {  	s25 =	sor.u32 $0x3C00, s14;
	s26 =	sadd.s32 $0xD80, s13  }
0x146: {  	[hbm4b:s26+s2] =	stream.linear.scatter [tilespmem:s25], [sflag:$0x1], $0x80, $0x38;
	[tilespmem:$0x9000] =	vst v63  }
0x147: {  	s28 =	sadd.s32 $0x4000, s14;
	s29 =	sadd.s32 $0xE00, s13  }
0x148: {  	[hbm4b:s29+s2] =	stream.linear.scatter [tilespmem:s28], [sflag:$0x1], $0x80, $0x38;
	[tilespmem:$0x9000] =	vst v63  }
0x149: {  	s30 =	sadd.s32 $0x4400, s14;
	s31 =	sadd.s32 $0xE80, s13  }
0x14a: {  	[hbm4b:s31+s2] =	stream.linear.scatter [tilespmem:s30], [sflag:$0x1], $0x80, $0x38;
	[tilespmem:$0x9000] =	vst v63  }
0x14b: {  	s16 =	sadd.s32 $0x4800, s14;
	s17 =	sadd.s32 $0xF00, s13  }
0x14c: {  	[hbm4b:s17+s2] =	stream.linear.scatter [tilespmem:s16], [sflag:$0x1], $0x80, $0x38;
	[tilespmem:$0x9000] =	vst v63  }
0x14d: {  	s14 =	sadd.s32 $0x4C00, s14;
	s18 =	sadd.s32 $0xF80, s13;
	s19 =	spop (v2sf)  }
0x14e: {  	[hbm4b:s18+s2] =	stream.linear.scatter [tilespmem:s14], [sflag:$0x1], $0x80, $0x38;
	[tilespmem:$0x9000] =	vst v63  }
0x14f: {  	s20 =	sshll.u32 s19, $0xB;
	s14 =	sshll.u32 s19, $0x7  }
0x150: {  	s15 =	sand.u32 $0xFFFFC000, s20;
	s14 =	sand.u32 $0x380, s14  }
0x151: {  	s14 =	sor.u32 s14, s15  }
0x152: {  	s21 =	sadd.s32 $0x810, s13;
	s22 =	sor.u32 $0x1000, s14  }
0x153: {  	[hbm4b:s21+s2] =	stream.linear.scatter [tilespmem:s22], [sflag:$0x1], $0x80, $0x38;
	[tilespmem:$0x9000] =	vst v63  }
0x154: {  	s24 =	sadd.s32 $0x890, s13;
	s23 =	sor.u32 $0x1400, s14  }
0x155: {  	[hbm4b:s24+s2] =	stream.linear.scatter [tilespmem:s23], [sflag:$0x1], $0x80, $0x38;
	[tilespmem:$0x9000] =	vst v63  }
0x156: {  	s26 =	sadd.s32 $0x910, s13;
	s25 =	sor.u32 $0x1800, s14  }
0x157: {  	[hbm4b:s26+s2] =	stream.linear.scatter [tilespmem:s25], [sflag:$0x1], $0x80, $0x38;
	[tilespmem:$0x9000] =	vst v63  }
0x158: {  	s29 =	sadd.s32 $0x990, s13;
	s28 =	sor.u32 $0x1C00, s14  }
0x159: {  	[hbm4b:s29+s2] =	stream.linear.scatter [tilespmem:s28], [sflag:$0x1], $0x80, $0x38;
	[tilespmem:$0x9000] =	vst v63  }
0x15a: {  	s31 =	sadd.s32 $0xA10, s13;
	s30 =	sor.u32 $0x2000, s14  }
0x15b: {  	[hbm4b:s31+s2] =	stream.linear.scatter [tilespmem:s30], [sflag:$0x1], $0x80, $0x38;
	[tilespmem:$0x9000] =	vst v63  }
0x15c: {  	s18 =	sadd.s32 $0xA90, s13;
	s17 =	sor.u32 $0x2400, s14  }
0x15d: {  	[hbm4b:s18+s2] =	stream.linear.scatter [tilespmem:s17], [sflag:$0x1], $0x80, $0x38;
	[tilespmem:$0x9000] =	vst v63  }
0x15e: {  	s20 =	sadd.s32 $0xB10, s13;
	s19 =	sor.u32 $0x2800, s14  }
0x15f: {  	[hbm4b:s20+s2] =	stream.linear.scatter [tilespmem:s19], [sflag:$0x1], $0x80, $0x38;
	[tilespmem:$0x9000] =	vst v63  }
0x160: {  	s21 =	sor.u32 $0x2C00, s14;
	s22 =	sadd.s32 $0xB90, s13  }
0x161: {  	(v2sf) =	vpush v0, $0xA;
	[hbm4b:s22+s2] =	stream.linear.scatter [tilespmem:s21], [sflag:$0x1], $0x80, $0x38;
	[tilespmem:$0x9000] =	vst v63  }
0x162: {  	s23 =	sor.u32 $0x3000, s14;
	s24 =	sadd.s32 $0xC10, s13  }
0x163: {  	[hbm4b:s24+s2] =	stream.linear.scatter [tilespmem:s23], [sflag:$0x1], $0x80, $0x38;
	[tilespmem:$0x9000] =	vst v63  }
0x164: {  	s25 =	sor.u32 $0x3400, s14;
	s26 =	sadd.s32 $0xC90, s13  }
0x165: {  	[hbm4b:s26+s2] =	stream.linear.scatter [tilespmem:s25], [sflag:$0x1], $0x80, $0x38;
	[tilespmem:$0x9000] =	vst v63  }
0x166: {  	s28 =	sor.u32 $0x3800, s14;
	s29 =	sadd.s32 $0xD10, s13  }
0x167: {  	[hbm4b:s29+s2] =	stream.linear.scatter [tilespmem:s28], [sflag:$0x1], $0x80, $0x38;
	[tilespmem:$0x9000] =	vst v63  }
0x168: {  	s30 =	sor.u32 $0x3C00, s14;
	s31 =	sadd.s32 $0xD90, s13  }
0x169: {  	[hbm4b:s31+s2] =	stream.linear.scatter [tilespmem:s30], [sflag:$0x1], $0x80, $0x38;
	[tilespmem:$0x9000] =	vst v63  }
0x16a: {  	s16 =	sadd.s32 $0x4000, s14;
	s17 =	sadd.s32 $0xE10, s13  }
0x16b: {  	[hbm4b:s17+s2] =	stream.linear.scatter [tilespmem:s16], [sflag:$0x1], $0x80, $0x38;
	[tilespmem:$0x9000] =	vst v63  }
0x16c: {  	s18 =	sadd.s32 $0x4400, s14;
	s19 =	sadd.s32 $0xE90, s13  }
0x16d: {  	[hbm4b:s19+s2] =	stream.linear.scatter [tilespmem:s18], [sflag:$0x1], $0x80, $0x38;
	[tilespmem:$0x9000] =	vst v63  }
0x16e: {  	s20 =	sadd.s32 $0x4800, s14;
	s21 =	sadd.s32 $0xF10, s13  }
0x16f: {  	[hbm4b:s21+s2] =	stream.linear.scatter [tilespmem:s20], [sflag:$0x1], $0x80, $0x38;
	[tilespmem:$0x9000] =	vst v63  }
0x170: {  	s14 =	sadd.s32 $0x4C00, s14;
	s22 =	sadd.s32 $0xF90, s13;
	s23 =	spop (v2sf)  }
0x171: {  	[hbm4b:s22+s2] =	stream.linear.scatter [tilespmem:s14], [sflag:$0x1], $0x80, $0x38;
	[tilespmem:$0x9000] =	vst v63  }
0x172: {  	s24 =	sshll.u32 s23, $0xB;
	s14 =	sshll.u32 s23, $0x7  }
0x173: {  	s15 =	sand.u32 $0xFFFFC000, s24;
	s14 =	sand.u32 $0x380, s14  }
0x174: {  	s14 =	sor.u32 s14, s15  }
0x175: {  	s25 =	sadd.s32 $0x820, s13;
	s26 =	sor.u32 $0x1000, s14  }
0x176: {  	[hbm4b:s25+s2] =	stream.linear.scatter [tilespmem:s26], [sflag:$0x1], $0x80, $0x38;
	[tilespmem:$0x9000] =	vst v63  }
0x177: {  	s29 =	sadd.s32 $0x8A0, s13;
	s28 =	sor.u32 $0x1400, s14  }
0x178: {  	[hbm4b:s29+s2] =	stream.linear.scatter [tilespmem:s28], [sflag:$0x1], $0x80, $0x38;
	[tilespmem:$0x9000] =	vst v63  }
0x179: {  	s31 =	sadd.s32 $0x920, s13;
	s30 =	sor.u32 $0x1800, s14  }
0x17a: {  	[hbm4b:s31+s2] =	stream.linear.scatter [tilespmem:s30], [sflag:$0x1], $0x80, $0x38;
	[tilespmem:$0x9000] =	vst v63  }
0x17b: {  	s18 =	sadd.s32 $0x9A0, s13;
	s17 =	sor.u32 $0x1C00, s14  }
0x17c: {  	[hbm4b:s18+s2] =	stream.linear.scatter [tilespmem:s17], [sflag:$0x1], $0x80, $0x38;
	[tilespmem:$0x9000] =	vst v63  }
0x17d: {  	s20 =	sadd.s32 $0xA20, s13;
	s19 =	sor.u32 $0x2000, s14  }
0x17e: {  	[hbm4b:s20+s2] =	stream.linear.scatter [tilespmem:s19], [sflag:$0x1], $0x80, $0x38;
	[tilespmem:$0x9000] =	vst v63  }
0x17f: {  	s22 =	sadd.s32 $0xAA0, s13;
	s21 =	sor.u32 $0x2400, s14  }
0x180: {  	[hbm4b:s22+s2] =	stream.linear.scatter [tilespmem:s21], [sflag:$0x1], $0x80, $0x38;
	[tilespmem:$0x9000] =	vst v63  }
0x181: {  	s24 =	sadd.s32 $0xB20, s13;
	s23 =	sor.u32 $0x2800, s14  }
0x182: {  	[hbm4b:s24+s2] =	stream.linear.scatter [tilespmem:s23], [sflag:$0x1], $0x80, $0x38;
	[tilespmem:$0x9000] =	vst v63  }
0x183: {  	s25 =	sor.u32 $0x2C00, s14;
	s26 =	sadd.s32 $0xBA0, s13  }
0x184: {  	(v2sf) =	vpush v0, $0xB;
	[hbm4b:s26+s2] =	stream.linear.scatter [tilespmem:s25], [sflag:$0x1], $0x80, $0x38;
	[tilespmem:$0x9000] =	vst v63  }
0x185: {  	s28 =	sor.u32 $0x3000, s14;
	s29 =	sadd.s32 $0xC20, s13  }
0x186: {  	[hbm4b:s29+s2] =	stream.linear.scatter [tilespmem:s28], [sflag:$0x1], $0x80, $0x38;
	[tilespmem:$0x9000] =	vst v63  }
0x187: {  	s30 =	sor.u32 $0x3400, s14;
	s31 =	sadd.s32 $0xCA0, s13  }
0x188: {  	[hbm4b:s31+s2] =	stream.linear.scatter [tilespmem:s30], [sflag:$0x1], $0x80, $0x38;
	[tilespmem:$0x9000] =	vst v63  }
0x189: {  	s16 =	sor.u32 $0x3800, s14;
	s17 =	sadd.s32 $0xD20, s13  }
0x18a: {  	[hbm4b:s17+s2] =	stream.linear.scatter [tilespmem:s16], [sflag:$0x1], $0x80, $0x38;
	[tilespmem:$0x9000] =	vst v63  }
0x18b: {  	s18 =	sor.u32 $0x3C00, s14;
	s19 =	sadd.s32 $0xDA0, s13  }
0x18c: {  	[hbm4b:s19+s2] =	stream.linear.scatter [tilespmem:s18], [sflag:$0x1], $0x80, $0x38;
	[tilespmem:$0x9000] =	vst v63  }
0x18d: {  	s20 =	sadd.s32 $0x4000, s14;
	s21 =	sadd.s32 $0xE20, s13  }
0x18e: {  	[hbm4b:s21+s2] =	stream.linear.scatter [tilespmem:s20], [sflag:$0x1], $0x80, $0x38;
	[tilespmem:$0x9000] =	vst v63  }
0x18f: {  	s22 =	sadd.s32 $0x4400, s14;
	s23 =	sadd.s32 $0xEA0, s13  }
0x190: {  	[hbm4b:s23+s2] =	stream.linear.scatter [tilespmem:s22], [sflag:$0x1], $0x80, $0x38;
	[tilespmem:$0x9000] =	vst v63  }
0x191: {  	s24 =	sadd.s32 $0x4800, s14;
	s25 =	sadd.s32 $0xF20, s13  }
0x192: {  	[hbm4b:s25+s2] =	stream.linear.scatter [tilespmem:s24], [sflag:$0x1], $0x80, $0x38;
	[tilespmem:$0x9000] =	vst v63  }
0x193: {  	s14 =	sadd.s32 $0x4C00, s14;
	s26 =	sadd.s32 $0xFA0, s13;
	s28 =	spop (v2sf)  }
0x194: {  	[hbm4b:s26+s2] =	stream.linear.scatter [tilespmem:s14], [sflag:$0x1], $0x80, $0x38;
	[tilespmem:$0x9000] =	vst v63  }
0x195: {  	s29 =	sshll.u32 s28, $0xB;
	s14 =	sshll.u32 s28, $0x7  }
0x196: {  	s15 =	sand.u32 $0xFFFFC000, s29;
	s14 =	sand.u32 $0x380, s14  }
0x197: {  	s14 =	sor.u32 s14, s15  }
0x198: {  	s30 =	sadd.s32 $0x830, s13;
	s31 =	sor.u32 $0x1000, s14  }
0x199: {  	[hbm4b:s30+s2] =	stream.linear.scatter [tilespmem:s31], [sflag:$0x1], $0x80, $0x38;
	[tilespmem:$0x9000] =	vst v63  }
0x19a: {  	s18 =	sadd.s32 $0x8B0, s13;
	s17 =	sor.u32 $0x1400, s14  }
0x19b: {  	[hbm4b:s18+s2] =	stream.linear.scatter [tilespmem:s17], [sflag:$0x1], $0x80, $0x38;
	[tilespmem:$0x9000] =	vst v63  }
0x19c: {  	s20 =	sadd.s32 $0x930, s13;
	s19 =	sor.u32 $0x1800, s14  }
0x19d: {  	[hbm4b:s20+s2] =	stream.linear.scatter [tilespmem:s19], [sflag:$0x1], $0x80, $0x38;
	[tilespmem:$0x9000] =	vst v63  }
0x19e: {  	s22 =	sadd.s32 $0x9B0, s13;
	s21 =	sor.u32 $0x1C00, s14  }
0x19f: {  	[hbm4b:s22+s2] =	stream.linear.scatter [tilespmem:s21], [sflag:$0x1], $0x80, $0x38;
	[tilespmem:$0x9000] =	vst v63  }
0x1a0: {  	s24 =	sadd.s32 $0xA30, s13;
	s23 =	sor.u32 $0x2000, s14  }
0x1a1: {  	[hbm4b:s24+s2] =	stream.linear.scatter [tilespmem:s23], [sflag:$0x1], $0x80, $0x38;
	[tilespmem:$0x9000] =	vst v63  }
0x1a2: {  	s26 =	sadd.s32 $0xAB0, s13;
	s25 =	sor.u32 $0x2400, s14  }
0x1a3: {  	[hbm4b:s26+s2] =	stream.linear.scatter [tilespmem:s25], [sflag:$0x1], $0x80, $0x38;
	[tilespmem:$0x9000] =	vst v63  }
0x1a4: {  	s29 =	sadd.s32 $0xB30, s13;
	s28 =	sor.u32 $0x2800, s14  }
0x1a5: {  	[hbm4b:s29+s2] =	stream.linear.scatter [tilespmem:s28], [sflag:$0x1], $0x80, $0x38;
	[tilespmem:$0x9000] =	vst v63  }
0x1a6: {  	s30 =	sor.u32 $0x2C00, s14;
	s31 =	sadd.s32 $0xBB0, s13  }
0x1a7: {  	(v2sf) =	vpush v0, $0xC;
	[hbm4b:s31+s2] =	stream.linear.scatter [tilespmem:s30], [sflag:$0x1], $0x80, $0x38;
	[tilespmem:$0x9000] =	vst v63  }
0x1a8: {  	s16 =	sor.u32 $0x3000, s14;
	s17 =	sadd.s32 $0xC30, s13  }
0x1a9: {  	[hbm4b:s17+s2] =	stream.linear.scatter [tilespmem:s16], [sflag:$0x1], $0x80, $0x38;
	[tilespmem:$0x9000] =	vst v63  }
0x1aa: {  	s18 =	sor.u32 $0x3400, s14;
	s19 =	sadd.s32 $0xCB0, s13  }
0x1ab: {  	[hbm4b:s19+s2] =	stream.linear.scatter [tilespmem:s18], [sflag:$0x1], $0x80, $0x38;
	[tilespmem:$0x9000] =	vst v63  }
0x1ac: {  	s20 =	sor.u32 $0x3800, s14;
	s21 =	sadd.s32 $0xD30, s13  }
0x1ad: {  	[hbm4b:s21+s2] =	stream.linear.scatter [tilespmem:s20], [sflag:$0x1], $0x80, $0x38;
	[tilespmem:$0x9000] =	vst v63  }
0x1ae: {  	s22 =	sor.u32 $0x3C00, s14;
	s23 =	sadd.s32 $0xDB0, s13  }
0x1af: {  	[hbm4b:s23+s2] =	stream.linear.scatter [tilespmem:s22], [sflag:$0x1], $0x80, $0x38;
	[tilespmem:$0x9000] =	vst v63  }
0x1b0: {  	s24 =	sadd.s32 $0x4000, s14;
	s25 =	sadd.s32 $0xE30, s13  }
0x1b1: {  	[hbm4b:s25+s2] =	stream.linear.scatter [tilespmem:s24], [sflag:$0x1], $0x80, $0x38;
	[tilespmem:$0x9000] =	vst v63  }
0x1b2: {  	s26 =	sadd.s32 $0x4400, s14;
	s28 =	sadd.s32 $0xEB0, s13  }
0x1b3: {  	[hbm4b:s28+s2] =	stream.linear.scatter [tilespmem:s26], [sflag:$0x1], $0x80, $0x38;
	[tilespmem:$0x9000] =	vst v63  }
0x1b4: {  	s29 =	sadd.s32 $0x4800, s14;
	s30 =	sadd.s32 $0xF30, s13  }
0x1b5: {  	[hbm4b:s30+s2] =	stream.linear.scatter [tilespmem:s29], [sflag:$0x1], $0x80, $0x38;
	[tilespmem:$0x9000] =	vst v63  }
0x1b6: {  	s15 =	spop (v2sf);
	s14 =	sadd.s32 $0x4C00, s14;
	s31 =	sadd.s32 $0xFB0, s13  }
0x1b7: {  	[hbm4b:s31+s2] =	stream.linear.scatter [tilespmem:s14], [sflag:$0x1], $0x80, $0x38;
	[tilespmem:$0x9000] =	vst v63  }
0x1b8: {  	s16 =	sshll.u32 s15, $0xB;
	s14 =	sshll.u32 s15, $0x7  }
0x1b9: {  	s15 =	sand.u32 $0xFFFFC000, s16;
	s14 =	sand.u32 $0x380, s14  }
0x1ba: {  	s14 =	sor.u32 s14, s15  }
0x1bb: {  	s17 =	sadd.s32 $0x840, s13;
	s18 =	sor.u32 $0x1000, s14  }
0x1bc: {  	[hbm4b:s17+s2] =	stream.linear.scatter [tilespmem:s18], [sflag:$0x1], $0x80, $0x38;
	[tilespmem:$0x9000] =	vst v63  }
0x1bd: {  	s20 =	sadd.s32 $0x8C0, s13;
	s19 =	sor.u32 $0x1400, s14  }
0x1be: {  	[hbm4b:s20+s2] =	stream.linear.scatter [tilespmem:s19], [sflag:$0x1], $0x80, $0x38;
	[tilespmem:$0x9000] =	vst v63  }
0x1bf: {  	s22 =	sadd.s32 $0x940, s13;
	s21 =	sor.u32 $0x1800, s14  }
0x1c0: {  	[hbm4b:s22+s2] =	stream.linear.scatter [tilespmem:s21], [sflag:$0x1], $0x80, $0x38;
	[tilespmem:$0x9000] =	vst v63  }
0x1c1: {  	s24 =	sadd.s32 $0x9C0, s13;
	s23 =	sor.u32 $0x1C00, s14  }
0x1c2: {  	[hbm4b:s24+s2] =	stream.linear.scatter [tilespmem:s23], [sflag:$0x1], $0x80, $0x38;
	[tilespmem:$0x9000] =	vst v63  }
0x1c3: {  	s26 =	sadd.s32 $0xA40, s13;
	s25 =	sor.u32 $0x2000, s14  }
0x1c4: {  	[hbm4b:s26+s2] =	stream.linear.scatter [tilespmem:s25], [sflag:$0x1], $0x80, $0x38;
	[tilespmem:$0x9000] =	vst v63  }
0x1c5: {  	s29 =	sadd.s32 $0xAC0, s13;
	s28 =	sor.u32 $0x2400, s14  }
0x1c6: {  	[hbm4b:s29+s2] =	stream.linear.scatter [tilespmem:s28], [sflag:$0x1], $0x80, $0x38;
	[tilespmem:$0x9000] =	vst v63  }
0x1c7: {  	s31 =	sadd.s32 $0xB40, s13;
	s30 =	sor.u32 $0x2800, s14  }
0x1c8: {  	[hbm4b:s31+s2] =	stream.linear.scatter [tilespmem:s30], [sflag:$0x1], $0x80, $0x38;
	[tilespmem:$0x9000] =	vst v63  }
0x1c9: {  	s17 =	sor.u32 $0x2C00, s14;
	s18 =	sadd.s32 $0xBC0, s13  }
0x1ca: {  	(v2sf) =	vpush v0, $0xD;
	[hbm4b:s18+s2] =	stream.linear.scatter [tilespmem:s17], [sflag:$0x1], $0x80, $0x38;
	[tilespmem:$0x9000] =	vst v63  }
0x1cb: {  	s19 =	sor.u32 $0x3000, s14;
	s20 =	sadd.s32 $0xC40, s13  }
0x1cc: {  	[hbm4b:s20+s2] =	stream.linear.scatter [tilespmem:s19], [sflag:$0x1], $0x80, $0x38;
	[tilespmem:$0x9000] =	vst v63  }
0x1cd: {  	s21 =	sor.u32 $0x3400, s14;
	s22 =	sadd.s32 $0xCC0, s13  }
0x1ce: {  	[hbm4b:s22+s2] =	stream.linear.scatter [tilespmem:s21], [sflag:$0x1], $0x80, $0x38;
	[tilespmem:$0x9000] =	vst v63  }
0x1cf: {  	s23 =	sor.u32 $0x3800, s14;
	s24 =	sadd.s32 $0xD40, s13  }
0x1d0: {  	[hbm4b:s24+s2] =	stream.linear.scatter [tilespmem:s23], [sflag:$0x1], $0x80, $0x38;
	[tilespmem:$0x9000] =	vst v63  }
0x1d1: {  	s25 =	sor.u32 $0x3C00, s14;
	s26 =	sadd.s32 $0xDC0, s13  }
0x1d2: {  	[hbm4b:s26+s2] =	stream.linear.scatter [tilespmem:s25], [sflag:$0x1], $0x80, $0x38;
	[tilespmem:$0x9000] =	vst v63  }
0x1d3: {  	s28 =	sadd.s32 $0x4000, s14;
	s29 =	sadd.s32 $0xE40, s13  }
0x1d4: {  	[hbm4b:s29+s2] =	stream.linear.scatter [tilespmem:s28], [sflag:$0x1], $0x80, $0x38;
	[tilespmem:$0x9000] =	vst v63  }
0x1d5: {  	s30 =	sadd.s32 $0x4400, s14;
	s31 =	sadd.s32 $0xEC0, s13  }
0x1d6: {  	[hbm4b:s31+s2] =	stream.linear.scatter [tilespmem:s30], [sflag:$0x1], $0x80, $0x38;
	[tilespmem:$0x9000] =	vst v63  }
0x1d7: {  	s16 =	sadd.s32 $0x4800, s14;
	s17 =	sadd.s32 $0xF40, s13  }
0x1d8: {  	[hbm4b:s17+s2] =	stream.linear.scatter [tilespmem:s16], [sflag:$0x1], $0x80, $0x38;
	[tilespmem:$0x9000] =	vst v63  }
0x1d9: {  	s14 =	sadd.s32 $0x4C00, s14;
	s18 =	sadd.s32 $0xFC0, s13;
	s19 =	spop (v2sf)  }
0x1da: {  	[hbm4b:s18+s2] =	stream.linear.scatter [tilespmem:s14], [sflag:$0x1], $0x80, $0x38;
	[tilespmem:$0x9000] =	vst v63  }
0x1db: {  	s20 =	sshll.u32 s19, $0xB;
	s14 =	sshll.u32 s19, $0x7  }
0x1dc: {  	s15 =	sand.u32 $0xFFFFC000, s20;
	s14 =	sand.u32 $0x380, s14  }
0x1dd: {  	s14 =	sor.u32 s14, s15  }
0x1de: {  	s21 =	sadd.s32 $0x850, s13;
	s22 =	sor.u32 $0x1000, s14  }
0x1df: {  	[hbm4b:s21+s2] =	stream.linear.scatter [tilespmem:s22], [sflag:$0x1], $0x80, $0x38;
	[tilespmem:$0x9000] =	vst v63  }
0x1e0: {  	s24 =	sadd.s32 $0x8D0, s13;
	s23 =	sor.u32 $0x1400, s14  }
0x1e1: {  	[hbm4b:s24+s2] =	stream.linear.scatter [tilespmem:s23], [sflag:$0x1], $0x80, $0x38;
	[tilespmem:$0x9000] =	vst v63  }
0x1e2: {  	s26 =	sadd.s32 $0x950, s13;
	s25 =	sor.u32 $0x1800, s14  }
0x1e3: {  	[hbm4b:s26+s2] =	stream.linear.scatter [tilespmem:s25], [sflag:$0x1], $0x80, $0x38;
	[tilespmem:$0x9000] =	vst v63  }
0x1e4: {  	s29 =	sadd.s32 $0x9D0, s13;
	s28 =	sor.u32 $0x1C00, s14  }
0x1e5: {  	[hbm4b:s29+s2] =	stream.linear.scatter [tilespmem:s28], [sflag:$0x1], $0x80, $0x38;
	[tilespmem:$0x9000] =	vst v63  }
0x1e6: {  	s31 =	sadd.s32 $0xA50, s13;
	s30 =	sor.u32 $0x2000, s14  }
0x1e7: {  	[hbm4b:s31+s2] =	stream.linear.scatter [tilespmem:s30], [sflag:$0x1], $0x80, $0x38;
	[tilespmem:$0x9000] =	vst v63  }
0x1e8: {  	s18 =	sadd.s32 $0xAD0, s13;
	s17 =	sor.u32 $0x2400, s14  }
0x1e9: {  	[hbm4b:s18+s2] =	stream.linear.scatter [tilespmem:s17], [sflag:$0x1], $0x80, $0x38;
	[tilespmem:$0x9000] =	vst v63  }
0x1ea: {  	s20 =	sadd.s32 $0xB50, s13;
	s19 =	sor.u32 $0x2800, s14  }
0x1eb: {  	[hbm4b:s20+s2] =	stream.linear.scatter [tilespmem:s19], [sflag:$0x1], $0x80, $0x38;
	[tilespmem:$0x9000] =	vst v63  }
0x1ec: {  	s21 =	sor.u32 $0x2C00, s14;
	s22 =	sadd.s32 $0xBD0, s13  }
0x1ed: {  	(v2sf) =	vpush v0, $0xE;
	[hbm4b:s22+s2] =	stream.linear.scatter [tilespmem:s21], [sflag:$0x1], $0x80, $0x38;
	[tilespmem:$0x9000] =	vst v63  }
0x1ee: {  	s23 =	sor.u32 $0x3000, s14;
	s24 =	sadd.s32 $0xC50, s13  }
0x1ef: {  	[hbm4b:s24+s2] =	stream.linear.scatter [tilespmem:s23], [sflag:$0x1], $0x80, $0x38;
	[tilespmem:$0x9000] =	vst v63  }
0x1f0: {  	s25 =	sor.u32 $0x3400, s14;
	s26 =	sadd.s32 $0xCD0, s13  }
0x1f1: {  	[hbm4b:s26+s2] =	stream.linear.scatter [tilespmem:s25], [sflag:$0x1], $0x80, $0x38;
	[tilespmem:$0x9000] =	vst v63  }
0x1f2: {  	s28 =	sor.u32 $0x3800, s14;
	s29 =	sadd.s32 $0xD50, s13  }
0x1f3: {  	[hbm4b:s29+s2] =	stream.linear.scatter [tilespmem:s28], [sflag:$0x1], $0x80, $0x38;
	[tilespmem:$0x9000] =	vst v63  }
0x1f4: {  	s30 =	sor.u32 $0x3C00, s14;
	s31 =	sadd.s32 $0xDD0, s13  }
0x1f5: {  	[hbm4b:s31+s2] =	stream.linear.scatter [tilespmem:s30], [sflag:$0x1], $0x80, $0x38;
	[tilespmem:$0x9000] =	vst v63  }
0x1f6: {  	s16 =	sadd.s32 $0x4000, s14;
	s17 =	sadd.s32 $0xE50, s13  }
0x1f7: {  	[hbm4b:s17+s2] =	stream.linear.scatter [tilespmem:s16], [sflag:$0x1], $0x80, $0x38;
	[tilespmem:$0x9000] =	vst v63  }
0x1f8: {  	s18 =	sadd.s32 $0x4400, s14;
	s19 =	sadd.s32 $0xED0, s13  }
0x1f9: {  	[hbm4b:s19+s2] =	stream.linear.scatter [tilespmem:s18], [sflag:$0x1], $0x80, $0x38;
	[tilespmem:$0x9000] =	vst v63  }
0x1fa: {  	s20 =	sadd.s32 $0x4800, s14;
	s21 =	sadd.s32 $0xF50, s13  }
0x1fb: {  	[hbm4b:s21+s2] =	stream.linear.scatter [tilespmem:s20], [sflag:$0x1], $0x80, $0x38;
	[tilespmem:$0x9000] =	vst v63  }
0x1fc: {  	s14 =	sadd.s32 $0x4C00, s14;
	s22 =	sadd.s32 $0xFD0, s13;
	s23 =	spop (v2sf)  }
0x1fd: {  	[hbm4b:s22+s2] =	stream.linear.scatter [tilespmem:s14], [sflag:$0x1], $0x80, $0x38;
	[tilespmem:$0x9000] =	vst v63  }
0x1fe: {  	s24 =	sshll.u32 s23, $0xB;
	s14 =	sshll.u32 s23, $0x7  }
0x1ff: {  	s15 =	sand.u32 $0xFFFFC000, s24;
	s14 =	sand.u32 $0x380, s14  }
0x200: {  	s14 =	sor.u32 s14, s15  }
0x201: {  	s25 =	sadd.s32 $0x860, s13;
	s26 =	sor.u32 $0x1000, s14  }
0x202: {  	[hbm4b:s25+s2] =	stream.linear.scatter [tilespmem:s26], [sflag:$0x1], $0x80, $0x38;
	[tilespmem:$0x9000] =	vst v63  }
0x203: {  	s29 =	sadd.s32 $0x8E0, s13;
	s28 =	sor.u32 $0x1400, s14  }
0x204: {  	[hbm4b:s29+s2] =	stream.linear.scatter [tilespmem:s28], [sflag:$0x1], $0x80, $0x38;
	[tilespmem:$0x9000] =	vst v63  }
0x205: {  	s31 =	sadd.s32 $0x960, s13;
	s30 =	sor.u32 $0x1800, s14  }
0x206: {  	[hbm4b:s31+s2] =	stream.linear.scatter [tilespmem:s30], [sflag:$0x1], $0x80, $0x38;
	[tilespmem:$0x9000] =	vst v63  }
0x207: {  	s18 =	sadd.s32 $0x9E0, s13;
	s17 =	sor.u32 $0x1C00, s14  }
0x208: {  	[hbm4b:s18+s2] =	stream.linear.scatter [tilespmem:s17], [sflag:$0x1], $0x80, $0x38;
	[tilespmem:$0x9000] =	vst v63  }
0x209: {  	s20 =	sadd.s32 $0xA60, s13;
	s19 =	sor.u32 $0x2000, s14  }
0x20a: {  	[hbm4b:s20+s2] =	stream.linear.scatter [tilespmem:s19], [sflag:$0x1], $0x80, $0x38;
	[tilespmem:$0x9000] =	vst v63  }
0x20b: {  	s22 =	sadd.s32 $0xAE0, s13;
	s21 =	sor.u32 $0x2400, s14  }
0x20c: {  	[hbm4b:s22+s2] =	stream.linear.scatter [tilespmem:s21], [sflag:$0x1], $0x80, $0x38;
	[tilespmem:$0x9000] =	vst v63  }
0x20d: {  	s24 =	sadd.s32 $0xB60, s13;
	s23 =	sor.u32 $0x2800, s14  }
0x20e: {  	[hbm4b:s24+s2] =	stream.linear.scatter [tilespmem:s23], [sflag:$0x1], $0x80, $0x38;
	[tilespmem:$0x9000] =	vst v63  }
0x20f: {  	s25 =	sor.u32 $0x2C00, s14;
	s26 =	sadd.s32 $0xBE0, s13  }
0x210: {  	(v2sf) =	vpush v0, $0xF;
	[hbm4b:s26+s2] =	stream.linear.scatter [tilespmem:s25], [sflag:$0x1], $0x80, $0x38;
	[tilespmem:$0x9000] =	vst v63  }
0x211: {  	s28 =	sor.u32 $0x3000, s14;
	s29 =	sadd.s32 $0xC60, s13  }
0x212: {  	[hbm4b:s29+s2] =	stream.linear.scatter [tilespmem:s28], [sflag:$0x1], $0x80, $0x38;
	[tilespmem:$0x9000] =	vst v63  }
0x213: {  	s30 =	sor.u32 $0x3400, s14;
	s31 =	sadd.s32 $0xCE0, s13  }
0x214: {  	[hbm4b:s31+s2] =	stream.linear.scatter [tilespmem:s30], [sflag:$0x1], $0x80, $0x38;
	[tilespmem:$0x9000] =	vst v63  }
0x215: {  	s16 =	sor.u32 $0x3800, s14;
	s17 =	sadd.s32 $0xD60, s13  }
0x216: {  	[hbm4b:s17+s2] =	stream.linear.scatter [tilespmem:s16], [sflag:$0x1], $0x80, $0x38;
	[tilespmem:$0x9000] =	vst v63  }
0x217: {  	s18 =	sor.u32 $0x3C00, s14;
	s19 =	sadd.s32 $0xDE0, s13  }
0x218: {  	[hbm4b:s19+s2] =	stream.linear.scatter [tilespmem:s18], [sflag:$0x1], $0x80, $0x38;
	[tilespmem:$0x9000] =	vst v63  }
0x219: {  	s20 =	sadd.s32 $0x4000, s14;
	s21 =	sadd.s32 $0xE60, s13  }
0x21a: {  	[hbm4b:s21+s2] =	stream.linear.scatter [tilespmem:s20], [sflag:$0x1], $0x80, $0x38;
	[tilespmem:$0x9000] =	vst v63  }
0x21b: {  	s22 =	sadd.s32 $0x4400, s14;
	s23 =	sadd.s32 $0xEE0, s13  }
0x21c: {  	[hbm4b:s23+s2] =	stream.linear.scatter [tilespmem:s22], [sflag:$0x1], $0x80, $0x38;
	[tilespmem:$0x9000] =	vst v63  }
0x21d: {  	s24 =	sadd.s32 $0x4800, s14;
	s25 =	sadd.s32 $0xF60, s13  }
0x21e: {  	[hbm4b:s25+s2] =	stream.linear.scatter [tilespmem:s24], [sflag:$0x1], $0x80, $0x38;
	[tilespmem:$0x9000] =	vst v63  }
0x21f: {  	s14 =	sadd.s32 $0x4C00, s14;
	s26 =	sadd.s32 $0xFE0, s13;
	s28 =	spop (v2sf)  }
0x220: {  	[hbm4b:s26+s2] =	stream.linear.scatter [tilespmem:s14], [sflag:$0x1], $0x80, $0x38;
	[tilespmem:$0x9000] =	vst v63  }
0x221: {  	s29 =	sshll.u32 s28, $0xB;
	s14 =	sshll.u32 s28, $0x7  }
0x222: {  	s15 =	sand.u32 $0xFFFFC000, s29;
	s14 =	sand.u32 $0x380, s14  }
0x223: {  	s14 =	sor.u32 s14, s15  }
0x224: {  	s30 =	sadd.s32 $0x870, s13;
	s31 =	sor.u32 $0x1000, s14  }
0x225: {  	[hbm4b:s30+s2] =	stream.linear.scatter [tilespmem:s31], [sflag:$0x1], $0x80, $0x38;
	[tilespmem:$0x9000] =	vst v63  }
0x226: {  	s18 =	sadd.s32 $0x8F0, s13;
	s17 =	sor.u32 $0x1400, s14  }
0x227: {  	[hbm4b:s18+s2] =	stream.linear.scatter [tilespmem:s17], [sflag:$0x1], $0x80, $0x38;
	[tilespmem:$0x9000] =	vst v63  }
0x228: {  	s20 =	sadd.s32 $0x970, s13;
	s19 =	sor.u32 $0x1800, s14  }
0x229: {  	[hbm4b:s20+s2] =	stream.linear.scatter [tilespmem:s19], [sflag:$0x1], $0x80, $0x38;
	[tilespmem:$0x9000] =	vst v63  }
0x22a: {  	s22 =	sadd.s32 $0x9F0, s13;
	s21 =	sor.u32 $0x1C00, s14  }
0x22b: {  	[hbm4b:s22+s2] =	stream.linear.scatter [tilespmem:s21], [sflag:$0x1], $0x80, $0x38;
	[tilespmem:$0x9000] =	vst v63  }
0x22c: {  	s24 =	sadd.s32 $0xA70, s13;
	s23 =	sor.u32 $0x2000, s14  }
0x22d: {  	[hbm4b:s24+s2] =	stream.linear.scatter [tilespmem:s23], [sflag:$0x1], $0x80, $0x38;
	[tilespmem:$0x9000] =	vst v63  }
0x22e: {  	s26 =	sadd.s32 $0xAF0, s13;
	s25 =	sor.u32 $0x2400, s14  }
0x22f: {  	[hbm4b:s26+s2] =	stream.linear.scatter [tilespmem:s25], [sflag:$0x1], $0x80, $0x38;
	[tilespmem:$0x9000] =	vst v63  }
0x230: {  	s29 =	sadd.s32 $0xB70, s13;
	s28 =	sor.u32 $0x2800, s14  }
0x231: {  	[hbm4b:s29+s2] =	stream.linear.scatter [tilespmem:s28], [sflag:$0x1], $0x80, $0x38;
	[tilespmem:$0x9000] =	vst v63  }
0x232: {  	s30 =	sor.u32 $0x2C00, s14;
	s31 =	sadd.s32 $0xBF0, s13  }
0x233: {  	[hbm4b:s31+s2] =	stream.linear.scatter [tilespmem:s30], [sflag:$0x1], $0x80, $0x38;
	[tilespmem:$0x9000] =	vst v63  }
0x234: {  	s17 =	sor.u32 $0x3000, s14;
	s18 =	sadd.s32 $0xC70, s13  }
0x235: {  	[hbm4b:s18+s2] =	stream.linear.scatter [tilespmem:s17], [sflag:$0x1], $0x80, $0x38;
	[tilespmem:$0x9000] =	vst v63  }
0x236: {  	s19 =	sor.u32 $0x3400, s14;
	s20 =	sadd.s32 $0xCF0, s13  }
0x237: {  	[hbm4b:s20+s2] =	stream.linear.scatter [tilespmem:s19], [sflag:$0x1], $0x80, $0x38;
	[tilespmem:$0x9000] =	vst v63  }
0x238: {  	s21 =	sor.u32 $0x3800, s14;
	s22 =	sadd.s32 $0xD70, s13  }
0x239: {  	[hbm4b:s22+s2] =	stream.linear.scatter [tilespmem:s21], [sflag:$0x1], $0x80, $0x38;
	[tilespmem:$0x9000] =	vst v63  }
0x23a: {  	s23 =	sor.u32 $0x3C00, s14;
	s24 =	sadd.s32 $0xDF0, s13  }
0x23b: {  	[hbm4b:s24+s2] =	stream.linear.scatter [tilespmem:s23], [sflag:$0x1], $0x80, $0x38;
	[tilespmem:$0x9000] =	vst v63  }
0x23c: {  	s25 =	sadd.s32 $0x4000, s14;
	s26 =	sadd.s32 $0xE70, s13  }
0x23d: {  	[hbm4b:s26+s2] =	stream.linear.scatter [tilespmem:s25], [sflag:$0x1], $0x80, $0x38;
	[tilespmem:$0x9000] =	vst v63  }
0x23e: {  	s28 =	sadd.s32 $0x4400, s14;
	s29 =	sadd.s32 $0xEF0, s13  }
0x23f: {  	[hbm4b:s29+s2] =	stream.linear.scatter [tilespmem:s28], [sflag:$0x1], $0x80, $0x38;
	[tilespmem:$0x9000] =	vst v63  }
0x240: {  	s30 =	sadd.s32 $0x4800, s14;
	s31 =	sadd.s32 $0xF70, s13  }
0x241: {  	[hbm4b:s31+s2] =	stream.linear.scatter [tilespmem:s30], [sflag:$0x1], $0x80, $0x38;
	[tilespmem:$0x9000] =	vst v63  }
0x242: {  	p0 =	slt.u32 s12, $0x3;
	s14 =	sadd.s32 $0x4C00, s14;
	s13 =	sadd.s32 $0xFF0, s13  }
0x243: {  	[hbm4b:s13+s2] =	stream.linear.scatter [tilespmem:s14], [sflag:$0x1], $0x80, $0x38;
	[tilespmem:$0x9000] =	vst v63  }
0x244: {  	s13 =	simm.s32 @!p0 $0x1  }
0x245: {  	_ =	swait.ge @!p0 [sflag:s13], $0x800  }
0x246: {  	[sflag:s13] =	ssyncset.done @!p0 $0x0  }
0x247: {  	[sflag:s13] =	ssyncadd.s32 @!p0 $0xFFFFF800  }
0x248: {  	_ =	swait.ge @!p0 [sflag:s13], $0x800  }
0x249: {  	[sflag:s13] =	ssyncset.done @!p0 $0x0  }
0x24a: {  	[sflag:s13] =	ssyncadd.s32 @!p0 $0xFFFFF800  }
0x24b: {  	_ =	swait.ge @!p0 [sflag:s13], $0x800  }
0x24c: {  	[sflag:s13] =	ssyncset.done @!p0 $0x0  }
0x24d: {  	[sflag:s13] =	ssyncadd.s32 @!p0 $0xFFFFF800  }
0x24e: {  	_ =	swait.ge @!p0 [sflag:s13], $0x800  }
0x24f: {  	[sflag:s13] =	ssyncset.done @!p0 $0x0  }
0x250: {  	[sflag:s13] =	ssyncadd.s32 @!p0 $0xFFFFF800  }
0x251: {  	_ =	swait.ge @!p0 [sflag:s13], $0x800  }
0x252: {  	[sflag:s13] =	ssyncset.done @!p0 $0x0  }
0x253: {  	[sflag:s13] =	ssyncadd.s32 @!p0 $0xFFFFF800  }
0x254: {  	_ =	swait.ge @!p0 [sflag:s13], $0x800  }
0x255: {  	[sflag:s13] =	ssyncset.done @!p0 $0x0  }
0x256: {  	[sflag:s13] =	ssyncadd.s32 @!p0 $0xFFFFF800  }
0x257: {  	_ =	swait.ge @!p0 [sflag:s13], $0x800  }
0x258: {  	[sflag:s13] =	ssyncset.done @!p0 $0x0  }
0x259: {  	[sflag:s13] =	ssyncadd.s32 @!p0 $0xFFFFF800  }
0x25a: {  	_ =	swait.ge @!p0 [sflag:s13], $0x800  }
0x25b: {  	[sflag:s13] =	ssyncset.done @!p0 $0x0  }
0x25c: {  	[sflag:s13] =	ssyncadd.s32 @!p0 $0xFFFFF800  }
0x25d: {  	_ =	swait.ge @!p0 [sflag:s13], $0x800  }
0x25e: {  	[sflag:s13] =	ssyncset.done @!p0 $0x0  }
0x25f: {  	[sflag:s13] =	ssyncadd.s32 @!p0 $0xFFFFF800  }
0x260: {  	_ =	swait.ge @!p0 [sflag:s13], $0x800  }
0x261: {  	[sflag:s13] =	ssyncset.done @!p0 $0x0  }
0x262: {  	[sflag:s13] =	ssyncadd.s32 @!p0 $0xFFFFF800  }
0x263: {  	_ =	swait.ge @!p0 [sflag:s13], $0x800  }
0x264: {  	[sflag:s13] =	ssyncset.done @!p0 $0x0  }
0x265: {  	[sflag:s13] =	ssyncadd.s32 @!p0 $0xFFFFF800  }
0x266: {  	_ =	swait.ge @!p0 [sflag:s13], $0x800  }
0x267: {  	[sflag:s13] =	ssyncset.done @!p0 $0x0  }
0x268: {  	[sflag:s13] =	ssyncadd.s32 @!p0 $0xFFFFF800  }
0x269: {  	_ =	swait.ge @!p0 [sflag:s13], $0x800  }
0x26a: {  	[sflag:s13] =	ssyncset.done @!p0 $0x0  }
0x26b: {  	[sflag:s13] =	ssyncadd.s32 @!p0 $0xFFFFF800  }
0x26c: {  	_ =	swait.ge @!p0 [sflag:s13], $0x800  }
0x26d: {  	[sflag:s13] =	ssyncset.done @!p0 $0x0  }
0x26e: {  	s11 =	sadd.s32 $0x1000, s11;
	[sflag:s13] =	ssyncadd.s32 @!p0 $0xFFFFF800  }
0x26f: {  	p1 =	sne.s32 s11, $0x20000;
	_ =	swait.ge @!p0 [sflag:s13], $0x800  }
.Ltmp0:
0x270: {  	[sflag:s13] =	ssyncset.done @!p0 $0x0;
	(pc) =	sbr.rel @p1 .LBB2_2-.Ltmp0, $4  }
0x271: {  	[sflag:s13] =	ssyncadd.s32 @!p0 $0xFFFFF800  }
0x272: {  	_ =	swait.ge @!p0 [sflag:s13], $0x800  }
0x273: {  	[sflag:s13] =	ssyncset.done @!p0 $0x0  }
0x274: {  	s12 =	sadd.s32 $0x1, s12;
	s10 =	sadd.s32 $0x80, s10;
	[sflag:s13] =	ssyncadd.s32 @!p0 $0xFFFFF800  }
0x275: {  	_ =	swait.ge [sflag:s8], $0x800  }
0x276: {  	[sflag:s8] =	ssyncset.done $0x0  }
0x277: {  	[sflag:s8] =	ssyncadd.s32 $0xFFFFF800  }
0x278: {  	_ =	swait.ge [sflag:s8], $0x800  }
0x279: {  	[sflag:s8] =	ssyncset.done $0x0  }
0x27a: {  	[sflag:s8] =	ssyncadd.s32 $0xFFFFF800  }
0x27b: {  	_ =	swait.ge [sflag:s8], $0x800  }
0x27c: {  	[sflag:s8] =	ssyncset.done $0x0  }
0x27d: {  	[sflag:s8] =	ssyncadd.s32 $0xFFFFF800  }
0x27e: {  	_ =	swait.ge [sflag:s8], $0x800  }
0x27f: {  	[sflag:s8] =	ssyncset.done $0x0  }
0x280: {  	[sflag:s8] =	ssyncadd.s32 $0xFFFFF800  }
0x281: {  	_ =	swait.ge [sflag:s8], $0x800  }
0x282: {  	[sflag:s8] =	ssyncset.done $0x0  }
0x283: {  	[sflag:s8] =	ssyncadd.s32 $0xFFFFF800  }
0x284: {  	_ =	swait.ge [sflag:s8], $0x800  }
0x285: {  	[sflag:s8] =	ssyncset.done $0x0  }
0x286: {  	[sflag:s8] =	ssyncadd.s32 $0xFFFFF800  }
0x287: {  	_ =	swait.ge [sflag:s8], $0x800  }
0x288: {  	[sflag:s8] =	ssyncset.done $0x0  }
0x289: {  	[sflag:s8] =	ssyncadd.s32 $0xFFFFF800  }
0x28a: {  	_ =	swait.ge [sflag:s8], $0x800  }
0x28b: {  	[sflag:s8] =	ssyncset.done $0x0  }
0x28c: {  	[sflag:s8] =	ssyncadd.s32 $0xFFFFF800  }
0x28d: {  	_ =	swait.ge [sflag:s8], $0x800  }
0x28e: {  	[sflag:s8] =	ssyncset.done $0x0  }
0x28f: {  	[sflag:s8] =	ssyncadd.s32 $0xFFFFF800  }
0x290: {  	_ =	swait.ge [sflag:s8], $0x800  }
0x291: {  	[sflag:s8] =	ssyncset.done $0x0  }
0x292: {  	[sflag:s8] =	ssyncadd.s32 $0xFFFFF800  }
0x293: {  	_ =	swait.ge [sflag:s8], $0x800  }
0x294: {  	[sflag:s8] =	ssyncset.done $0x0  }
0x295: {  	[sflag:s8] =	ssyncadd.s32 $0xFFFFF800  }
0x296: {  	_ =	swait.ge [sflag:s8], $0x800  }
0x297: {  	[sflag:s8] =	ssyncset.done $0x0  }
0x298: {  	[sflag:s8] =	ssyncadd.s32 $0xFFFFF800  }
0x299: {  	_ =	swait.ge [sflag:s8], $0x800  }
0x29a: {  	[sflag:s8] =	ssyncset.done $0x0  }
0x29b: {  	[sflag:s8] =	ssyncadd.s32 $0xFFFFF800  }
0x29c: {  	_ =	swait.ge [sflag:s8], $0x800  }
0x29d: {  	[sflag:s8] =	ssyncset.done $0x0  }
0x29e: {  	[sflag:s8] =	ssyncadd.s32 $0xFFFFF800  }
0x29f: {  	_ =	swait.ge [sflag:s8], $0x800  }
0x2a0: {  	[sflag:s8] =	ssyncset.done $0x0  }
0x2a1: {  	[sflag:s8] =	ssyncadd.s32 $0xFFFFF800  }
0x2a2: {  	_ =	swait.ge [sflag:s8], $0x800  }
0x2a3: {  	[sflag:s8] =	ssyncset.done $0x0  }
0x2a4: {  	[sflag:s8] =	ssyncadd.s32 $0xFFFFF800  }
0x2a5: {  	_ =	swait.ge [sflag:s8], $0x800  }
0x2a6: {  	[sflag:s8] =	ssyncset.done $0x0  }
0x2a7: {  	[sflag:s8] =	ssyncadd.s32 $0xFFFFF800  }
0x2a8: {  	_ =	swait.ge [sflag:s8], $0x800  }
0x2a9: {  	[sflag:s8] =	ssyncset.done $0x0  }
0x2aa: {  	[sflag:s8] =	ssyncadd.s32 $0xFFFFF800  }
0x2ab: {  	_ =	swait.ge [sflag:s8], $0x800  }
0x2ac: {  	[sflag:s8] =	ssyncset.done $0x0  }
0x2ad: {  	[sflag:s8] =	ssyncadd.s32 $0xFFFFF800  }
0x2ae: {  	_ =	swait.ge [sflag:s8], $0x800  }
0x2af: {  	[sflag:s8] =	ssyncset.done $0x0  }
0x2b0: {  	[sflag:s8] =	ssyncadd.s32 $0xFFFFF800  }
0x2b1: {  	_ =	swait.ge [sflag:s8], $0x800  }
0x2b2: {  	[sflag:s8] =	ssyncset.done $0x0  }
0x2b3: {  	[sflag:s8] =	ssyncadd.s32 $0xFFFFF800  }
0x2b4: {  	_ =	swait.ge [sflag:s8], $0x800  }
0x2b5: {  	[sflag:s8] =	ssyncset.done $0x0  }
0x2b6: {  	[sflag:s8] =	ssyncadd.s32 $0xFFFFF800  }
0x2b7: {  	_ =	swait.ge [sflag:s8], $0x800  }
0x2b8: {  	[sflag:s8] =	ssyncset.done $0x0  }
0x2b9: {  	[sflag:s8] =	ssyncadd.s32 $0xFFFFF800  }
0x2ba: {  	_ =	swait.ge [sflag:s8], $0x800  }
0x2bb: {  	[sflag:s8] =	ssyncset.done $0x0  }
0x2bc: {  	[sflag:s8] =	ssyncadd.s32 $0xFFFFF800  }
0x2bd: {  	_ =	swait.ge [sflag:s8], $0x800  }
0x2be: {  	[sflag:s8] =	ssyncset.done $0x0  }
0x2bf: {  	[sflag:s8] =	ssyncadd.s32 $0xFFFFF800  }
0x2c0: {  	_ =	swait.ge [sflag:s8], $0x800  }
0x2c1: {  	[sflag:s8] =	ssyncset.done $0x0  }
0x2c2: {  	[sflag:s8] =	ssyncadd.s32 $0xFFFFF800  }
0x2c3: {  	_ =	swait.ge [sflag:s8], $0x800  }
0x2c4: {  	[sflag:s8] =	ssyncset.done $0x0  }
0x2c5: {  	[sflag:s8] =	ssyncadd.s32 $0xFFFFF800  }
0x2c6: {  	_ =	swait.ge [sflag:s8], $0x800  }
0x2c7: {  	[sflag:s8] =	ssyncset.done $0x0  }
0x2c8: {  	[sflag:s8] =	ssyncadd.s32 $0xFFFFF800  }
0x2c9: {  	_ =	swait.ge [sflag:s8], $0x800  }
0x2ca: {  	[sflag:s8] =	ssyncset.done $0x0  }
0x2cb: {  	[sflag:s8] =	ssyncadd.s32 $0xFFFFF800  }
0x2cc: {  	_ =	swait.ge [sflag:s8], $0x800  }
0x2cd: {  	[sflag:s8] =	ssyncset.done $0x0  }
0x2ce: {  	[sflag:s8] =	ssyncadd.s32 $0xFFFFF800  }
0x2cf: {  	_ =	swait.ge [sflag:s8], $0x800  }
0x2d0: {  	[sflag:s8] =	ssyncset.done $0x0  }
0x2d1: {  	[sflag:s8] =	ssyncadd.s32 $0xFFFFF800  }
0x2d2: {  	_ =	swait.ge [sflag:s8], $0x800  }
0x2d3: {  	[sflag:s8] =	ssyncset.done $0x0  }
0x2d4: {  	[sflag:s8] =	ssyncadd.s32 $0xFFFFF800  }
0x2d5: {  	_ =	swait.ge [sflag:s8], $0x800  }
0x2d6: {  	[sflag:s8] =	ssyncset.done $0x0  }
0x2d7: {  	[sflag:s8] =	ssyncadd.s32 $0xFFFFF800  }
0x2d8: {  	_ =	swait.ge [sflag:s8], $0x800  }
0x2d9: {  	[sflag:s8] =	ssyncset.done $0x0  }
0x2da: {  	[sflag:s8] =	ssyncadd.s32 $0xFFFFF800  }
0x2db: {  	_ =	swait.ge [sflag:s8], $0x800  }
0x2dc: {  	[sflag:s8] =	ssyncset.done $0x0  }
0x2dd: {  	[sflag:s8] =	ssyncadd.s32 $0xFFFFF800  }
0x2de: {  	_ =	swait.ge [sflag:s8], $0x800  }
0x2df: {  	[sflag:s8] =	ssyncset.done $0x0  }
0x2e0: {  	[sflag:s8] =	ssyncadd.s32 $0xFFFFF800  }
0x2e1: {  	_ =	swait.ge [sflag:s8], $0x800  }
0x2e2: {  	[sflag:s8] =	ssyncset.done $0x0  }
0x2e3: {  	[sflag:s8] =	ssyncadd.s32 $0xFFFFF800  }
0x2e4: {  	_ =	swait.ge [sflag:s8], $0x800  }
0x2e5: {  	[sflag:s8] =	ssyncset.done $0x0  }
0x2e6: {  	[sflag:s8] =	ssyncadd.s32 $0xFFFFF800  }
0x2e7: {  	_ =	swait.ge [sflag:s8], $0x800  }
0x2e8: {  	[sflag:s8] =	ssyncset.done $0x0  }
0x2e9: {  	[sflag:s8] =	ssyncadd.s32 $0xFFFFF800  }
0x2ea: {  	_ =	swait.ge [sflag:s8], $0x800  }
0x2eb: {  	[sflag:s8] =	ssyncset.done $0x0  }
0x2ec: {  	[sflag:s8] =	ssyncadd.s32 $0xFFFFF800  }
0x2ed: {  	_ =	swait.ge [sflag:s8], $0x800  }
0x2ee: {  	[sflag:s8] =	ssyncset.done $0x0  }
0x2ef: {  	[sflag:s8] =	ssyncadd.s32 $0xFFFFF800  }
0x2f0: {  	_ =	swait.ge [sflag:s8], $0x800  }
0x2f1: {  	[sflag:s8] =	ssyncset.done $0x0  }
0x2f2: {  	[sflag:s8] =	ssyncadd.s32 $0xFFFFF800  }
0x2f3: {  	_ =	swait.ge [sflag:s8], $0x800  }
0x2f4: {  	[sflag:s8] =	ssyncset.done $0x0  }
0x2f5: {  	[sflag:s8] =	ssyncadd.s32 $0xFFFFF800  }
0x2f6: {  	_ =	swait.ge [sflag:s8], $0x800  }
0x2f7: {  	[sflag:s8] =	ssyncset.done $0x0  }
0x2f8: {  	[sflag:s8] =	ssyncadd.s32 $0xFFFFF800  }
0x2f9: {  	_ =	swait.ge [sflag:s8], $0x800  }
0x2fa: {  	[sflag:s8] =	ssyncset.done $0x0  }
0x2fb: {  	[sflag:s8] =	ssyncadd.s32 $0xFFFFF800  }
0x2fc: {  	_ =	swait.ge [sflag:s8], $0x800  }
0x2fd: {  	[sflag:s8] =	ssyncset.done $0x0  }
0x2fe: {  	s9 =	sadd.s32 $0x1, s9;
	[sflag:s8] =	ssyncadd.s32 $0xFFFFF800  }
0x2ff: {  	p0 =	sne.s32 s9, s5;
	_ =	swait.ge [sflag:s8], $0x800  }
.Ltmp1:
0x300: {  	[sflag:s8] =	ssyncset.done $0x0;
	(pc) =	sbr.rel @p0 .LBB2_1-.Ltmp1, $4  }
0x301: {  	[sflag:s8] =	ssyncadd.s32 $0xFFFFF800  }
0x302: {  	_ =	swait.ge [sflag:s8], $0x800  }
0x303: {  	[sflag:s8] =	ssyncset.done $0x0  }
0x304: {  	[sflag:s8] =	ssyncadd.s32 $0xFFFFF800  }
0x305: {  	_ =	sfence.sel $0x180000  }
0x306: {  	[bflag:$0x0] =	sbarrier.arrive $0xFFFF  }
0x307: {  	p0 =	sne.s32 s1, $0x0;
	_ =	strace $0x90000047  }
0x308: {  	s0 =	sadd.s32 @!p0 $0x100000, s0;
	[bflag:$0x2] =	sbarrier.arrive $0xFFFF  }
0x309: {  	[sflag:s0] =	ssyncadd.tile.s32 @!p0 $0x1;
	_ =	shalt  }
.Lfunc_end2:
_tile_overlayer_lowered:
.L_overlay_start_2:
0x30a: {  	(tag) =	ssettag $0x2  }
0x30b: {  	s0 =	rddreg [dreg:$0x0];
	s2 =	stileid.u32  }
0x30c: {  	s1 =	rddreg [dreg:$0x1];
	p0 =	sne.s32 s2, $0x0  }
0x30d: {  	s3 =	rddreg [dreg:$0x2];
	[bflag:$0x3] =	sbarrier.arrive $0xFFFF;
	s2 =	simm.s32 @!p0 $0x1C02  }
0x30e: {  	[timem:s3], [sflag:s2] =	dma.local @!p0 [hbm:s0], s1  }
0x30f: {  	s0 =	simm.s32 @!p0 $0x2  }
0x310: {  	_ =	swait.ge @!p0 [sflag:s0], s1  }
0x311: {  	s1 =	ssub.s32 @!p0 $0x0, s1;
	[sflag:s0] =	ssyncset.done @!p0 $0x0  }
0x312: {  	[sflag:s0] =	ssyncadd.s32 @!p0 s1  }
0x313: {  	[bflag:$0x3] =	sbarrier.arrive $0xFFFF  }
0x314: {  	_ =	shalt  }

</sc_bundles>
